<compile_context>
chip_gen: v7x
topology: tpu7x:2x2x1
jax: 0.10.2.dev20260603
libtpu: 0.0.44.dev20260713+nightly
codegen_flags: <defaults>
</compile_context>

<pallas_src>
import functools
import jax
import jax.numpy as jnp
from jax import lax
from jax.experimental import pallas as pl
from jax.experimental.pallas import tpu as pltpu
from jax.experimental.pallas import tpu_sc as plsc

N = 100000
E = 1600000
C = 5
RADIUS = 0.05
ACC_SCALE = 0.4
MAX_VEL = 0.1

NC = 2
NS = 16
NW = NC * NS
EPW = E // NW
ROWS_PER_TILE = 6272
N_PAD = NS * ROWS_PER_TILE
CHUNK = 2000
NCHUNK = EPW // CHUNK
SUB = 125
NSUB = CHUNK // SUB
GROUPS = CHUNK // 16


def _y_body(x_ref, w_ref, y_ref):
    y_ref[...] = jnp.dot(x_ref[...], w_ref[...],
                         preferred_element_type=jnp.float32)


def _compute_y(x, wcat):
    blk = 4000
    grid = N // blk
    return pl.pallas_call(
        _y_body,
        grid=(grid,),
        in_specs=[
            pl.BlockSpec((blk, C), lambda i: (i, 0)),
            pl.BlockSpec((C, 16), lambda i: (0, 0)),
        ],
        out_specs=pl.BlockSpec((blk, 16), lambda i: (i, 0)),
        out_shape=jax.ShapeDtypeStruct((N, 16), jnp.float32),
    )(x, wcat)


def _edge_body(y_hbm, src_hbm, dst_hbm, d_hbm, c_hbm, w1_hbm, z_hbm,
               part_hbm, acc_sp, y_v, msg_v, cnt_v, si_v, di_v, d_v, c_v,
               w_v, sem):
    cid = lax.axis_index("c")
    sid = lax.axis_index("s")
    wid = cid * NS + sid

    pltpu.sync_copy(z_hbm, acc_sp.at[pl.ds(sid * ROWS_PER_TILE, ROWS_PER_TILE)])
    pltpu.sync_copy(z_hbm.at[pl.ds(0, CHUNK)], msg_v)
    pltpu.sync_copy(z_hbm.at[pl.ds(0, CHUNK)], cnt_v)
    pltpu.sync_copy(w1_hbm, w_v)
    wvec = w_v[...]
    w00 = wvec[0]
    w01 = wvec[1]
    b10 = wvec[2]
    w10 = wvec[3]
    w11 = wvec[4]
    b11 = wvec[5]
    iota16 = lax.iota(jnp.int32, 16)
    plsc.subcore_barrier()

    def chunk_body(k, carry):
        rowbase = wid * (EPW // SUB) + k * NSUB
        ebase = wid * EPW + k * CHUNK
        loads = [
            pltpu.async_copy(src_hbm.at[pl.ds(rowbase, NSUB)], si_v, sem),
            pltpu.async_copy(dst_hbm.at[pl.ds(rowbase, NSUB)], di_v, sem),
            pltpu.async_copy(d_hbm.at[pl.ds(ebase, CHUNK)], d_v, sem),
            pltpu.async_copy(c_hbm.at[pl.ds(ebase, CHUNK)], c_v, sem),
        ]
        for dsc in loads:
            dsc.wait()
        descs = [
            pltpu.async_copy(y_hbm.at[si_v.at[j]],
                             y_v.at[pl.ds(j * SUB, SUB)], sem)
            for j in range(NSUB)
        ]
        for dsc in descs:
            dsc.wait()

        def grp(g, c2):
            dd = d_v[pl.ds(g * 16, 16)]
            cc = c_v[pl.ds(g * 16, 16)]
            rows = g * 16 + iota16
            h0 = jnp.maximum(w00 * dd + w01 * cc + b10, 0.0)
            h1 = jnp.maximum(w10 * dd + w11 * cc + b11, 0.0)
            for o in range(C):
                co = jnp.full((16,), o, jnp.int32)
                a0 = plsc.load_gather(y_v, [rows, co])
                a1 = plsc.load_gather(y_v, [rows, co + 5])
                a2 = plsc.load_gather(y_v, [rows, co + 10])
                m = a0 + h0 * a1 + h1 * a2
                plsc.store_scatter(msg_v, [rows, co], m)
            cell = jnp.where(cc == 1.0, 1.0, 0.0)
            close = jnp.where(dd < RADIUS, 1.0, 0.0)
            plsc.store_scatter(cnt_v, [rows, jnp.full((16,), 5, jnp.int32)],
                               cell)
            plsc.store_scatter(cnt_v, [rows, jnp.full((16,), 6, jnp.int32)],
                               close)
            return c2

        lax.fori_loop(0, GROUPS, grp, 0)
        scats = []
        for j in range(NSUB):
            scats.append(pltpu.async_copy(
                msg_v.at[pl.ds(j * SUB, SUB)], acc_sp.at[di_v.at[j]],
                sem, add=True))
            scats.append(pltpu.async_copy(
                cnt_v.at[pl.ds(j * SUB, SUB)], acc_sp.at[si_v.at[j]],
                sem, add=True))
        for dsc in scats:
            dsc.wait()
        return carry

    lax.fori_loop(0, NCHUNK, chunk_body, 0)
    plsc.subcore_barrier()
    pltpu.sync_copy(
        acc_sp.at[pl.ds(sid * ROWS_PER_TILE, ROWS_PER_TILE)],
        part_hbm.at[cid].at[pl.ds(sid * ROWS_PER_TILE, ROWS_PER_TILE)])


def _edge_phase(y, srcm, dstm, d, c, w1p, zeros):
    mesh = plsc.VectorSubcoreMesh(core_axis_name="c", subcore_axis_name="s")
    kb = pl.kernel(
        _edge_body,
        out_type=jax.ShapeDtypeStruct((NC, N_PAD, 8), jnp.float32),
        mesh=mesh,
        scratch_types=[
            pltpu.VMEM_SHARED((N_PAD, 8), jnp.float32),
            pltpu.VMEM((CHUNK, 16), jnp.float32),
            pltpu.VMEM((CHUNK, 8), jnp.float32),
            pltpu.VMEM((CHUNK, 8), jnp.float32),
            pltpu.VMEM((NSUB, SUB), jnp.int32),
            pltpu.VMEM((NSUB, SUB), jnp.int32),
            pltpu.VMEM((CHUNK,), jnp.float32),
            pltpu.VMEM((CHUNK,), jnp.float32),
            pltpu.VMEM((16,), jnp.float32),
            pltpu.SemaphoreType.DMA,
        ],
        compiler_params=pltpu.CompilerParams(needs_layout_passes=False,
                                             use_tc_tiling_on_sc=False),
    )
    return kb(y, srcm, dstm, d, c, w1p, zeros)


def _node_body(x_ref, p0_ref, p1_ref, rbd_ref, biast_ref, m1bd_ref, m1bt_ref,
               m3bd_ref, m3bt_ref, sbd_ref, pbd_ref,
               newx_ref, border_ref, food_ref, dead_ref):
    i = pl.program_id(0)
    xp = x_ref[...]
    ap = p0_ref[...] + p1_ref[...]
    lane = lax.broadcasted_iota(jnp.int32, xp.shape, 1) % 8
    conv = (jnp.dot(xp, rbd_ref[...], preferred_element_type=jnp.float32)
            + jnp.where(lane < C, ap, 0.0) + biast_ref[...])
    hh = jnp.maximum(
        jnp.dot(conv, m1bd_ref[...], preferred_element_type=jnp.float32)
        + m1bt_ref[...], 0.0)
    out2 = (jnp.dot(hh, m3bd_ref[...], preferred_element_type=jnp.float32)
            + m3bt_ref[...])
    x4b = jnp.dot(xp, sbd_ref[...], preferred_element_type=jnp.float32)
    fm = (x4b == 1.0)
    accp = out2 * ACC_SCALE * jnp.where(fm, 1.0, 0.0)
    velp = jnp.where((lane == 2) | (lane == 3),
                     jnp.clip(xp + accp, -MAX_VEL, MAX_VEL), 0.0)
    posp = jnp.where(lane < 2,
                     xp + jnp.dot(velp, pbd_ref[...],
                                  preferred_element_type=jnp.float32), 0.0)
    newx_ref[...] = posp + velp + jnp.where(lane == 4, xp, 0.0)
    eps = 1e-06
    axp = jnp.abs(posp)
    bc = jnp.sum(jnp.where((axp > 1.0) & (lane < 2), jnp.log(axp + eps), 0.0))
    dead = jnp.sum(jnp.where(fm & (ap < 1.0) & (lane == 5), 1.0, 0.0))
    food = jnp.sum(jnp.where((x4b == 0.0) & (ap >= 3.0) & (lane == 6),
                             1.0, 0.0))

    zero11 = jnp.zeros((1, 1), jnp.float32)

    @pl.when(i == 0)
    def _():
        border_ref[...] = zero11
        food_ref[...] = zero11
        dead_ref[...] = zero11

    border_ref[...] += bc.reshape(1, 1)
    food_ref[...] += food.reshape(1, 1)
    dead_ref[...] += dead.reshape(1, 1)


PACK_ROWS = N_PAD // 16


def _node_phase(xp, p0p, p1p, rbd, biast, m1bd, m1bt, m3bd, m3bt, sbd, pbd):
    blk = 1568
    grid = PACK_ROWS // blk
    full = lambda i: (0, 0)
    wspec = pl.BlockSpec((128, 128), full)
    bspec = pl.BlockSpec((1, 128), full)
    return pl.pallas_call(
        _node_body,
        grid=(grid,),
        in_specs=[
            pl.BlockSpec((blk, 128), lambda i: (i, 0)),
            pl.BlockSpec((blk, 128), lambda i: (i, 0)),
            pl.BlockSpec((blk, 128), lambda i: (i, 0)),
            wspec, bspec, wspec, bspec, wspec, bspec, wspec, wspec,
        ],
        out_specs=[
            pl.BlockSpec((blk, 128), lambda i: (i, 0)),
            pl.BlockSpec((1, 1), full),
            pl.BlockSpec((1, 1), full),
            pl.BlockSpec((1, 1), full),
        ],
        out_shape=[
            jax.ShapeDtypeStruct((PACK_ROWS, 128), jnp.float32),
            jax.ShapeDtypeStruct((1, 1), jnp.float32),
            jax.ShapeDtypeStruct((1, 1), jnp.float32),
            jax.ShapeDtypeStruct((1, 1), jnp.float32),
        ],
    )(xp, p0p, p1p, rbd, biast, m1bd, m1bt, m3bd, m3bt, sbd, pbd)


@jax.jit
def kernel(x, edge_index, edge_attr, W1, b1, W2, b2, root, bias,
           m1w, m1b, m3w, m3b):
    src = edge_index[0].astype(jnp.int32).reshape(E // SUB, SUB)
    dst = edge_index[1].astype(jnp.int32).reshape(E // SUB, SUB)
    d = edge_attr[:, 0]
    c = edge_attr[:, 1]

    b2r = b2.reshape(C, C)
    w2r0 = W2[:, 0].reshape(C, C)
    w2r1 = W2[:, 1].reshape(C, C)
    wcat = jnp.concatenate(
        [b2r, w2r0, w2r1, jnp.zeros((C, 1), jnp.float32)], axis=1)

    w1p = jnp.zeros((16,), jnp.float32)
    w1p = w1p.at[0].set(W1[0, 0]).at[1].set(W1[0, 1]).at[2].set(b1[0])
    w1p = w1p.at[3].set(W1[1, 0]).at[4].set(W1[1, 1]).at[5].set(b1[1])

    zeros = jnp.zeros((ROWS_PER_TILE, 8), jnp.float32)

    y = _compute_y(x, wcat)
    part = _edge_phase(y, src, dst, d, c, w1p, zeros)

    eye16 = jnp.eye(16, dtype=jnp.float32)
    r8 = jnp.zeros((8, 8), jnp.float32).at[:C, :C].set(root)
    m18 = jnp.zeros((8, 8), jnp.float32).at[:C, :C].set(m1w.T)
    m38 = jnp.zeros((8, 8), jnp.float32).at[:C, 2:4].set(m3w.T)
    s8 = jnp.zeros((8, 8), jnp.float32).at[4, :].set(1.0)
    p8 = jnp.zeros((8, 8), jnp.float32).at[2, 0].set(1.0).at[3, 1].set(1.0)
    rbd = jnp.kron(eye16, r8)
    m1bd = jnp.kron(eye16, m18)
    m3bd = jnp.kron(eye16, m38)
    sbd = jnp.kron(eye16, s8)
    pbd = jnp.kron(eye16, p8)
    pad8 = lambda v: jnp.concatenate([v, jnp.zeros((3,), jnp.float32)])
    biast = jnp.tile(pad8(bias), 16).reshape(1, 128)
    m1bt = jnp.tile(pad8(m1b), 16).reshape(1, 128)
    m3bt = jnp.tile(
        jnp.zeros((8,), jnp.float32).at[2].set(m3b[0]).at[3].set(m3b[1]),
        16).reshape(1, 128)

    xpad = jnp.zeros((N_PAD, 8), jnp.float32).at[:N, :C].set(x)
    xp = xpad.reshape(PACK_ROWS, 128)
    p0p = part[0].reshape(PACK_ROWS, 128)
    p1p = part[1].reshape(PACK_ROWS, 128)

    newxp, border, food, dead = _node_phase(
        xp, p0p, p1p, rbd, biast, m1bd, m1bt, m3bd, m3bt, sbd, pbd)
    newx = newxp.reshape(N_PAD, 8)[:N, :C]
    return newx, border[0, 0], food[0, 0], dead[0, 0]

# --- scband reference (transcript-rebuilt; emitter-appended) ---
"""Pipeline reference for scband-gnca-42245298323835 (READ-ONLY COPY).

The authoritative reference and input builder live on the scoring server;
editing this copy changes nothing except your own understanding.
"""

import jax, jax.numpy as jnp
import numpy as np

N = 100000
E = 1600000
C = 5
RADIUS = 0.05
ACC_SCALE = 0.4
MAX_VEL = 0.1
CONSUME_EDGES = 3
EDGES_TO_STAY_ALIVE = 1


def setup_inputs(seed: int = 0) -> dict:
    key = jax.random.key(seed)
    ks = jax.random.split(key, 16)
    x = jax.random.normal(ks[0], (N, C), dtype=jnp.float32)
    # channel 4 is cell/food flag: mostly cells (==1), some food (==0)
    flag = (jax.random.uniform(ks[1], (N,)) > 0.2).astype(jnp.float32)
    x = x.at[:, 4].set(flag)
    edge_index = jax.random.randint(ks[2], (2, E), 0, N, dtype=jnp.int64)
    # edge_attr col0: distance-like in [0, 0.1]; col1: binary cell-edge flag
    d = jax.random.uniform(ks[3], (E,), dtype=jnp.float32) * 0.1
    cflag = (jax.random.uniform(ks[4], (E,)) > 0.5).astype(jnp.float32)
    edge_attr = jnp.stack([d, cflag], axis=1)
    # NNConv edge-network: Linear(2,2) -> ReLU -> Linear(2, C*C)
    W1 = jax.random.normal(ks[5], (2, 2), dtype=jnp.float32) * 0.5
    b1 = jnp.zeros((2,), dtype=jnp.float32)
    W2 = jax.random.normal(ks[6], (C * C, 2), dtype=jnp.float32) * 0.5
    b2 = jnp.zeros((C * C,), dtype=jnp.float32)
    # NNConv root weight + bias
    root = jax.random.normal(ks[7], (C, C), dtype=jnp.float32) * 0.3
    bias = jnp.zeros((C,), dtype=jnp.float32)
    # mlp2: Mlp(C, 2): Linear(C,C) -> relu -> Linear(C,2)
    m1w = jax.random.normal(ks[8], (C, C), dtype=jnp.float32) * 0.3
    m1b = jnp.zeros((C,), dtype=jnp.float32)
    m3w = jax.random.normal(ks[9], (2, C), dtype=jnp.float32) * 0.3
    m3b = jnp.zeros((2,), dtype=jnp.float32)
    return {"x": x, "edge_index": edge_index, "edge_attr": edge_attr,
            "W1": W1, "b1": b1, "W2": W2, "b2": b2,
            "root": root, "bias": bias,
            "m1w": m1w, "m1b": m1b, "m3w": m3w, "m3b": m3b}


def reference(x, edge_index, edge_attr, W1, b1, W2, b2, root, bias, m1w, m1b, m3w, m3b):
    src = edge_index[0]
    dst = edge_index[1]
    # NNConv: per-edge weight from edge network
    h = jnp.maximum(edge_attr @ W1.T + b1, 0.0)
    ew = (h @ W2.T + b2).reshape(-1, C, C)  # [E, in, out]
    x_j = jnp.take(x, src, axis=0)          # gather source features
    msg = jnp.einsum('ei,eio->eo', x_j, ew)
    aggr = jax.ops.segment_sum(msg, dst, num_segments=N)
    conv_out = x @ root + aggr + bias
    # mlp2
    hh = jnp.maximum(conv_out @ m1w.T + m1b, 0.0)
    out2 = hh @ m3w.T + m3b                 # [N, 2]
    # update step
    food_mask = (x[:, 4] == 1).astype(jnp.float32)
    acc = out2 * ACC_SCALE * food_mask[:, None]
    vel = jnp.clip(x[:, 2:4] + acc, -MAX_VEL, MAX_VEL)
    pos = x[:, :2] + vel
    eps = 1e-06
    maskX = (jnp.abs(pos[:, 0]) > 1).astype(jnp.float32)
    maskY = (jnp.abs(pos[:, 1]) > 1).astype(jnp.float32)
    border_cost = (jnp.log(jnp.abs(pos[:, 0]) + eps) * maskX).sum() + (jnp.log(jnp.abs(pos[:, 1]) + eps) * maskY).sum()
    # island (dead) cells: cells with < EDGES_TO_STAY_ALIVE cell-edges
    cell_edge = (edge_attr[:, 1] == 1).astype(jnp.float32)
    cell_counts = jnp.zeros((N,), dtype=jnp.float32).at[src].add(cell_edge)
    dead_mask = (x[:, 4] == 1) & (cell_counts < EDGES_TO_STAY_ALIVE)
    dead_cost = dead_mask.sum().astype(jnp.float32)
    # food consumption: food nodes with >= CONSUME_EDGES close edges
    close_edge = (edge_attr[:, 0] < RADIUS).astype(jnp.float32)
    close_counts = jnp.zeros((N,), dtype=jnp.float32).at[src].add(close_edge)
    consume_mask = (x[:, 4] == 0) & (close_counts >= CONSUME_EDGES)
    food_reward = consume_mask.sum().astype(jnp.float32)
    new_x = jnp.concatenate([pos, vel, x[:, 4:5]], axis=1)
    return new_x, border_cost, food_reward, dead_cost

if __name__ == "__main__":
    import jax
    _d = setup_inputs()
    print(jax.jit(kernel)(*tuple(_d.values())))

</pallas_src>

<mosaic_0001>
#map = affine_map<(d0, d1) -> (0, 0)>
#map1 = affine_map<(d0, d1) -> (0)>
#map2 = affine_map<(d0, d1) -> (0, 0, 0)>
module attributes {stable_mosaic.version = 14 : i64} {
  func.func @_edge_body(%arg0: i32, %arg1: i32, %arg2: memref<100000x16xf32, #tpu.memory_space<hbm>>, %arg3: memref<12800x125xi32, #tpu.memory_space<hbm>>, %arg4: memref<12800x125xi32, #tpu.memory_space<hbm>>, %arg5: memref<1600000xf32, #tpu.memory_space<hbm>>, %arg6: memref<1600000xf32, #tpu.memory_space<hbm>>, %arg7: memref<16xf32, #tpu.memory_space<hbm>>, %arg8: memref<6272x8xf32, #tpu.memory_space<hbm>>, %arg9: memref<2x100352x8xf32, #tpu.memory_space<hbm>>, %arg10: memref<100352x8xf32, #tpu.memory_space<vmem_shared>>, %arg11: memref<2000x16xf32, #tpu.memory_space<vmem>>, %arg12: memref<2000x8xf32, #tpu.memory_space<vmem>>, %arg13: memref<2000x8xf32, #tpu.memory_space<vmem>>, %arg14: memref<16x125xi32, #tpu.memory_space<vmem>>, %arg15: memref<16x125xi32, #tpu.memory_space<vmem>>, %arg16: memref<2000xf32, #tpu.memory_space<vmem>>, %arg17: memref<2000xf32, #tpu.memory_space<vmem>>, %arg18: memref<16xf32, #tpu.memory_space<vmem>>, %arg19: memref<!tpu.dma_semaphore, #tpu.memory_space<semaphore_mem>>) attributes {dimension_semantics = [#tpu.dimension_semantics<core_parallel>, #tpu.dimension_semantics<subcore_parallel>], iteration_bounds = array<i64: 2, 16>, scalar_prefetch = 0 : i64, scratch_operands = 10 : i64, tpu.core_type = #tpu.core_type<sc_vector_subcore>, window_params = [{transform_indices = #map}, {transform_indices = #map}, {transform_indices = #map}, {transform_indices = #map1}, {transform_indices = #map1}, {transform_indices = #map1}, {transform_indices = #map}, {transform_indices = #map2}]} {
    %mul3A = arith.constant 16 : i32
    %mul3A_0 = arith.muli %arg0, %mul3A : i32
    %add3A = arith.addi %mul3A_0, %arg1 : i32
    %mul3A_1 = arith.constant 6272 : i32
    %mul3A_2 = arith.muli %arg1, %mul3A_1 : i32
    "tpu.region"() ({
      %run_scoped3A = tpu.sem_alloc : memref<!tpu.dma_semaphore, #tpu.memory_space<semaphore_mem>>
      %dma_start3A = arith.constant 0 : i32
      %dma_start3A_24 = tpu.memref_slice %arg10[%mul3A_2, %dma_start3A] : memref<100352x8xf32, #tpu.memory_space<vmem_shared>> -> memref<6272x8xf32, #tpu.memory_space<vmem_shared>>
      tpu.enqueue_dma source(%arg8 : memref<6272x8xf32, #tpu.memory_space<hbm>>) target(%dma_start3A_24 : memref<6272x8xf32, #tpu.memory_space<vmem_shared>>) target_semaphore(%run_scoped3A : memref<!tpu.dma_semaphore, #tpu.memory_space<semaphore_mem>>)
      %dma_wait3A = arith.constant 0 : i32
      %dma_wait3A_25 = tpu.memref_slice %arg10[%mul3A_2, %dma_wait3A] : memref<100352x8xf32, #tpu.memory_space<vmem_shared>> -> memref<6272x8xf32, #tpu.memory_space<vmem_shared>>
      tpu.wait_dma2 semaphore(%run_scoped3A : memref<!tpu.dma_semaphore, #tpu.memory_space<semaphore_mem>>) src(%arg8 : memref<6272x8xf32, #tpu.memory_space<hbm>>) dst(%dma_wait3A_25 : memref<6272x8xf32, #tpu.memory_space<vmem_shared>>)
      tpu.yield
    }) : () -> ()
    "tpu.region"() ({
      %run_scoped3A = tpu.sem_alloc : memref<!tpu.dma_semaphore, #tpu.memory_space<semaphore_mem>>
      %dma_start3A = arith.constant 0 : i32
      %dma_start3A_24 = arith.constant 0 : i32
      %dma_start3A_25 = tpu.memref_slice %arg8[%dma_start3A, %dma_start3A_24] : memref<6272x8xf32, #tpu.memory_space<hbm>> -> memref<2000x8xf32, #tpu.memory_space<hbm>>
      %dma_start3A_26 = arith.constant 0 : i32
      %dma_start3A_27 = arith.constant 0 : i32
      %dma_start3A_28 = tpu.memref_slice %arg8[%dma_start3A_26, %dma_start3A_27] : memref<6272x8xf32, #tpu.memory_space<hbm>> -> memref<2000x8xf32, #tpu.memory_space<hbm>>
      tpu.enqueue_dma source(%dma_start3A_28 : memref<2000x8xf32, #tpu.memory_space<hbm>>) target(%arg12 : memref<2000x8xf32, #tpu.memory_space<vmem>>) target_semaphore(%run_scoped3A : memref<!tpu.dma_semaphore, #tpu.memory_space<semaphore_mem>>)
      %dma_wait3A = arith.constant 0 : i32
      %dma_wait3A_29 = arith.constant 0 : i32
      %dma_wait3A_30 = tpu.memref_slice %arg8[%dma_wait3A, %dma_wait3A_29] : memref<6272x8xf32, #tpu.memory_space<hbm>> -> memref<2000x8xf32, #tpu.memory_space<hbm>>
      %dma_wait3A_31 = arith.constant 0 : i32
      %dma_wait3A_32 = arith.constant 0 : i32
      %dma_wait3A_33 = tpu.memref_slice %arg8[%dma_wait3A_31, %dma_wait3A_32] : memref<6272x8xf32, #tpu.memory_space<hbm>> -> memref<2000x8xf32, #tpu.memory_space<hbm>>
      tpu.wait_dma2 semaphore(%run_scoped3A : memref<!tpu.dma_semaphore, #tpu.memory_space<semaphore_mem>>) src(%dma_wait3A_33 : memref<2000x8xf32, #tpu.memory_space<hbm>>) dst(%arg12 : memref<2000x8xf32, #tpu.memory_space<vmem>>)
      tpu.yield
    }) : () -> ()
    "tpu.region"() ({
      %run_scoped3A = tpu.sem_alloc : memref<!tpu.dma_semaphore, #tpu.memory_space<semaphore_mem>>
      %dma_start3A = arith.constant 0 : i32
      %dma_start3A_24 = arith.constant 0 : i32
      %dma_start3A_25 = tpu.memref_slice %arg8[%dma_start3A, %dma_start3A_24] : memref<6272x8xf32, #tpu.memory_space<hbm>> -> memref<2000x8xf32, #tpu.memory_space<hbm>>
      %dma_start3A_26 = arith.constant 0 : i32
      %dma_start3A_27 = arith.constant 0 : i32
      %dma_start3A_28 = tpu.memref_slice %arg8[%dma_start3A_26, %dma_start3A_27] : memref<6272x8xf32, #tpu.memory_space<hbm>> -> memref<2000x8xf32, #tpu.memory_space<hbm>>
      tpu.enqueue_dma source(%dma_start3A_28 : memref<2000x8xf32, #tpu.memory_space<hbm>>) target(%arg13 : memref<2000x8xf32, #tpu.memory_space<vmem>>) target_semaphore(%run_scoped3A : memref<!tpu.dma_semaphore, #tpu.memory_space<semaphore_mem>>)
      %dma_wait3A = arith.constant 0 : i32
      %dma_wait3A_29 = arith.constant 0 : i32
      %dma_wait3A_30 = tpu.memref_slice %arg8[%dma_wait3A, %dma_wait3A_29] : memref<6272x8xf32, #tpu.memory_space<hbm>> -> memref<2000x8xf32, #tpu.memory_space<hbm>>
      %dma_wait3A_31 = arith.constant 0 : i32
      %dma_wait3A_32 = arith.constant 0 : i32
      %dma_wait3A_33 = tpu.memref_slice %arg8[%dma_wait3A_31, %dma_wait3A_32] : memref<6272x8xf32, #tpu.memory_space<hbm>> -> memref<2000x8xf32, #tpu.memory_space<hbm>>
      tpu.wait_dma2 semaphore(%run_scoped3A : memref<!tpu.dma_semaphore, #tpu.memory_space<semaphore_mem>>) src(%dma_wait3A_33 : memref<2000x8xf32, #tpu.memory_space<hbm>>) dst(%arg13 : memref<2000x8xf32, #tpu.memory_space<vmem>>)
      tpu.yield
    }) : () -> ()
    "tpu.region"() ({
      %run_scoped3A = tpu.sem_alloc : memref<!tpu.dma_semaphore, #tpu.memory_space<semaphore_mem>>
      tpu.enqueue_dma source(%arg7 : memref<16xf32, #tpu.memory_space<hbm>>) target(%arg18 : memref<16xf32, #tpu.memory_space<vmem>>) target_semaphore(%run_scoped3A : memref<!tpu.dma_semaphore, #tpu.memory_space<semaphore_mem>>)
      tpu.wait_dma2 semaphore(%run_scoped3A : memref<!tpu.dma_semaphore, #tpu.memory_space<semaphore_mem>>) src(%arg7 : memref<16xf32, #tpu.memory_space<hbm>>) dst(%arg18 : memref<16xf32, #tpu.memory_space<vmem>>)
      tpu.yield
    }) : () -> ()
    %get3A = arith.constant 0 : index
    %get3A_3 = tpu.vector_load %arg18[%get3A] {strides = array<i32>} : memref<16xf32, #tpu.memory_space<vmem>>, vector<16xf32>,
    %slice3A = vector.extract_strided_slice %get3A_3 {offsets = [0], sizes = [1], strides = [1]} : vector<16xf32> to vector<1xf32>
    %squeeze3A = vector.extract %slice3A[0] : f32 from vector<1xf32>
    %slice3A_4 = vector.extract_strided_slice %get3A_3 {offsets = [1], sizes = [1], strides = [1]} : vector<16xf32> to vector<1xf32>
    %squeeze3A_5 = vector.extract %slice3A_4[0] : f32 from vector<1xf32>
    %slice3A_6 = vector.extract_strided_slice %get3A_3 {offsets = [2], sizes = [1], strides = [1]} : vector<16xf32> to vector<1xf32>
    %squeeze3A_7 = vector.extract %slice3A_6[0] : f32 from vector<1xf32>
    %slice3A_8 = vector.extract_strided_slice %get3A_3 {offsets = [3], sizes = [1], strides = [1]} : vector<16xf32> to vector<1xf32>
    %squeeze3A_9 = vector.extract %slice3A_8[0] : f32 from vector<1xf32>
    %slice3A_10 = vector.extract_strided_slice %get3A_3 {offsets = [4], sizes = [1], strides = [1]} : vector<16xf32> to vector<1xf32>
    %squeeze3A_11 = vector.extract %slice3A_10[0] : f32 from vector<1xf32>
    %slice3A_12 = vector.extract_strided_slice %get3A_3 {offsets = [5], sizes = [1], strides = [1]} : vector<16xf32> to vector<1xf32>
    %squeeze3A_13 = vector.extract %slice3A_12[0] : f32 from vector<1xf32>
    %iota3A = tpu.iota {dimensions = array<i32: 0>} : vector<16xi32>
    %barrier3A = arith.constant 0 : index
    tpu.barrier barrier_id(%barrier3A)
    %scan3A = arith.constant 0 : i32
    %scan3A_14 = arith.constant 0 : i32
    %scan3A_15 = arith.constant 25 : i32
    %scan3A_16 = arith.addi %scan3A_14, %scan3A_15 : i32
    %scan3A_17 = arith.constant 1 : i32
    scf.for %scan3A_24 = %scan3A_14 to %scan3A_16 step %scan3A_17  : i32 {
      %mul3A_25 = arith.constant 400 : i32
      %mul3A_26 = arith.muli %add3A, %mul3A_25 : i32
      %mul3A_27 = arith.constant 16 : i32
      %mul3A_28 = arith.muli %scan3A_24, %mul3A_27 : i32
      %add3A_29 = arith.addi %mul3A_26, %mul3A_28 : i32
      %mul3A_30 = arith.constant 50000 : i32
      %mul3A_31 = arith.muli %add3A, %mul3A_30 : i32
      %mul3A_32 = arith.constant 2000 : i32
      %mul3A_33 = arith.muli %scan3A_24, %mul3A_32 : i32
      %add3A_34 = arith.addi %mul3A_31, %mul3A_33 : i32
      %dma_start3A = arith.constant 0 : i32
      %dma_start3A_35 = tpu.memref_slice %arg3[%add3A_29, %dma_start3A] : memref<12800x125xi32, #tpu.memory_space<hbm>> -> memref<16x125xi32, #tpu.memory_space<hbm>>
      %dma_start3A_36 = arith.constant 0 : i32
      %dma_start3A_37 = tpu.memref_slice %arg3[%add3A_29, %dma_start3A_36] : memref<12800x125xi32, #tpu.memory_space<hbm>> -> memref<16x125xi32, #tpu.memory_space<hbm>>
      tpu.enqueue_dma source(%dma_start3A_37 : memref<16x125xi32, #tpu.memory_space<hbm>>) target(%arg14 : memref<16x125xi32, #tpu.memory_space<vmem>>) target_semaphore(%arg19 : memref<!tpu.dma_semaphore, #tpu.memory_space<semaphore_mem>>)
      %dma_start3A_38 = arith.constant 0 : i32
      %dma_start3A_39 = tpu.memref_slice %arg4[%add3A_29, %dma_start3A_38] : memref<12800x125xi32, #tpu.memory_space<hbm>> -> memref<16x125xi32, #tpu.memory_space<hbm>>
      %dma_start3A_40 = arith.constant 0 : i32
      %dma_start3A_41 = tpu.memref_slice %arg4[%add3A_29, %dma_start3A_40] : memref<12800x125xi32, #tpu.memory_space<hbm>> -> memref<16x125xi32, #tpu.memory_space<hbm>>
      tpu.enqueue_dma source(%dma_start3A_41 : memref<16x125xi32, #tpu.memory_space<hbm>>) target(%arg15 : memref<16x125xi32, #tpu.memory_space<vmem>>) target_semaphore(%arg19 : memref<!tpu.dma_semaphore, #tpu.memory_space<semaphore_mem>>)
      %dma_start3A_42 = tpu.memref_slice %arg5[%add3A_34] : memref<1600000xf32, #tpu.memory_space<hbm>> -> memref<2000xf32, #tpu.memory_space<hbm>>
      %dma_start3A_43 = tpu.memref_slice %arg5[%add3A_34] : memref<1600000xf32, #tpu.memory_space<hbm>> -> memref<2000xf32, #tpu.memory_space<hbm>>
      tpu.enqueue_dma source(%dma_start3A_43 : memref<2000xf32, #tpu.memory_space<hbm>>) target(%arg16 : memref<2000xf32, #tpu.memory_space<vmem>>) target_semaphore(%arg19 : memref<!tpu.dma_semaphore, #tpu.memory_space<semaphore_mem>>)
      %dma_start3A_44 = tpu.memref_slice %arg6[%add3A_34] : memref<1600000xf32, #tpu.memory_space<hbm>> -> memref<2000xf32, #tpu.memory_space<hbm>>
      %dma_start3A_45 = tpu.memref_slice %arg6[%add3A_34] : memref<1600000xf32, #tpu.memory_space<hbm>> -> memref<2000xf32, #tpu.memory_space<hbm>>
      tpu.enqueue_dma source(%dma_start3A_45 : memref<2000xf32, #tpu.memory_space<hbm>>) target(%arg17 : memref<2000xf32, #tpu.memory_space<vmem>>) target_semaphore(%arg19 : memref<!tpu.dma_semaphore, #tpu.memory_space<semaphore_mem>>)
      %dma_wait3A = arith.constant 0 : i32
      %dma_wait3A_46 = tpu.memref_slice %arg3[%add3A_29, %dma_wait3A] : memref<12800x125xi32, #tpu.memory_space<hbm>> -> memref<16x125xi32, #tpu.memory_space<hbm>>
      %dma_wait3A_47 = arith.constant 0 : i32
      %dma_wait3A_48 = tpu.memref_slice %arg3[%add3A_29, %dma_wait3A_47] : memref<12800x125xi32, #tpu.memory_space<hbm>> -> memref<16x125xi32, #tpu.memory_space<hbm>>
      tpu.wait_dma2 semaphore(%arg19 : memref<!tpu.dma_semaphore, #tpu.memory_space<semaphore_mem>>) src(%dma_wait3A_48 : memref<16x125xi32, #tpu.memory_space<hbm>>) dst(%arg14 : memref<16x125xi32, #tpu.memory_space<vmem>>)
      %dma_wait3A_49 = arith.constant 0 : i32
      %dma_wait3A_50 = tpu.memref_slice %arg4[%add3A_29, %dma_wait3A_49] : memref<12800x125xi32, #tpu.memory_space<hbm>> -> memref<16x125xi32, #tpu.memory_space<hbm>>
      %dma_wait3A_51 = arith.constant 0 : i32
      %dma_wait3A_52 = tpu.memref_slice %arg4[%add3A_29, %dma_wait3A_51] : memref<12800x125xi32, #tpu.memory_space<hbm>> -> memref<16x125xi32, #tpu.memory_space<hbm>>
      tpu.wait_dma2 semaphore(%arg19 : memref<!tpu.dma_semaphore, #tpu.memory_space<semaphore_mem>>) src(%dma_wait3A_52 : memref<16x125xi32, #tpu.memory_space<hbm>>) dst(%arg15 : memref<16x125xi32, #tpu.memory_space<vmem>>)
      %dma_wait3A_53 = tpu.memref_slice %arg5[%add3A_34] : memref<1600000xf32, #tpu.memory_space<hbm>> -> memref<2000xf32, #tpu.memory_space<hbm>>
      %dma_wait3A_54 = tpu.memref_slice %arg5[%add3A_34] : memref<1600000xf32, #tpu.memory_space<hbm>> -> memref<2000xf32, #tpu.memory_space<hbm>>
      tpu.wait_dma2 semaphore(%arg19 : memref<!tpu.dma_semaphore, #tpu.memory_space<semaphore_mem>>) src(%dma_wait3A_54 : memref<2000xf32, #tpu.memory_space<hbm>>) dst(%arg16 : memref<2000xf32, #tpu.memory_space<vmem>>)
      %dma_wait3A_55 = tpu.memref_slice %arg6[%add3A_34] : memref<1600000xf32, #tpu.memory_space<hbm>> -> memref<2000xf32, #tpu.memory_space<hbm>>
      %dma_wait3A_56 = tpu.memref_slice %arg6[%add3A_34] : memref<1600000xf32, #tpu.memory_space<hbm>> -> memref<2000xf32, #tpu.memory_space<hbm>>
      tpu.wait_dma2 semaphore(%arg19 : memref<!tpu.dma_semaphore, #tpu.memory_space<semaphore_mem>>) src(%dma_wait3A_56 : memref<2000xf32, #tpu.memory_space<hbm>>) dst(%arg17 : memref<2000xf32, #tpu.memory_space<vmem>>)
      %dma_start3A_57 = arith.constant 0 : i32
      %dma_start3A_58 = arith.constant 0 : i32
      %dma_start3A_59 = arith.constant 0 : i32
      %dma_start3A_60 = tpu.memref_slice %arg11[%dma_start3A_58, %dma_start3A_59] : memref<2000x16xf32, #tpu.memory_space<vmem>> -> memref<125x16xf32, #tpu.memory_space<vmem>>
      %dma_start3A_61 = arith.constant 0 : i32
      %dma_start3A_62 = tpu.memref_slice %arg14[%dma_start3A_57, %dma_start3A_61] : memref<16x125xi32, #tpu.memory_space<vmem>> -> memref<1x125xi32, #tpu.memory_space<vmem>>
      %dma_start3A_63 = tpu.memref_squeeze %dma_start3A_62 : memref<1x125xi32, #tpu.memory_space<vmem>> -> memref<125xi32, #tpu.memory_space<vmem>>
      %dma_start3A_64 = arith.constant 0 : i32
      %dma_start3A_65 = arith.constant 0 : i32
      %dma_start3A_66 = tpu.memref_slice %arg2[%dma_start3A_64, %dma_start3A_65] : memref<100000x16xf32, #tpu.memory_space<hbm>> -> memref<100000x16xf32, #tpu.memory_space<hbm>>
      tpu.enqueue_indirect_dma source(%dma_start3A_66 : memref<100000x16xf32, #tpu.memory_space<hbm>>) target(%dma_start3A_60 : memref<125x16xf32, #tpu.memory_space<vmem>>) offsets(%dma_start3A_63 : memref<125xi32, #tpu.memory_space<vmem>>) semaphore(%arg19 : memref<!tpu.dma_semaphore, #tpu.memory_space<semaphore_mem>>)
      %dma_start3A_67 = arith.constant 1 : i32
      %dma_start3A_68 = arith.constant 125 : i32
      %dma_start3A_69 = arith.constant 0 : i32
      %dma_start3A_70 = tpu.memref_slice %arg11[%dma_start3A_68, %dma_start3A_69] : memref<2000x16xf32, #tpu.memory_space<vmem>> -> memref<125x16xf32, #tpu.memory_space<vmem>>
      %dma_start3A_71 = arith.constant 0 : i32
      %dma_start3A_72 = tpu.memref_slice %arg14[%dma_start3A_67, %dma_start3A_71] : memref<16x125xi32, #tpu.memory_space<vmem>> -> memref<1x125xi32, #tpu.memory_space<vmem>>
      %dma_start3A_73 = tpu.memref_squeeze %dma_start3A_72 : memref<1x125xi32, #tpu.memory_space<vmem>> -> memref<125xi32, #tpu.memory_space<vmem>>
      %dma_start3A_74 = arith.constant 0 : i32
      %dma_start3A_75 = arith.constant 0 : i32
      %dma_start3A_76 = tpu.memref_slice %arg2[%dma_start3A_74, %dma_start3A_75] : memref<100000x16xf32, #tpu.memory_space<hbm>> -> memref<100000x16xf32, #tpu.memory_space<hbm>>
      tpu.enqueue_indirect_dma source(%dma_start3A_76 : memref<100000x16xf32, #tpu.memory_space<hbm>>) target(%dma_start3A_70 : memref<125x16xf32, #tpu.memory_space<vmem>>) offsets(%dma_start3A_73 : memref<125xi32, #tpu.memory_space<vmem>>) semaphore(%arg19 : memref<!tpu.dma_semaphore, #tpu.memory_space<semaphore_mem>>)
      %dma_start3A_77 = arith.constant 2 : i32
      %dma_start3A_78 = arith.constant 250 : i32
      %dma_start3A_79 = arith.constant 0 : i32
      %dma_start3A_80 = tpu.memref_slice %arg11[%dma_start3A_78, %dma_start3A_79] : memref<2000x16xf32, #tpu.memory_space<vmem>> -> memref<125x16xf32, #tpu.memory_space<vmem>>
      %dma_start3A_81 = arith.constant 0 : i32
      %dma_start3A_82 = tpu.memref_slice %arg14[%dma_start3A_77, %dma_start3A_81] : memref<16x125xi32, #tpu.memory_space<vmem>> -> memref<1x125xi32, #tpu.memory_space<vmem>>
      %dma_start3A_83 = tpu.memref_squeeze %dma_start3A_82 : memref<1x125xi32, #tpu.memory_space<vmem>> -> memref<125xi32, #tpu.memory_space<vmem>>
      %dma_start3A_84 = arith.constant 0 : i32
      %dma_start3A_85 = arith.constant 0 : i32
      %dma_start3A_86 = tpu.memref_slice %arg2[%dma_start3A_84, %dma_start3A_85] : memref<100000x16xf32, #tpu.memory_space<hbm>> -> memref<100000x16xf32, #tpu.memory_space<hbm>>
      tpu.enqueue_indirect_dma source(%dma_start3A_86 : memref<100000x16xf32, #tpu.memory_space<hbm>>) target(%dma_start3A_80 : memref<125x16xf32, #tpu.memory_space<vmem>>) offsets(%dma_start3A_83 : memref<125xi32, #tpu.memory_space<vmem>>) semaphore(%arg19 : memref<!tpu.dma_semaphore, #tpu.memory_space<semaphore_mem>>)
      %dma_start3A_87 = arith.constant 3 : i32
      %dma_start3A_88 = arith.constant 375 : i32
      %dma_start3A_89 = arith.constant 0 : i32
      %dma_start3A_90 = tpu.memref_slice %arg11[%dma_start3A_88, %dma_start3A_89] : memref<2000x16xf32, #tpu.memory_space<vmem>> -> memref<125x16xf32, #tpu.memory_space<vmem>>
      %dma_start3A_91 = arith.constant 0 : i32
      %dma_start3A_92 = tpu.memref_slice %arg14[%dma_start3A_87, %dma_start3A_91] : memref<16x125xi32, #tpu.memory_space<vmem>> -> memref<1x125xi32, #tpu.memory_space<vmem>>
      %dma_start3A_93 = tpu.memref_squeeze %dma_start3A_92 : memref<1x125xi32, #tpu.memory_space<vmem>> -> memref<125xi32, #tpu.memory_space<vmem>>
      %dma_start3A_94 = arith.constant 0 : i32
      %dma_start3A_95 = arith.constant 0 : i32
      %dma_start3A_96 = tpu.memref_slice %arg2[%dma_start3A_94, %dma_start3A_95] : memref<100000x16xf32, #tpu.memory_space<hbm>> -> memref<100000x16xf32, #tpu.memory_space<hbm>>
      tpu.enqueue_indirect_dma source(%dma_start3A_96 : memref<100000x16xf32, #tpu.memory_space<hbm>>) target(%dma_start3A_90 : memref<125x16xf32, #tpu.memory_space<vmem>>) offsets(%dma_start3A_93 : memref<125xi32, #tpu.memory_space<vmem>>) semaphore(%arg19 : memref<!tpu.dma_semaphore, #tpu.memory_space<semaphore_mem>>)
      %dma_start3A_97 = arith.constant 4 : i32
      %dma_start3A_98 = arith.constant 500 : i32
      %dma_start3A_99 = arith.constant 0 : i32
      %dma_start3A_100 = tpu.memref_slice %arg11[%dma_start3A_98, %dma_start3A_99] : memref<2000x16xf32, #tpu.memory_space<vmem>> -> memref<125x16xf32, #tpu.memory_space<vmem>>
      %dma_start3A_101 = arith.constant 0 : i32
      %dma_start3A_102 = tpu.memref_slice %arg14[%dma_start3A_97, %dma_start3A_101] : memref<16x125xi32, #tpu.memory_space<vmem>> -> memref<1x125xi32, #tpu.memory_space<vmem>>
      %dma_start3A_103 = tpu.memref_squeeze %dma_start3A_102 : memref<1x125xi32, #tpu.memory_space<vmem>> -> memref<125xi32, #tpu.memory_space<vmem>>
      %dma_start3A_104 = arith.constant 0 : i32
      %dma_start3A_105 = arith.constant 0 : i32
      %dma_start3A_106 = tpu.memref_slice %arg2[%dma_start3A_104, %dma_start3A_105] : memref<100000x16xf32, #tpu.memory_space<hbm>> -> memref<100000x16xf32, #tpu.memory_space<hbm>>
      tpu.enqueue_indirect_dma source(%dma_start3A_106 : memref<100000x16xf32, #tpu.memory_space<hbm>>) target(%dma_start3A_100 : memref<125x16xf32, #tpu.memory_space<vmem>>) offsets(%dma_start3A_103 : memref<125xi32, #tpu.memory_space<vmem>>) semaphore(%arg19 : memref<!tpu.dma_semaphore, #tpu.memory_space<semaphore_mem>>)
      %dma_start3A_107 = arith.constant 5 : i32
      %dma_start3A_108 = arith.constant 625 : i32
      %dma_start3A_109 = arith.constant 0 : i32
      %dma_start3A_110 = tpu.memref_slice %arg11[%dma_start3A_108, %dma_start3A_109] : memref<2000x16xf32, #tpu.memory_space<vmem>> -> memref<125x16xf32, #tpu.memory_space<vmem>>
      %dma_start3A_111 = arith.constant 0 : i32
      %dma_start3A_112 = tpu.memref_slice %arg14[%dma_start3A_107, %dma_start3A_111] : memref<16x125xi32, #tpu.memory_space<vmem>> -> memref<1x125xi32, #tpu.memory_space<vmem>>
      %dma_start3A_113 = tpu.memref_squeeze %dma_start3A_112 : memref<1x125xi32, #tpu.memory_space<vmem>> -> memref<125xi32, #tpu.memory_space<vmem>>
      %dma_start3A_114 = arith.constant 0 : i32
      %dma_start3A_115 = arith.constant 0 : i32
      %dma_start3A_116 = tpu.memref_slice %arg2[%dma_start3A_114, %dma_start3A_115] : memref<100000x16xf32, #tpu.memory_space<hbm>> -> memref<100000x16xf32, #tpu.memory_space<hbm>>
      tpu.enqueue_indirect_dma source(%dma_start3A_116 : memref<100000x16xf32, #tpu.memory_space<hbm>>) target(%dma_start3A_110 : memref<125x16xf32, #tpu.memory_space<vmem>>) offsets(%dma_start3A_113 : memref<125xi32, #tpu.memory_space<vmem>>) semaphore(%arg19 : memref<!tpu.dma_semaphore, #tpu.memory_space<semaphore_mem>>)
      %dma_start3A_117 = arith.constant 6 : i32
      %dma_start3A_118 = arith.constant 750 : i32
      %dma_start3A_119 = arith.constant 0 : i32
      %dma_start3A_120 = tpu.memref_slice %arg11[%dma_start3A_118, %dma_start3A_119] : memref<2000x16xf32, #tpu.memory_space<vmem>> -> memref<125x16xf32, #tpu.memory_space<vmem>>
      %dma_start3A_121 = arith.constant 0 : i32
      %dma_start3A_122 = tpu.memref_slice %arg14[%dma_start3A_117, %dma_start3A_121] : memref<16x125xi32, #tpu.memory_space<vmem>> -> memref<1x125xi32, #tpu.memory_space<vmem>>
      %dma_start3A_123 = tpu.memref_squeeze %dma_start3A_122 : memref<1x125xi32, #tpu.memory_space<vmem>> -> memref<125xi32, #tpu.memory_space<vmem>>
      %dma_start3A_124 = arith.constant 0 : i32
      %dma_start3A_125 = arith.constant 0 : i32
      %dma_start3A_126 = tpu.memref_slice %arg2[%dma_start3A_124, %dma_start3A_125] : memref<100000x16xf32, #tpu.memory_space<hbm>> -> memref<100000x16xf32, #tpu.memory_space<hbm>>
      tpu.enqueue_indirect_dma source(%dma_start3A_126 : memref<100000x16xf32, #tpu.memory_space<hbm>>) target(%dma_start3A_120 : memref<125x16xf32, #tpu.memory_space<vmem>>) offsets(%dma_start3A_123 : memref<125xi32, #tpu.memory_space<vmem>>) semaphore(%arg19 : memref<!tpu.dma_semaphore, #tpu.memory_space<semaphore_mem>>)
      %dma_start3A_127 = arith.constant 7 : i32
      %dma_start3A_128 = arith.constant 875 : i32
      %dma_start3A_129 = arith.constant 0 : i32
      %dma_start3A_130 = tpu.memref_slice %arg11[%dma_start3A_128, %dma_start3A_129] : memref<2000x16xf32, #tpu.memory_space<vmem>> -> memref<125x16xf32, #tpu.memory_space<vmem>>
      %dma_start3A_131 = arith.constant 0 : i32
      %dma_start3A_132 = tpu.memref_slice %arg14[%dma_start3A_127, %dma_start3A_131] : memref<16x125xi32, #tpu.memory_space<vmem>> -> memref<1x125xi32, #tpu.memory_space<vmem>>
      %dma_start3A_133 = tpu.memref_squeeze %dma_start3A_132 : memref<1x125xi32, #tpu.memory_space<vmem>> -> memref<125xi32, #tpu.memory_space<vmem>>
      %dma_start3A_134 = arith.constant 0 : i32
      %dma_start3A_135 = arith.constant 0 : i32
      %dma_start3A_136 = tpu.memref_slice %arg2[%dma_start3A_134, %dma_start3A_135] : memref<100000x16xf32, #tpu.memory_space<hbm>> -> memref<100000x16xf32, #tpu.memory_space<hbm>>
      tpu.enqueue_indirect_dma source(%dma_start3A_136 : memref<100000x16xf32, #tpu.memory_space<hbm>>) target(%dma_start3A_130 : memref<125x16xf32, #tpu.memory_space<vmem>>) offsets(%dma_start3A_133 : memref<125xi32, #tpu.memory_space<vmem>>) semaphore(%arg19 : memref<!tpu.dma_semaphore, #tpu.memory_space<semaphore_mem>>)
      %dma_start3A_137 = arith.constant 8 : i32
      %dma_start3A_138 = arith.constant 1000 : i32
      %dma_start3A_139 = arith.constant 0 : i32
      %dma_start3A_140 = tpu.memref_slice %arg11[%dma_start3A_138, %dma_start3A_139] : memref<2000x16xf32, #tpu.memory_space<vmem>> -> memref<125x16xf32, #tpu.memory_space<vmem>>
      %dma_start3A_141 = arith.constant 0 : i32
      %dma_start3A_142 = tpu.memref_slice %arg14[%dma_start3A_137, %dma_start3A_141] : memref<16x125xi32, #tpu.memory_space<vmem>> -> memref<1x125xi32, #tpu.memory_space<vmem>>
      %dma_start3A_143 = tpu.memref_squeeze %dma_start3A_142 : memref<1x125xi32, #tpu.memory_space<vmem>> -> memref<125xi32, #tpu.memory_space<vmem>>
      %dma_start3A_144 = arith.constant 0 : i32
      %dma_start3A_145 = arith.constant 0 : i32
      %dma_start3A_146 = tpu.memref_slice %arg2[%dma_start3A_144, %dma_start3A_145] : memref<100000x16xf32, #tpu.memory_space<hbm>> -> memref<100000x16xf32, #tpu.memory_space<hbm>>
      tpu.enqueue_indirect_dma source(%dma_start3A_146 : memref<100000x16xf32, #tpu.memory_space<hbm>>) target(%dma_start3A_140 : memref<125x16xf32, #tpu.memory_space<vmem>>) offsets(%dma_start3A_143 : memref<125xi32, #tpu.memory_space<vmem>>) semaphore(%arg19 : memref<!tpu.dma_semaphore, #tpu.memory_space<semaphore_mem>>)
      %dma_start3A_147 = arith.constant 9 : i32
      %dma_start3A_148 = arith.constant 1125 : i32
      %dma_start3A_149 = arith.constant 0 : i32
      %dma_start3A_150 = tpu.memref_slice %arg11[%dma_start3A_148, %dma_start3A_149] : memref<2000x16xf32, #tpu.memory_space<vmem>> -> memref<125x16xf32, #tpu.memory_space<vmem>>
      %dma_start3A_151 = arith.constant 0 : i32
      %dma_start3A_152 = tpu.memref_slice %arg14[%dma_start3A_147, %dma_start3A_151] : memref<16x125xi32, #tpu.memory_space<vmem>> -> memref<1x125xi32, #tpu.memory_space<vmem>>
      %dma_start3A_153 = tpu.memref_squeeze %dma_start3A_152 : memref<1x125xi32, #tpu.memory_space<vmem>> -> memref<125xi32, #tpu.memory_space<vmem>>
      %dma_start3A_154 = arith.constant 0 : i32
      %dma_start3A_155 = arith.constant 0 : i32
      %dma_start3A_156 = tpu.memref_slice %arg2[%dma_start3A_154, %dma_start3A_155] : memref<100000x16xf32, #tpu.memory_space<hbm>> -> memref<100000x16xf32, #tpu.memory_space<hbm>>
      tpu.enqueue_indirect_dma source(%dma_start3A_156 : memref<100000x16xf32, #tpu.memory_space<hbm>>) target(%dma_start3A_150 : memref<125x16xf32, #tpu.memory_space<vmem>>) offsets(%dma_start3A_153 : memref<125xi32, #tpu.memory_space<vmem>>) semaphore(%arg19 : memref<!tpu.dma_semaphore, #tpu.memory_space<semaphore_mem>>)
      %dma_start3A_157 = arith.constant 10 : i32
      %dma_start3A_158 = arith.constant 1250 : i32
      %dma_start3A_159 = arith.constant 0 : i32
      %dma_start3A_160 = tpu.memref_slice %arg11[%dma_start3A_158, %dma_start3A_159] : memref<2000x16xf32, #tpu.memory_space<vmem>> -> memref<125x16xf32, #tpu.memory_space<vmem>>
      %dma_start3A_161 = arith.constant 0 : i32
      %dma_start3A_162 = tpu.memref_slice %arg14[%dma_start3A_157, %dma_start3A_161] : memref<16x125xi32, #tpu.memory_space<vmem>> -> memref<1x125xi32, #tpu.memory_space<vmem>>
      %dma_start3A_163 = tpu.memref_squeeze %dma_start3A_162 : memref<1x125xi32, #tpu.memory_space<vmem>> -> memref<125xi32, #tpu.memory_space<vmem>>
      %dma_start3A_164 = arith.constant 0 : i32
      %dma_start3A_165 = arith.constant 0 : i32
      %dma_start3A_166 = tpu.memref_slice %arg2[%dma_start3A_164, %dma_start3A_165] : memref<100000x16xf32, #tpu.memory_space<hbm>> -> memref<100000x16xf32, #tpu.memory_space<hbm>>
      tpu.enqueue_indirect_dma source(%dma_start3A_166 : memref<100000x16xf32, #tpu.memory_space<hbm>>) target(%dma_start3A_160 : memref<125x16xf32, #tpu.memory_space<vmem>>) offsets(%dma_start3A_163 : memref<125xi32, #tpu.memory_space<vmem>>) semaphore(%arg19 : memref<!tpu.dma_semaphore, #tpu.memory_space<semaphore_mem>>)
      %dma_start3A_167 = arith.constant 11 : i32
      %dma_start3A_168 = arith.constant 1375 : i32
      %dma_start3A_169 = arith.constant 0 : i32
      %dma_start3A_170 = tpu.memref_slice %arg11[%dma_start3A_168, %dma_start3A_169] : memref<2000x16xf32, #tpu.memory_space<vmem>> -> memref<125x16xf32, #tpu.memory_space<vmem>>
      %dma_start3A_171 = arith.constant 0 : i32
      %dma_start3A_172 = tpu.memref_slice %arg14[%dma_start3A_167, %dma_start3A_171] : memref<16x125xi32, #tpu.memory_space<vmem>> -> memref<1x125xi32, #tpu.memory_space<vmem>>
      %dma_start3A_173 = tpu.memref_squeeze %dma_start3A_172 : memref<1x125xi32, #tpu.memory_space<vmem>> -> memref<125xi32, #tpu.memory_space<vmem>>
      %dma_start3A_174 = arith.constant 0 : i32
      %dma_start3A_175 = arith.constant 0 : i32
      %dma_start3A_176 = tpu.memref_slice %arg2[%dma_start3A_174, %dma_start3A_175] : memref<100000x16xf32, #tpu.memory_space<hbm>> -> memref<100000x16xf32, #tpu.memory_space<hbm>>
      tpu.enqueue_indirect_dma source(%dma_start3A_176 : memref<100000x16xf32, #tpu.memory_space<hbm>>) target(%dma_start3A_170 : memref<125x16xf32, #tpu.memory_space<vmem>>) offsets(%dma_start3A_173 : memref<125xi32, #tpu.memory_space<vmem>>) semaphore(%arg19 : memref<!tpu.dma_semaphore, #tpu.memory_space<semaphore_mem>>)
      %dma_start3A_177 = arith.constant 12 : i32
      %dma_start3A_178 = arith.constant 1500 : i32
      %dma_start3A_179 = arith.constant 0 : i32
      %dma_start3A_180 = tpu.memref_slice %arg11[%dma_start3A_178, %dma_start3A_179] : memref<2000x16xf32, #tpu.memory_space<vmem>> -> memref<125x16xf32, #tpu.memory_space<vmem>>
      %dma_start3A_181 = arith.constant 0 : i32
      %dma_start3A_182 = tpu.memref_slice %arg14[%dma_start3A_177, %dma_start3A_181] : memref<16x125xi32, #tpu.memory_space<vmem>> -> memref<1x125xi32, #tpu.memory_space<vmem>>
      %dma_start3A_183 = tpu.memref_squeeze %dma_start3A_182 : memref<1x125xi32, #tpu.memory_space<vmem>> -> memref<125xi32, #tpu.memory_space<vmem>>
      %dma_start3A_184 = arith.constant 0 : i32
      %dma_start3A_185 = arith.constant 0 : i32
      %dma_start3A_186 = tpu.memref_slice %arg2[%dma_start3A_184, %dma_start3A_185] : memref<100000x16xf32, #tpu.memory_space<hbm>> -> memref<100000x16xf32, #tpu.memory_space<hbm>>
      tpu.enqueue_indirect_dma source(%dma_start3A_186 : memref<100000x16xf32, #tpu.memory_space<hbm>>) target(%dma_start3A_180 : memref<125x16xf32, #tpu.memory_space<vmem>>) offsets(%dma_start3A_183 : memref<125xi32, #tpu.memory_space<vmem>>) semaphore(%arg19 : memref<!tpu.dma_semaphore, #tpu.memory_space<semaphore_mem>>)
      %dma_start3A_187 = arith.constant 13 : i32
      %dma_start3A_188 = arith.constant 1625 : i32
      %dma_start3A_189 = arith.constant 0 : i32
      %dma_start3A_190 = tpu.memref_slice %arg11[%dma_start3A_188, %dma_start3A_189] : memref<2000x16xf32, #tpu.memory_space<vmem>> -> memref<125x16xf32, #tpu.memory_space<vmem>>
      %dma_start3A_191 = arith.constant 0 : i32
      %dma_start3A_192 = tpu.memref_slice %arg14[%dma_start3A_187, %dma_start3A_191] : memref<16x125xi32, #tpu.memory_space<vmem>> -> memref<1x125xi32, #tpu.memory_space<vmem>>
      %dma_start3A_193 = tpu.memref_squeeze %dma_start3A_192 : memref<1x125xi32, #tpu.memory_space<vmem>> -> memref<125xi32, #tpu.memory_space<vmem>>
      %dma_start3A_194 = arith.constant 0 : i32
      %dma_start3A_195 = arith.constant 0 : i32
      %dma_start3A_196 = tpu.memref_slice %arg2[%dma_start3A_194, %dma_start3A_195] : memref<100000x16xf32, #tpu.memory_space<hbm>> -> memref<100000x16xf32, #tpu.memory_space<hbm>>
      tpu.enqueue_indirect_dma source(%dma_start3A_196 : memref<100000x16xf32, #tpu.memory_space<hbm>>) target(%dma_start3A_190 : memref<125x16xf32, #tpu.memory_space<vmem>>) offsets(%dma_start3A_193 : memref<125xi32, #tpu.memory_space<vmem>>) semaphore(%arg19 : memref<!tpu.dma_semaphore, #tpu.memory_space<semaphore_mem>>)
      %dma_start3A_197 = arith.constant 14 : i32
      %dma_start3A_198 = arith.constant 1750 : i32
      %dma_start3A_199 = arith.constant 0 : i32
      %dma_start3A_200 = tpu.memref_slice %arg11[%dma_start3A_198, %dma_start3A_199] : memref<2000x16xf32, #tpu.memory_space<vmem>> -> memref<125x16xf32, #tpu.memory_space<vmem>>
      %dma_start3A_201 = arith.constant 0 : i32
      %dma_start3A_202 = tpu.memref_slice %arg14[%dma_start3A_197, %dma_start3A_201] : memref<16x125xi32, #tpu.memory_space<vmem>> -> memref<1x125xi32, #tpu.memory_space<vmem>>
      %dma_start3A_203 = tpu.memref_squeeze %dma_start3A_202 : memref<1x125xi32, #tpu.memory_space<vmem>> -> memref<125xi32, #tpu.memory_space<vmem>>
      %dma_start3A_204 = arith.constant 0 : i32
      %dma_start3A_205 = arith.constant 0 : i32
      %dma_start3A_206 = tpu.memref_slice %arg2[%dma_start3A_204, %dma_start3A_205] : memref<100000x16xf32, #tpu.memory_space<hbm>> -> memref<100000x16xf32, #tpu.memory_space<hbm>>
      tpu.enqueue_indirect_dma source(%dma_start3A_206 : memref<100000x16xf32, #tpu.memory_space<hbm>>) target(%dma_start3A_200 : memref<125x16xf32, #tpu.memory_space<vmem>>) offsets(%dma_start3A_203 : memref<125xi32, #tpu.memory_space<vmem>>) semaphore(%arg19 : memref<!tpu.dma_semaphore, #tpu.memory_space<semaphore_mem>>)
      %dma_start3A_207 = arith.constant 15 : i32
      %dma_start3A_208 = arith.constant 1875 : i32
      %dma_start3A_209 = arith.constant 0 : i32
      %dma_start3A_210 = tpu.memref_slice %arg11[%dma_start3A_208, %dma_start3A_209] : memref<2000x16xf32, #tpu.memory_space<vmem>> -> memref<125x16xf32, #tpu.memory_space<vmem>>
      %dma_start3A_211 = arith.constant 0 : i32
      %dma_start3A_212 = tpu.memref_slice %arg14[%dma_start3A_207, %dma_start3A_211] : memref<16x125xi32, #tpu.memory_space<vmem>> -> memref<1x125xi32, #tpu.memory_space<vmem>>
      %dma_start3A_213 = tpu.memref_squeeze %dma_start3A_212 : memref<1x125xi32, #tpu.memory_space<vmem>> -> memref<125xi32, #tpu.memory_space<vmem>>
      %dma_start3A_214 = arith.constant 0 : i32
      %dma_start3A_215 = arith.constant 0 : i32
      %dma_start3A_216 = tpu.memref_slice %arg2[%dma_start3A_214, %dma_start3A_215] : memref<100000x16xf32, #tpu.memory_space<hbm>> -> memref<100000x16xf32, #tpu.memory_space<hbm>>
      tpu.enqueue_indirect_dma source(%dma_start3A_216 : memref<100000x16xf32, #tpu.memory_space<hbm>>) target(%dma_start3A_210 : memref<125x16xf32, #tpu.memory_space<vmem>>) offsets(%dma_start3A_213 : memref<125xi32, #tpu.memory_space<vmem>>) semaphore(%arg19 : memref<!tpu.dma_semaphore, #tpu.memory_space<semaphore_mem>>)
      %dma_wait3A_217 = arith.constant 0 : i32
      %dma_wait3A_218 = arith.constant 0 : i32
      %dma_wait3A_219 = arith.constant 0 : i32
      %dma_wait3A_220 = tpu.memref_slice %arg11[%dma_wait3A_218, %dma_wait3A_219] : memref<2000x16xf32, #tpu.memory_space<vmem>> -> memref<125x16xf32, #tpu.memory_space<vmem>>
      %dma_wait3A_221 = arith.constant 0 : i32
      %dma_wait3A_222 = tpu.memref_slice %arg14[%dma_wait3A_217, %dma_wait3A_221] : memref<16x125xi32, #tpu.memory_space<vmem>> -> memref<1x125xi32, #tpu.memory_space<vmem>>
      %dma_wait3A_223 = tpu.memref_squeeze %dma_wait3A_222 : memref<1x125xi32, #tpu.memory_space<vmem>> -> memref<125xi32, #tpu.memory_space<vmem>>
      %dma_wait3A_224 = arith.constant 0 : i32
      %dma_wait3A_225 = arith.constant 0 : i32
      %dma_wait3A_226 = tpu.memref_slice %arg2[%dma_wait3A_224, %dma_wait3A_225] : memref<100000x16xf32, #tpu.memory_space<hbm>> -> memref<100000x16xf32, #tpu.memory_space<hbm>>
      tpu.wait_indirect_dma semaphore(%arg19 : memref<!tpu.dma_semaphore, #tpu.memory_space<semaphore_mem>>) src(%dma_wait3A_226 : memref<100000x16xf32, #tpu.memory_space<hbm>>) dst(%dma_wait3A_220 : memref<125x16xf32, #tpu.memory_space<vmem>>)
      %dma_wait3A_227 = arith.constant 1 : i32
      %dma_wait3A_228 = arith.constant 125 : i32
      %dma_wait3A_229 = arith.constant 0 : i32
      %dma_wait3A_230 = tpu.memref_slice %arg11[%dma_wait3A_228, %dma_wait3A_229] : memref<2000x16xf32, #tpu.memory_space<vmem>> -> memref<125x16xf32, #tpu.memory_space<vmem>>
      %dma_wait3A_231 = arith.constant 0 : i32
      %dma_wait3A_232 = tpu.memref_slice %arg14[%dma_wait3A_227, %dma_wait3A_231] : memref<16x125xi32, #tpu.memory_space<vmem>> -> memref<1x125xi32, #tpu.memory_space<vmem>>
      %dma_wait3A_233 = tpu.memref_squeeze %dma_wait3A_232 : memref<1x125xi32, #tpu.memory_space<vmem>> -> memref<125xi32, #tpu.memory_space<vmem>>
      %dma_wait3A_234 = arith.constant 0 : i32
      %dma_wait3A_235 = arith.constant 0 : i32
      %dma_wait3A_236 = tpu.memref_slice %arg2[%dma_wait3A_234, %dma_wait3A_235] : memref<100000x16xf32, #tpu.memory_space<hbm>> -> memref<100000x16xf32, #tpu.memory_space<hbm>>
      tpu.wait_indirect_dma semaphore(%arg19 : memref<!tpu.dma_semaphore, #tpu.memory_space<semaphore_mem>>) src(%dma_wait3A_236 : memref<100000x16xf32, #tpu.memory_space<hbm>>) dst(%dma_wait3A_230 : memref<125x16xf32, #tpu.memory_space<vmem>>)
      %dma_wait3A_237 = arith.constant 2 : i32
      %dma_wait3A_238 = arith.constant 250 : i32
      %dma_wait3A_239 = arith.constant 0 : i32
      %dma_wait3A_240 = tpu.memref_slice %arg11[%dma_wait3A_238, %dma_wait3A_239] : memref<2000x16xf32, #tpu.memory_space<vmem>> -> memref<125x16xf32, #tpu.memory_space<vmem>>
      %dma_wait3A_241 = arith.constant 0 : i32
      %dma_wait3A_242 = tpu.memref_slice %arg14[%dma_wait3A_237, %dma_wait3A_241] : memref<16x125xi32, #tpu.memory_space<vmem>> -> memref<1x125xi32, #tpu.memory_space<vmem>>
      %dma_wait3A_243 = tpu.memref_squeeze %dma_wait3A_242 : memref<1x125xi32, #tpu.memory_space<vmem>> -> memref<125xi32, #tpu.memory_space<vmem>>
      %dma_wait3A_244 = arith.constant 0 : i32
      %dma_wait3A_245 = arith.constant 0 : i32
      %dma_wait3A_246 = tpu.memref_slice %arg2[%dma_wait3A_244, %dma_wait3A_245] : memref<100000x16xf32, #tpu.memory_space<hbm>> -> memref<100000x16xf32, #tpu.memory_space<hbm>>
      tpu.wait_indirect_dma semaphore(%arg19 : memref<!tpu.dma_semaphore, #tpu.memory_space<semaphore_mem>>) src(%dma_wait3A_246 : memref<100000x16xf32, #tpu.memory_space<hbm>>) dst(%dma_wait3A_240 : memref<125x16xf32, #tpu.memory_space<vmem>>)
      %dma_wait3A_247 = arith.constant 3 : i32
      %dma_wait3A_248 = arith.constant 375 : i32
      %dma_wait3A_249 = arith.constant 0 : i32
      %dma_wait3A_250 = tpu.memref_slice %arg11[%dma_wait3A_248, %dma_wait3A_249] : memref<2000x16xf32, #tpu.memory_space<vmem>> -> memref<125x16xf32, #tpu.memory_space<vmem>>
      %dma_wait3A_251 = arith.constant 0 : i32
      %dma_wait3A_252 = tpu.memref_slice %arg14[%dma_wait3A_247, %dma_wait3A_251] : memref<16x125xi32, #tpu.memory_space<vmem>> -> memref<1x125xi32, #tpu.memory_space<vmem>>
      %dma_wait3A_253 = tpu.memref_squeeze %dma_wait3A_252 : memref<1x125xi32, #tpu.memory_space<vmem>> -> memref<125xi32, #tpu.memory_space<vmem>>
      %dma_wait3A_254 = arith.constant 0 : i32
      %dma_wait3A_255 = arith.constant 0 : i32
      %dma_wait3A_256 = tpu.memref_slice %arg2[%dma_wait3A_254, %dma_wait3A_255] : memref<100000x16xf32, #tpu.memory_space<hbm>> -> memref<100000x16xf32, #tpu.memory_space<hbm>>
      tpu.wait_indirect_dma semaphore(%arg19 : memref<!tpu.dma_semaphore, #tpu.memory_space<semaphore_mem>>) src(%dma_wait3A_256 : memref<100000x16xf32, #tpu.memory_space<hbm>>) dst(%dma_wait3A_250 : memref<125x16xf32, #tpu.memory_space<vmem>>)
      %dma_wait3A_257 = arith.constant 4 : i32
      %dma_wait3A_258 = arith.constant 500 : i32
      %dma_wait3A_259 = arith.constant 0 : i32
      %dma_wait3A_260 = tpu.memref_slice %arg11[%dma_wait3A_258, %dma_wait3A_259] : memref<2000x16xf32, #tpu.memory_space<vmem>> -> memref<125x16xf32, #tpu.memory_space<vmem>>
      %dma_wait3A_261 = arith.constant 0 : i32
      %dma_wait3A_262 = tpu.memref_slice %arg14[%dma_wait3A_257, %dma_wait3A_261] : memref<16x125xi32, #tpu.memory_space<vmem>> -> memref<1x125xi32, #tpu.memory_space<vmem>>
      %dma_wait3A_263 = tpu.memref_squeeze %dma_wait3A_262 : memref<1x125xi32, #tpu.memory_space<vmem>> -> memref<125xi32, #tpu.memory_space<vmem>>
      %dma_wait3A_264 = arith.constant 0 : i32
      %dma_wait3A_265 = arith.constant 0 : i32
      %dma_wait3A_266 = tpu.memref_slice %arg2[%dma_wait3A_264, %dma_wait3A_265] : memref<100000x16xf32, #tpu.memory_space<hbm>> -> memref<100000x16xf32, #tpu.memory_space<hbm>>
      tpu.wait_indirect_dma semaphore(%arg19 : memref<!tpu.dma_semaphore, #tpu.memory_space<semaphore_mem>>) src(%dma_wait3A_266 : memref<100000x16xf32, #tpu.memory_space<hbm>>) dst(%dma_wait3A_260 : memref<125x16xf32, #tpu.memory_space<vmem>>)
      %dma_wait3A_267 = arith.constant 5 : i32
      %dma_wait3A_268 = arith.constant 625 : i32
      %dma_wait3A_269 = arith.constant 0 : i32
      %dma_wait3A_270 = tpu.memref_slice %arg11[%dma_wait3A_268, %dma_wait3A_269] : memref<2000x16xf32, #tpu.memory_space<vmem>> -> memref<125x16xf32, #tpu.memory_space<vmem>>
      %dma_wait3A_271 = arith.constant 0 : i32
      %dma_wait3A_272 = tpu.memref_slice %arg14[%dma_wait3A_267, %dma_wait3A_271] : memref<16x125xi32, #tpu.memory_space<vmem>> -> memref<1x125xi32, #tpu.memory_space<vmem>>
      %dma_wait3A_273 = tpu.memref_squeeze %dma_wait3A_272 : memref<1x125xi32, #tpu.memory_space<vmem>> -> memref<125xi32, #tpu.memory_space<vmem>>
      %dma_wait3A_274 = arith.constant 0 : i32
      %dma_wait3A_275 = arith.constant 0 : i32
      %dma_wait3A_276 = tpu.memref_slice %arg2[%dma_wait3A_274, %dma_wait3A_275] : memref<100000x16xf32, #tpu.memory_space<hbm>> -> memref<100000x16xf32, #tpu.memory_space<hbm>>
      tpu.wait_indirect_dma semaphore(%arg19 : memref<!tpu.dma_semaphore, #tpu.memory_space<semaphore_mem>>) src(%dma_wait3A_276 : memref<100000x16xf32, #tpu.memory_space<hbm>>) dst(%dma_wait3A_270 : memref<125x16xf32, #tpu.memory_space<vmem>>)
      %dma_wait3A_277 = arith.constant 6 : i32
      %dma_wait3A_278 = arith.constant 750 : i32
      %dma_wait3A_279 = arith.constant 0 : i32
      %dma_wait3A_280 = tpu.memref_slice %arg11[%dma_wait3A_278, %dma_wait3A_279] : memref<2000x16xf32, #tpu.memory_space<vmem>> -> memref<125x16xf32, #tpu.memory_space<vmem>>
      %dma_wait3A_281 = arith.constant 0 : i32
      %dma_wait3A_282 = tpu.memref_slice %arg14[%dma_wait3A_277, %dma_wait3A_281] : memref<16x125xi32, #tpu.memory_space<vmem>> -> memref<1x125xi32, #tpu.memory_space<vmem>>
      %dma_wait3A_283 = tpu.memref_squeeze %dma_wait3A_282 : memref<1x125xi32, #tpu.memory_space<vmem>> -> memref<125xi32, #tpu.memory_space<vmem>>
      %dma_wait3A_284 = arith.constant 0 : i32
      %dma_wait3A_285 = arith.constant 0 : i32
      %dma_wait3A_286 = tpu.memref_slice %arg2[%dma_wait3A_284, %dma_wait3A_285] : memref<100000x16xf32, #tpu.memory_space<hbm>> -> memref<100000x16xf32, #tpu.memory_space<hbm>>
      tpu.wait_indirect_dma semaphore(%arg19 : memref<!tpu.dma_semaphore, #tpu.memory_space<semaphore_mem>>) src(%dma_wait3A_286 : memref<100000x16xf32, #tpu.memory_space<hbm>>) dst(%dma_wait3A_280 : memref<125x16xf32, #tpu.memory_space<vmem>>)
      %dma_wait3A_287 = arith.constant 7 : i32
      %dma_wait3A_288 = arith.constant 875 : i32
      %dma_wait3A_289 = arith.constant 0 : i32
      %dma_wait3A_290 = tpu.memref_slice %arg11[%dma_wait3A_288, %dma_wait3A_289] : memref<2000x16xf32, #tpu.memory_space<vmem>> -> memref<125x16xf32, #tpu.memory_space<vmem>>
      %dma_wait3A_291 = arith.constant 0 : i32
      %dma_wait3A_292 = tpu.memref_slice %arg14[%dma_wait3A_287, %dma_wait3A_291] : memref<16x125xi32, #tpu.memory_space<vmem>> -> memref<1x125xi32, #tpu.memory_space<vmem>>
      %dma_wait3A_293 = tpu.memref_squeeze %dma_wait3A_292 : memref<1x125xi32, #tpu.memory_space<vmem>> -> memref<125xi32, #tpu.memory_space<vmem>>
      %dma_wait3A_294 = arith.constant 0 : i32
      %dma_wait3A_295 = arith.constant 0 : i32
      %dma_wait3A_296 = tpu.memref_slice %arg2[%dma_wait3A_294, %dma_wait3A_295] : memref<100000x16xf32, #tpu.memory_space<hbm>> -> memref<100000x16xf32, #tpu.memory_space<hbm>>
      tpu.wait_indirect_dma semaphore(%arg19 : memref<!tpu.dma_semaphore, #tpu.memory_space<semaphore_mem>>) src(%dma_wait3A_296 : memref<100000x16xf32, #tpu.memory_space<hbm>>) dst(%dma_wait3A_290 : memref<125x16xf32, #tpu.memory_space<vmem>>)
      %dma_wait3A_297 = arith.constant 8 : i32
      %dma_wait3A_298 = arith.constant 1000 : i32
      %dma_wait3A_299 = arith.constant 0 : i32
      %dma_wait3A_300 = tpu.memref_slice %arg11[%dma_wait3A_298, %dma_wait3A_299] : memref<2000x16xf32, #tpu.memory_space<vmem>> -> memref<125x16xf32, #tpu.memory_space<vmem>>
      %dma_wait3A_301 = arith.constant 0 : i32
      %dma_wait3A_302 = tpu.memref_slice %arg14[%dma_wait3A_297, %dma_wait3A_301] : memref<16x125xi32, #tpu.memory_space<vmem>> -> memref<1x125xi32, #tpu.memory_space<vmem>>
      %dma_wait3A_303 = tpu.memref_squeeze %dma_wait3A_302 : memref<1x125xi32, #tpu.memory_space<vmem>> -> memref<125xi32, #tpu.memory_space<vmem>>
      %dma_wait3A_304 = arith.constant 0 : i32
      %dma_wait3A_305 = arith.constant 0 : i32
      %dma_wait3A_306 = tpu.memref_slice %arg2[%dma_wait3A_304, %dma_wait3A_305] : memref<100000x16xf32, #tpu.memory_space<hbm>> -> memref<100000x16xf32, #tpu.memory_space<hbm>>
      tpu.wait_indirect_dma semaphore(%arg19 : memref<!tpu.dma_semaphore, #tpu.memory_space<semaphore_mem>>) src(%dma_wait3A_306 : memref<100000x16xf32, #tpu.memory_space<hbm>>) dst(%dma_wait3A_300 : memref<125x16xf32, #tpu.memory_space<vmem>>)
      %dma_wait3A_307 = arith.constant 9 : i32
      %dma_wait3A_308 = arith.constant 1125 : i32
      %dma_wait3A_309 = arith.constant 0 : i32
      %dma_wait3A_310 = tpu.memref_slice %arg11[%dma_wait3A_308, %dma_wait3A_309] : memref<2000x16xf32, #tpu.memory_space<vmem>> -> memref<125x16xf32, #tpu.memory_space<vmem>>
      %dma_wait3A_311 = arith.constant 0 : i32
      %dma_wait3A_312 = tpu.memref_slice %arg14[%dma_wait3A_307, %dma_wait3A_311] : memref<16x125xi32, #tpu.memory_space<vmem>> -> memref<1x125xi32, #tpu.memory_space<vmem>>
      %dma_wait3A_313 = tpu.memref_squeeze %dma_wait3A_312 : memref<1x125xi32, #tpu.memory_space<vmem>> -> memref<125xi32, #tpu.memory_space<vmem>>
      %dma_wait3A_314 = arith.constant 0 : i32
      %dma_wait3A_315 = arith.constant 0 : i32
      %dma_wait3A_316 = tpu.memref_slice %arg2[%dma_wait3A_314, %dma_wait3A_315] : memref<100000x16xf32, #tpu.memory_space<hbm>> -> memref<100000x16xf32, #tpu.memory_space<hbm>>
      tpu.wait_indirect_dma semaphore(%arg19 : memref<!tpu.dma_semaphore, #tpu.memory_space<semaphore_mem>>) src(%dma_wait3A_316 : memref<100000x16xf32, #tpu.memory_space<hbm>>) dst(%dma_wait3A_310 : memref<125x16xf32, #tpu.memory_space<vmem>>)
      %dma_wait3A_317 = arith.constant 10 : i32
      %dma_wait3A_318 = arith.constant 1250 : i32
      %dma_wait3A_319 = arith.constant 0 : i32
      %dma_wait3A_320 = tpu.memref_slice %arg11[%dma_wait3A_318, %dma_wait3A_319] : memref<2000x16xf32, #tpu.memory_space<vmem>> -> memref<125x16xf32, #tpu.memory_space<vmem>>
      %dma_wait3A_321 = arith.constant 0 : i32
      %dma_wait3A_322 = tpu.memref_slice %arg14[%dma_wait3A_317, %dma_wait3A_321] : memref<16x125xi32, #tpu.memory_space<vmem>> -> memref<1x125xi32, #tpu.memory_space<vmem>>
      %dma_wait3A_323 = tpu.memref_squeeze %dma_wait3A_322 : memref<1x125xi32, #tpu.memory_space<vmem>> -> memref<125xi32, #tpu.memory_space<vmem>>
      %dma_wait3A_324 = arith.constant 0 : i32
      %dma_wait3A_325 = arith.constant 0 : i32
      %dma_wait3A_326 = tpu.memref_slice %arg2[%dma_wait3A_324, %dma_wait3A_325] : memref<100000x16xf32, #tpu.memory_space<hbm>> -> memref<100000x16xf32, #tpu.memory_space<hbm>>
      tpu.wait_indirect_dma semaphore(%arg19 : memref<!tpu.dma_semaphore, #tpu.memory_space<semaphore_mem>>) src(%dma_wait3A_326 : memref<100000x16xf32, #tpu.memory_space<hbm>>) dst(%dma_wait3A_320 : memref<125x16xf32, #tpu.memory_space<vmem>>)
      %dma_wait3A_327 = arith.constant 11 : i32
      %dma_wait3A_328 = arith.constant 1375 : i32
      %dma_wait3A_329 = arith.constant 0 : i32
      %dma_wait3A_330 = tpu.memref_slice %arg11[%dma_wait3A_328, %dma_wait3A_329] : memref<2000x16xf32, #tpu.memory_space<vmem>> -> memref<125x16xf32, #tpu.memory_space<vmem>>
      %dma_wait3A_331 = arith.constant 0 : i32
      %dma_wait3A_332 = tpu.memref_slice %arg14[%dma_wait3A_327, %dma_wait3A_331] : memref<16x125xi32, #tpu.memory_space<vmem>> -> memref<1x125xi32, #tpu.memory_space<vmem>>
      %dma_wait3A_333 = tpu.memref_squeeze %dma_wait3A_332 : memref<1x125xi32, #tpu.memory_space<vmem>> -> memref<125xi32, #tpu.memory_space<vmem>>
      %dma_wait3A_334 = arith.constant 0 : i32
      %dma_wait3A_335 = arith.constant 0 : i32
      %dma_wait3A_336 = tpu.memref_slice %arg2[%dma_wait3A_334, %dma_wait3A_335] : memref<100000x16xf32, #tpu.memory_space<hbm>> -> memref<100000x16xf32, #tpu.memory_space<hbm>>
      tpu.wait_indirect_dma semaphore(%arg19 : memref<!tpu.dma_semaphore, #tpu.memory_space<semaphore_mem>>) src(%dma_wait3A_336 : memref<100000x16xf32, #tpu.memory_space<hbm>>) dst(%dma_wait3A_330 : memref<125x16xf32, #tpu.memory_space<vmem>>)
      %dma_wait3A_337 = arith.constant 12 : i32
      %dma_wait3A_338 = arith.constant 1500 : i32
      %dma_wait3A_339 = arith.constant 0 : i32
      %dma_wait3A_340 = tpu.memref_slice %arg11[%dma_wait3A_338, %dma_wait3A_339] : memref<2000x16xf32, #tpu.memory_space<vmem>> -> memref<125x16xf32, #tpu.memory_space<vmem>>
      %dma_wait3A_341 = arith.constant 0 : i32
      %dma_wait3A_342 = tpu.memref_slice %arg14[%dma_wait3A_337, %dma_wait3A_341] : memref<16x125xi32, #tpu.memory_space<vmem>> -> memref<1x125xi32, #tpu.memory_space<vmem>>
      %dma_wait3A_343 = tpu.memref_squeeze %dma_wait3A_342 : memref<1x125xi32, #tpu.memory_space<vmem>> -> memref<125xi32, #tpu.memory_space<vmem>>
      %dma_wait3A_344 = arith.constant 0 : i32
      %dma_wait3A_345 = arith.constant 0 : i32
      %dma_wait3A_346 = tpu.memref_slice %arg2[%dma_wait3A_344, %dma_wait3A_345] : memref<100000x16xf32, #tpu.memory_space<hbm>> -> memref<100000x16xf32, #tpu.memory_space<hbm>>
      tpu.wait_indirect_dma semaphore(%arg19 : memref<!tpu.dma_semaphore, #tpu.memory_space<semaphore_mem>>) src(%dma_wait3A_346 : memref<100000x16xf32, #tpu.memory_space<hbm>>) dst(%dma_wait3A_340 : memref<125x16xf32, #tpu.memory_space<vmem>>)
      %dma_wait3A_347 = arith.constant 13 : i32
      %dma_wait3A_348 = arith.constant 1625 : i32
      %dma_wait3A_349 = arith.constant 0 : i32
      %dma_wait3A_350 = tpu.memref_slice %arg11[%dma_wait3A_348, %dma_wait3A_349] : memref<2000x16xf32, #tpu.memory_space<vmem>> -> memref<125x16xf32, #tpu.memory_space<vmem>>
      %dma_wait3A_351 = arith.constant 0 : i32
      %dma_wait3A_352 = tpu.memref_slice %arg14[%dma_wait3A_347, %dma_wait3A_351] : memref<16x125xi32, #tpu.memory_space<vmem>> -> memref<1x125xi32, #tpu.memory_space<vmem>>
      %dma_wait3A_353 = tpu.memref_squeeze %dma_wait3A_352 : memref<1x125xi32, #tpu.memory_space<vmem>> -> memref<125xi32, #tpu.memory_space<vmem>>
      %dma_wait3A_354 = arith.constant 0 : i32
      %dma_wait3A_355 = arith.constant 0 : i32
      %dma_wait3A_356 = tpu.memref_slice %arg2[%dma_wait3A_354, %dma_wait3A_355] : memref<100000x16xf32, #tpu.memory_space<hbm>> -> memref<100000x16xf32, #tpu.memory_space<hbm>>
      tpu.wait_indirect_dma semaphore(%arg19 : memref<!tpu.dma_semaphore, #tpu.memory_space<semaphore_mem>>) src(%dma_wait3A_356 : memref<100000x16xf32, #tpu.memory_space<hbm>>) dst(%dma_wait3A_350 : memref<125x16xf32, #tpu.memory_space<vmem>>)
      %dma_wait3A_357 = arith.constant 14 : i32
      %dma_wait3A_358 = arith.constant 1750 : i32
      %dma_wait3A_359 = arith.constant 0 : i32
      %dma_wait3A_360 = tpu.memref_slice %arg11[%dma_wait3A_358, %dma_wait3A_359] : memref<2000x16xf32, #tpu.memory_space<vmem>> -> memref<125x16xf32, #tpu.memory_space<vmem>>
      %dma_wait3A_361 = arith.constant 0 : i32
      %dma_wait3A_362 = tpu.memref_slice %arg14[%dma_wait3A_357, %dma_wait3A_361] : memref<16x125xi32, #tpu.memory_space<vmem>> -> memref<1x125xi32, #tpu.memory_space<vmem>>
      %dma_wait3A_363 = tpu.memref_squeeze %dma_wait3A_362 : memref<1x125xi32, #tpu.memory_space<vmem>> -> memref<125xi32, #tpu.memory_space<vmem>>
      %dma_wait3A_364 = arith.constant 0 : i32
      %dma_wait3A_365 = arith.constant 0 : i32
      %dma_wait3A_366 = tpu.memref_slice %arg2[%dma_wait3A_364, %dma_wait3A_365] : memref<100000x16xf32, #tpu.memory_space<hbm>> -> memref<100000x16xf32, #tpu.memory_space<hbm>>
      tpu.wait_indirect_dma semaphore(%arg19 : memref<!tpu.dma_semaphore, #tpu.memory_space<semaphore_mem>>) src(%dma_wait3A_366 : memref<100000x16xf32, #tpu.memory_space<hbm>>) dst(%dma_wait3A_360 : memref<125x16xf32, #tpu.memory_space<vmem>>)
      %dma_wait3A_367 = arith.constant 15 : i32
      %dma_wait3A_368 = arith.constant 1875 : i32
      %dma_wait3A_369 = arith.constant 0 : i32
      %dma_wait3A_370 = tpu.memref_slice %arg11[%dma_wait3A_368, %dma_wait3A_369] : memref<2000x16xf32, #tpu.memory_space<vmem>> -> memref<125x16xf32, #tpu.memory_space<vmem>>
      %dma_wait3A_371 = arith.constant 0 : i32
      %dma_wait3A_372 = tpu.memref_slice %arg14[%dma_wait3A_367, %dma_wait3A_371] : memref<16x125xi32, #tpu.memory_space<vmem>> -> memref<1x125xi32, #tpu.memory_space<vmem>>
      %dma_wait3A_373 = tpu.memref_squeeze %dma_wait3A_372 : memref<1x125xi32, #tpu.memory_space<vmem>> -> memref<125xi32, #tpu.memory_space<vmem>>
      %dma_wait3A_374 = arith.constant 0 : i32
      %dma_wait3A_375 = arith.constant 0 : i32
      %dma_wait3A_376 = tpu.memref_slice %arg2[%dma_wait3A_374, %dma_wait3A_375] : memref<100000x16xf32, #tpu.memory_space<hbm>> -> memref<100000x16xf32, #tpu.memory_space<hbm>>
      tpu.wait_indirect_dma semaphore(%arg19 : memref<!tpu.dma_semaphore, #tpu.memory_space<semaphore_mem>>) src(%dma_wait3A_376 : memref<100000x16xf32, #tpu.memory_space<hbm>>) dst(%dma_wait3A_370 : memref<125x16xf32, #tpu.memory_space<vmem>>)
      %scan3A_377 = arith.constant 0 : i32
      %scan3A_378 = arith.constant 0 : i32
      %scan3A_379 = arith.constant 125 : i32
      %scan3A_380 = arith.addi %scan3A_378, %scan3A_379 : i32
      %scan3A_381 = arith.constant 1 : i32
      scf.for %scan3A_1023 = %scan3A_378 to %scan3A_380 step %scan3A_381  : i32 {
        %mul3A_1024 = arith.constant 16 : i32
        %mul3A_1025 = arith.muli %scan3A_1023, %mul3A_1024 : i32
        %get3A_1026 = arith.index_cast %mul3A_1025 : i32 to index
        %get3A_1027 = tpu.vector_load %arg16[%get3A_1026] {strides = array<i32>} : memref<2000xf32, #tpu.memory_space<vmem>>, vector<16xf32>,
        %mul3A_1028 = arith.constant 16 : i32
        %mul3A_1029 = arith.muli %scan3A_1023, %mul3A_1028 : i32
        %get3A_1030 = arith.index_cast %mul3A_1029 : i32 to index
        %get3A_1031 = tpu.vector_load %arg17[%get3A_1030] {strides = array<i32>} : memref<2000xf32, #tpu.memory_space<vmem>>, vector<16xf32>,
        %mul3A_1032 = arith.constant 16 : i32
        %mul3A_1033 = arith.muli %scan3A_1023, %mul3A_1032 : i32
        %add3A_1034 = vector.broadcast %mul3A_1033 : i32 to vector<16xi32>
        %add3A_1035 = arith.addi %add3A_1034, %iota3A : vector<16xi32>
        %mul3A_1036 = vector.broadcast %squeeze3A : f32 to vector<16xf32>
        %mul3A_1037 = arith.mulf %mul3A_1036, %get3A_1027 : vector<16xf32>
        %mul3A_1038 = vector.broadcast %squeeze3A_5 : f32 to vector<16xf32>
        %mul3A_1039 = arith.mulf %mul3A_1038, %get3A_1031 : vector<16xf32>
        %add3A_1040 = arith.addf %mul3A_1037, %mul3A_1039 : vector<16xf32>
        %add3A_1041 = vector.broadcast %squeeze3A_7 : f32 to vector<16xf32>
        %add3A_1042 = arith.addf %add3A_1040, %add3A_1041 : vector<16xf32>
        %max3A = arith.constant 0.000000e+00 : f32
        %max3A_1043 = vector.broadcast %max3A : f32 to vector<16xf32>
        %max3A_1044 = arith.maximumf %add3A_1042, %max3A_1043 : vector<16xf32>
        %mul3A_1045 = vector.broadcast %squeeze3A_9 : f32 to vector<16xf32>
        %mul3A_1046 = arith.mulf %mul3A_1045, %get3A_1027 : vector<16xf32>
        %mul3A_1047 = vector.broadcast %squeeze3A_11 : f32 to vector<16xf32>
        %mul3A_1048 = arith.mulf %mul3A_1047, %get3A_1031 : vector<16xf32>
        %add3A_1049 = arith.addf %mul3A_1046, %mul3A_1048 : vector<16xf32>
        %add3A_1050 = vector.broadcast %squeeze3A_13 : f32 to vector<16xf32>
        %add3A_1051 = arith.addf %add3A_1049, %add3A_1050 : vector<16xf32>
        %max3A_1052 = arith.constant 0.000000e+00 : f32
        %max3A_1053 = vector.broadcast %max3A_1052 : f32 to vector<16xf32>
        %max3A_1054 = arith.maximumf %add3A_1051, %max3A_1053 : vector<16xf32>
        %broadcast_in_dim3A = arith.constant 0 : i32
        %broadcast_in_dim3A_1055 = vector.broadcast %broadcast_in_dim3A : i32 to vector<16xi32>
        %gather3A = tpu.vector_load_idx %arg11[%add3A_1035, %broadcast_in_dim3A_1055] : memref<2000x16xf32, #tpu.memory_space<vmem>>[vector<16xi32>, vector<16xi32>], vector<16xf32>,
        %add3A_1056 = arith.constant 5 : i32
        %add3A_1057 = vector.broadcast %add3A_1056 : i32 to vector<16xi32>
        %add3A_1058 = arith.addi %broadcast_in_dim3A_1055, %add3A_1057 : vector<16xi32>
        %gather3A_1059 = tpu.vector_load_idx %arg11[%add3A_1035, %add3A_1058] : memref<2000x16xf32, #tpu.memory_space<vmem>>[vector<16xi32>, vector<16xi32>], vector<16xf32>,
        %add3A_1060 = arith.constant 10 : i32
        %add3A_1061 = vector.broadcast %add3A_1060 : i32 to vector<16xi32>
        %add3A_1062 = arith.addi %broadcast_in_dim3A_1055, %add3A_1061 : vector<16xi32>
        %gather3A_1063 = tpu.vector_load_idx %arg11[%add3A_1035, %add3A_1062] : memref<2000x16xf32, #tpu.memory_space<vmem>>[vector<16xi32>, vector<16xi32>], vector<16xf32>,
        %mul3A_1064 = arith.mulf %max3A_1044, %gather3A_1059 : vector<16xf32>
        %add3A_1065 = arith.addf %gather3A, %mul3A_1064 : vector<16xf32>
        %mul3A_1066 = arith.mulf %max3A_1054, %gather3A_1063 : vector<16xf32>
        %add3A_1067 = arith.addf %add3A_1065, %mul3A_1066 : vector<16xf32>
        tpu.vector_store_idx %arg12[%add3A_1035, %broadcast_in_dim3A_1055], %add3A_1067 : memref<2000x8xf32, #tpu.memory_space<vmem>>[vector<16xi32>, vector<16xi32>], vector<16xf32>,
        %broadcast_in_dim3A_1068 = arith.constant 1 : i32
        %broadcast_in_dim3A_1069 = vector.broadcast %broadcast_in_dim3A_1068 : i32 to vector<16xi32>
        %gather3A_1070 = tpu.vector_load_idx %arg11[%add3A_1035, %broadcast_in_dim3A_1069] : memref<2000x16xf32, #tpu.memory_space<vmem>>[vector<16xi32>, vector<16xi32>], vector<16xf32>,
        %add3A_1071 = arith.constant 5 : i32
        %add3A_1072 = vector.broadcast %add3A_1071 : i32 to vector<16xi32>
        %add3A_1073 = arith.addi %broadcast_in_dim3A_1069, %add3A_1072 : vector<16xi32>
        %gather3A_1074 = tpu.vector_load_idx %arg11[%add3A_1035, %add3A_1073] : memref<2000x16xf32, #tpu.memory_space<vmem>>[vector<16xi32>, vector<16xi32>], vector<16xf32>,
        %add3A_1075 = arith.constant 10 : i32
        %add3A_1076 = vector.broadcast %add3A_1075 : i32 to vector<16xi32>
        %add3A_1077 = arith.addi %broadcast_in_dim3A_1069, %add3A_1076 : vector<16xi32>
        %gather3A_1078 = tpu.vector_load_idx %arg11[%add3A_1035, %add3A_1077] : memref<2000x16xf32, #tpu.memory_space<vmem>>[vector<16xi32>, vector<16xi32>], vector<16xf32>,
        %mul3A_1079 = arith.mulf %max3A_1044, %gather3A_1074 : vector<16xf32>
        %add3A_1080 = arith.addf %gather3A_1070, %mul3A_1079 : vector<16xf32>
        %mul3A_1081 = arith.mulf %max3A_1054, %gather3A_1078 : vector<16xf32>
        %add3A_1082 = arith.addf %add3A_1080, %mul3A_1081 : vector<16xf32>
        tpu.vector_store_idx %arg12[%add3A_1035, %broadcast_in_dim3A_1069], %add3A_1082 : memref<2000x8xf32, #tpu.memory_space<vmem>>[vector<16xi32>, vector<16xi32>], vector<16xf32>,
        %broadcast_in_dim3A_1083 = arith.constant 2 : i32
        %broadcast_in_dim3A_1084 = vector.broadcast %broadcast_in_dim3A_1083 : i32 to vector<16xi32>
        %gather3A_1085 = tpu.vector_load_idx %arg11[%add3A_1035, %broadcast_in_dim3A_1084] : memref<2000x16xf32, #tpu.memory_space<vmem>>[vector<16xi32>, vector<16xi32>], vector<16xf32>,
        %add3A_1086 = arith.constant 5 : i32
        %add3A_1087 = vector.broadcast %add3A_1086 : i32 to vector<16xi32>
        %add3A_1088 = arith.addi %broadcast_in_dim3A_1084, %add3A_1087 : vector<16xi32>
        %gather3A_1089 = tpu.vector_load_idx %arg11[%add3A_1035, %add3A_1088] : memref<2000x16xf32, #tpu.memory_space<vmem>>[vector<16xi32>, vector<16xi32>], vector<16xf32>,
        %add3A_1090 = arith.constant 10 : i32
        %add3A_1091 = vector.broadcast %add3A_1090 : i32 to vector<16xi32>
        %add3A_1092 = arith.addi %broadcast_in_dim3A_1084, %add3A_1091 : vector<16xi32>
        %gather3A_1093 = tpu.vector_load_idx %arg11[%add3A_1035, %add3A_1092] : memref<2000x16xf32, #tpu.memory_space<vmem>>[vector<16xi32>, vector<16xi32>], vector<16xf32>,
        %mul3A_1094 = arith.mulf %max3A_1044, %gather3A_1089 : vector<16xf32>
        %add3A_1095 = arith.addf %gather3A_1085, %mul3A_1094 : vector<16xf32>
        %mul3A_1096 = arith.mulf %max3A_1054, %gather3A_1093 : vector<16xf32>
        %add3A_1097 = arith.addf %add3A_1095, %mul3A_1096 : vector<16xf32>
        tpu.vector_store_idx %arg12[%add3A_1035, %broadcast_in_dim3A_1084], %add3A_1097 : memref<2000x8xf32, #tpu.memory_space<vmem>>[vector<16xi32>, vector<16xi32>], vector<16xf32>,
        %broadcast_in_dim3A_1098 = arith.constant 3 : i32
        %broadcast_in_dim3A_1099 = vector.broadcast %broadcast_in_dim3A_1098 : i32 to vector<16xi32>
        %gather3A_1100 = tpu.vector_load_idx %arg11[%add3A_1035, %broadcast_in_dim3A_1099] : memref<2000x16xf32, #tpu.memory_space<vmem>>[vector<16xi32>, vector<16xi32>], vector<16xf32>,
        %add3A_1101 = arith.constant 5 : i32
        %add3A_1102 = vector.broadcast %add3A_1101 : i32 to vector<16xi32>
        %add3A_1103 = arith.addi %broadcast_in_dim3A_1099, %add3A_1102 : vector<16xi32>
        %gather3A_1104 = tpu.vector_load_idx %arg11[%add3A_1035, %add3A_1103] : memref<2000x16xf32, #tpu.memory_space<vmem>>[vector<16xi32>, vector<16xi32>], vector<16xf32>,
        %add3A_1105 = arith.constant 10 : i32
        %add3A_1106 = vector.broadcast %add3A_1105 : i32 to vector<16xi32>
        %add3A_1107 = arith.addi %broadcast_in_dim3A_1099, %add3A_1106 : vector<16xi32>
        %gather3A_1108 = tpu.vector_load_idx %arg11[%add3A_1035, %add3A_1107] : memref<2000x16xf32, #tpu.memory_space<vmem>>[vector<16xi32>, vector<16xi32>], vector<16xf32>,
        %mul3A_1109 = arith.mulf %max3A_1044, %gather3A_1104 : vector<16xf32>
        %add3A_1110 = arith.addf %gather3A_1100, %mul3A_1109 : vector<16xf32>
        %mul3A_1111 = arith.mulf %max3A_1054, %gather3A_1108 : vector<16xf32>
        %add3A_1112 = arith.addf %add3A_1110, %mul3A_1111 : vector<16xf32>
        tpu.vector_store_idx %arg12[%add3A_1035, %broadcast_in_dim3A_1099], %add3A_1112 : memref<2000x8xf32, #tpu.memory_space<vmem>>[vector<16xi32>, vector<16xi32>], vector<16xf32>,
        %broadcast_in_dim3A_1113 = arith.constant 4 : i32
        %broadcast_in_dim3A_1114 = vector.broadcast %broadcast_in_dim3A_1113 : i32 to vector<16xi32>
        %gather3A_1115 = tpu.vector_load_idx %arg11[%add3A_1035, %broadcast_in_dim3A_1114] : memref<2000x16xf32, #tpu.memory_space<vmem>>[vector<16xi32>, vector<16xi32>], vector<16xf32>,
        %add3A_1116 = arith.constant 5 : i32
        %add3A_1117 = vector.broadcast %add3A_1116 : i32 to vector<16xi32>
        %add3A_1118 = arith.addi %broadcast_in_dim3A_1114, %add3A_1117 : vector<16xi32>
        %gather3A_1119 = tpu.vector_load_idx %arg11[%add3A_1035, %add3A_1118] : memref<2000x16xf32, #tpu.memory_space<vmem>>[vector<16xi32>, vector<16xi32>], vector<16xf32>,
        %add3A_1120 = arith.constant 10 : i32
        %add3A_1121 = vector.broadcast %add3A_1120 : i32 to vector<16xi32>
        %add3A_1122 = arith.addi %broadcast_in_dim3A_1114, %add3A_1121 : vector<16xi32>
        %gather3A_1123 = tpu.vector_load_idx %arg11[%add3A_1035, %add3A_1122] : memref<2000x16xf32, #tpu.memory_space<vmem>>[vector<16xi32>, vector<16xi32>], vector<16xf32>,
        %mul3A_1124 = arith.mulf %max3A_1044, %gather3A_1119 : vector<16xf32>
        %add3A_1125 = arith.addf %gather3A_1115, %mul3A_1124 : vector<16xf32>
        %mul3A_1126 = arith.mulf %max3A_1054, %gather3A_1123 : vector<16xf32>
        %add3A_1127 = arith.addf %add3A_1125, %mul3A_1126 : vector<16xf32>
        tpu.vector_store_idx %arg12[%add3A_1035, %broadcast_in_dim3A_1114], %add3A_1127 : memref<2000x8xf32, #tpu.memory_space<vmem>>[vector<16xi32>, vector<16xi32>], vector<16xf32>,
        %eq3A = arith.constant 1.000000e+00 : f32
        %eq3A_1128 = vector.broadcast %eq3A : f32 to vector<16xf32>
        %eq3A_1129 = arith.cmpf oeq, %get3A_1031, %eq3A_1128 : vector<16xf32>
        %jit3A = arith.constant 1.000000e+00 : f32
        %jit3A_1130 = arith.constant 0.000000e+00 : f32
        %broadcast_in_dim3A_1131 = vector.broadcast %jit3A : f32 to vector<16xf32>
        %broadcast_in_dim3A_1132 = vector.broadcast %jit3A_1130 : f32 to vector<16xf32>
        %select_n3A = arith.select %eq3A_1129, %broadcast_in_dim3A_1131, %broadcast_in_dim3A_1132 : vector<16xi1>, vector<16xf32>
        %lt3A = arith.constant 5.000000e-02 : f32
        %lt3A_1133 = vector.broadcast %lt3A : f32 to vector<16xf32>
        %lt3A_1134 = arith.cmpf olt, %get3A_1027, %lt3A_1133 : vector<16xf32>
        %jit3A_1135 = arith.constant 1.000000e+00 : f32
        %jit3A_1136 = arith.constant 0.000000e+00 : f32
        %broadcast_in_dim3A_1137 = vector.broadcast %jit3A_1135 : f32 to vector<16xf32>
        %broadcast_in_dim3A_1138 = vector.broadcast %jit3A_1136 : f32 to vector<16xf32>
        %select_n3A_1139 = arith.select %lt3A_1134, %broadcast_in_dim3A_1137, %broadcast_in_dim3A_1138 : vector<16xi1>, vector<16xf32>
        %broadcast_in_dim3A_1140 = arith.constant 5 : i32
        %broadcast_in_dim3A_1141 = vector.broadcast %broadcast_in_dim3A_1140 : i32 to vector<16xi32>
        tpu.vector_store_idx %arg13[%add3A_1035, %broadcast_in_dim3A_1141], %select_n3A : memref<2000x8xf32, #tpu.memory_space<vmem>>[vector<16xi32>, vector<16xi32>], vector<16xf32>,
        %broadcast_in_dim3A_1142 = arith.constant 6 : i32
        %broadcast_in_dim3A_1143 = vector.broadcast %broadcast_in_dim3A_1142 : i32 to vector<16xi32>
        tpu.vector_store_idx %arg13[%add3A_1035, %broadcast_in_dim3A_1143], %select_n3A_1139 : memref<2000x8xf32, #tpu.memory_space<vmem>>[vector<16xi32>, vector<16xi32>], vector<16xf32>,
      }
      %scan3A_382 = arith.constant 125 : i32
      %dma_start3A_383 = arith.constant 0 : i32
      %dma_start3A_384 = arith.constant 0 : i32
      %dma_start3A_385 = arith.constant 0 : i32
      %dma_start3A_386 = tpu.memref_slice %arg12[%dma_start3A_384, %dma_start3A_385] : memref<2000x8xf32, #tpu.memory_space<vmem>> -> memref<125x8xf32, #tpu.memory_space<vmem>>
      %dma_start3A_387 = arith.constant 0 : i32
      %dma_start3A_388 = tpu.memref_slice %arg15[%dma_start3A_383, %dma_start3A_387] : memref<16x125xi32, #tpu.memory_space<vmem>> -> memref<1x125xi32, #tpu.memory_space<vmem>>
      %dma_start3A_389 = tpu.memref_squeeze %dma_start3A_388 : memref<1x125xi32, #tpu.memory_space<vmem>> -> memref<125xi32, #tpu.memory_space<vmem>>
      %dma_start3A_390 = arith.constant 0 : i32
      %dma_start3A_391 = arith.constant 0 : i32
      %dma_start3A_392 = tpu.memref_slice %arg10[%dma_start3A_390, %dma_start3A_391] : memref<100352x8xf32, #tpu.memory_space<vmem_shared>> -> memref<100352x8xf32, #tpu.memory_space<vmem_shared>>
      tpu.enqueue_indirect_dma source(%dma_start3A_386 : memref<125x8xf32, #tpu.memory_space<vmem>>) target(%dma_start3A_392 : memref<100352x8xf32, #tpu.memory_space<vmem_shared>>) offsets(%dma_start3A_389 : memref<125xi32, #tpu.memory_space<vmem>>) semaphore(%arg19 : memref<!tpu.dma_semaphore, #tpu.memory_space<semaphore_mem>>) {add = true}
      %dma_start3A_393 = arith.constant 0 : i32
      %dma_start3A_394 = arith.constant 0 : i32
      %dma_start3A_395 = arith.constant 0 : i32
      %dma_start3A_396 = tpu.memref_slice %arg13[%dma_start3A_394, %dma_start3A_395] : memref<2000x8xf32, #tpu.memory_space<vmem>> -> memref<125x8xf32, #tpu.memory_space<vmem>>
      %dma_start3A_397 = arith.constant 0 : i32
      %dma_start3A_398 = tpu.memref_slice %arg14[%dma_start3A_393, %dma_start3A_397] : memref<16x125xi32, #tpu.memory_space<vmem>> -> memref<1x125xi32, #tpu.memory_space<vmem>>
      %dma_start3A_399 = tpu.memref_squeeze %dma_start3A_398 : memref<1x125xi32, #tpu.memory_space<vmem>> -> memref<125xi32, #tpu.memory_space<vmem>>
      %dma_start3A_400 = arith.constant 0 : i32
      %dma_start3A_401 = arith.constant 0 : i32
      %dma_start3A_402 = tpu.memref_slice %arg10[%dma_start3A_400, %dma_start3A_401] : memref<100352x8xf32, #tpu.memory_space<vmem_shared>> -> memref<100352x8xf32, #tpu.memory_space<vmem_shared>>
      tpu.enqueue_indirect_dma source(%dma_start3A_396 : memref<125x8xf32, #tpu.memory_space<vmem>>) target(%dma_start3A_402 : memref<100352x8xf32, #tpu.memory_space<vmem_shared>>) offsets(%dma_start3A_399 : memref<125xi32, #tpu.memory_space<vmem>>) semaphore(%arg19 : memref<!tpu.dma_semaphore, #tpu.memory_space<semaphore_mem>>) {add = true}
      %dma_start3A_403 = arith.constant 1 : i32
      %dma_start3A_404 = arith.constant 125 : i32
      %dma_start3A_405 = arith.constant 0 : i32
      %dma_start3A_406 = tpu.memref_slice %arg12[%dma_start3A_404, %dma_start3A_405] : memref<2000x8xf32, #tpu.memory_space<vmem>> -> memref<125x8xf32, #tpu.memory_space<vmem>>
      %dma_start3A_407 = arith.constant 0 : i32
      %dma_start3A_408 = tpu.memref_slice %arg15[%dma_start3A_403, %dma_start3A_407] : memref<16x125xi32, #tpu.memory_space<vmem>> -> memref<1x125xi32, #tpu.memory_space<vmem>>
      %dma_start3A_409 = tpu.memref_squeeze %dma_start3A_408 : memref<1x125xi32, #tpu.memory_space<vmem>> -> memref<125xi32, #tpu.memory_space<vmem>>
      %dma_start3A_410 = arith.constant 0 : i32
      %dma_start3A_411 = arith.constant 0 : i32
      %dma_start3A_412 = tpu.memref_slice %arg10[%dma_start3A_410, %dma_start3A_411] : memref<100352x8xf32, #tpu.memory_space<vmem_shared>> -> memref<100352x8xf32, #tpu.memory_space<vmem_shared>>
      tpu.enqueue_indirect_dma source(%dma_start3A_406 : memref<125x8xf32, #tpu.memory_space<vmem>>) target(%dma_start3A_412 : memref<100352x8xf32, #tpu.memory_space<vmem_shared>>) offsets(%dma_start3A_409 : memref<125xi32, #tpu.memory_space<vmem>>) semaphore(%arg19 : memref<!tpu.dma_semaphore, #tpu.memory_space<semaphore_mem>>) {add = true}
      %dma_start3A_413 = arith.constant 1 : i32
      %dma_start3A_414 = arith.constant 125 : i32
      %dma_start3A_415 = arith.constant 0 : i32
      %dma_start3A_416 = tpu.memref_slice %arg13[%dma_start3A_414, %dma_start3A_415] : memref<2000x8xf32, #tpu.memory_space<vmem>> -> memref<125x8xf32, #tpu.memory_space<vmem>>
      %dma_start3A_417 = arith.constant 0 : i32
      %dma_start3A_418 = tpu.memref_slice %arg14[%dma_start3A_413, %dma_start3A_417] : memref<16x125xi32, #tpu.memory_space<vmem>> -> memref<1x125xi32, #tpu.memory_space<vmem>>
      %dma_start3A_419 = tpu.memref_squeeze %dma_start3A_418 : memref<1x125xi32, #tpu.memory_space<vmem>> -> memref<125xi32, #tpu.memory_space<vmem>>
      %dma_start3A_420 = arith.constant 0 : i32
      %dma_start3A_421 = arith.constant 0 : i32
      %dma_start3A_422 = tpu.memref_slice %arg10[%dma_start3A_420, %dma_start3A_421] : memref<100352x8xf32, #tpu.memory_space<vmem_shared>> -> memref<100352x8xf32, #tpu.memory_space<vmem_shared>>
      tpu.enqueue_indirect_dma source(%dma_start3A_416 : memref<125x8xf32, #tpu.memory_space<vmem>>) target(%dma_start3A_422 : memref<100352x8xf32, #tpu.memory_space<vmem_shared>>) offsets(%dma_start3A_419 : memref<125xi32, #tpu.memory_space<vmem>>) semaphore(%arg19 : memref<!tpu.dma_semaphore, #tpu.memory_space<semaphore_mem>>) {add = true}
      %dma_start3A_423 = arith.constant 2 : i32
      %dma_start3A_424 = arith.constant 250 : i32
      %dma_start3A_425 = arith.constant 0 : i32
      %dma_start3A_426 = tpu.memref_slice %arg12[%dma_start3A_424, %dma_start3A_425] : memref<2000x8xf32, #tpu.memory_space<vmem>> -> memref<125x8xf32, #tpu.memory_space<vmem>>
      %dma_start3A_427 = arith.constant 0 : i32
      %dma_start3A_428 = tpu.memref_slice %arg15[%dma_start3A_423, %dma_start3A_427] : memref<16x125xi32, #tpu.memory_space<vmem>> -> memref<1x125xi32, #tpu.memory_space<vmem>>
      %dma_start3A_429 = tpu.memref_squeeze %dma_start3A_428 : memref<1x125xi32, #tpu.memory_space<vmem>> -> memref<125xi32, #tpu.memory_space<vmem>>
      %dma_start3A_430 = arith.constant 0 : i32
      %dma_start3A_431 = arith.constant 0 : i32
      %dma_start3A_432 = tpu.memref_slice %arg10[%dma_start3A_430, %dma_start3A_431] : memref<100352x8xf32, #tpu.memory_space<vmem_shared>> -> memref<100352x8xf32, #tpu.memory_space<vmem_shared>>
      tpu.enqueue_indirect_dma source(%dma_start3A_426 : memref<125x8xf32, #tpu.memory_space<vmem>>) target(%dma_start3A_432 : memref<100352x8xf32, #tpu.memory_space<vmem_shared>>) offsets(%dma_start3A_429 : memref<125xi32, #tpu.memory_space<vmem>>) semaphore(%arg19 : memref<!tpu.dma_semaphore, #tpu.memory_space<semaphore_mem>>) {add = true}
      %dma_start3A_433 = arith.constant 2 : i32
      %dma_start3A_434 = arith.constant 250 : i32
      %dma_start3A_435 = arith.constant 0 : i32
      %dma_start3A_436 = tpu.memref_slice %arg13[%dma_start3A_434, %dma_start3A_435] : memref<2000x8xf32, #tpu.memory_space<vmem>> -> memref<125x8xf32, #tpu.memory_space<vmem>>
      %dma_start3A_437 = arith.constant 0 : i32
      %dma_start3A_438 = tpu.memref_slice %arg14[%dma_start3A_433, %dma_start3A_437] : memref<16x125xi32, #tpu.memory_space<vmem>> -> memref<1x125xi32, #tpu.memory_space<vmem>>
      %dma_start3A_439 = tpu.memref_squeeze %dma_start3A_438 : memref<1x125xi32, #tpu.memory_space<vmem>> -> memref<125xi32, #tpu.memory_space<vmem>>
      %dma_start3A_440 = arith.constant 0 : i32
      %dma_start3A_441 = arith.constant 0 : i32
      %dma_start3A_442 = tpu.memref_slice %arg10[%dma_start3A_440, %dma_start3A_441] : memref<100352x8xf32, #tpu.memory_space<vmem_shared>> -> memref<100352x8xf32, #tpu.memory_space<vmem_shared>>
      tpu.enqueue_indirect_dma source(%dma_start3A_436 : memref<125x8xf32, #tpu.memory_space<vmem>>) target(%dma_start3A_442 : memref<100352x8xf32, #tpu.memory_space<vmem_shared>>) offsets(%dma_start3A_439 : memref<125xi32, #tpu.memory_space<vmem>>) semaphore(%arg19 : memref<!tpu.dma_semaphore, #tpu.memory_space<semaphore_mem>>) {add = true}
      %dma_start3A_443 = arith.constant 3 : i32
      %dma_start3A_444 = arith.constant 375 : i32
      %dma_start3A_445 = arith.constant 0 : i32
      %dma_start3A_446 = tpu.memref_slice %arg12[%dma_start3A_444, %dma_start3A_445] : memref<2000x8xf32, #tpu.memory_space<vmem>> -> memref<125x8xf32, #tpu.memory_space<vmem>>
      %dma_start3A_447 = arith.constant 0 : i32
      %dma_start3A_448 = tpu.memref_slice %arg15[%dma_start3A_443, %dma_start3A_447] : memref<16x125xi32, #tpu.memory_space<vmem>> -> memref<1x125xi32, #tpu.memory_space<vmem>>
      %dma_start3A_449 = tpu.memref_squeeze %dma_start3A_448 : memref<1x125xi32, #tpu.memory_space<vmem>> -> memref<125xi32, #tpu.memory_space<vmem>>
      %dma_start3A_450 = arith.constant 0 : i32
      %dma_start3A_451 = arith.constant 0 : i32
      %dma_start3A_452 = tpu.memref_slice %arg10[%dma_start3A_450, %dma_start3A_451] : memref<100352x8xf32, #tpu.memory_space<vmem_shared>> -> memref<100352x8xf32, #tpu.memory_space<vmem_shared>>
      tpu.enqueue_indirect_dma source(%dma_start3A_446 : memref<125x8xf32, #tpu.memory_space<vmem>>) target(%dma_start3A_452 : memref<100352x8xf32, #tpu.memory_space<vmem_shared>>) offsets(%dma_start3A_449 : memref<125xi32, #tpu.memory_space<vmem>>) semaphore(%arg19 : memref<!tpu.dma_semaphore, #tpu.memory_space<semaphore_mem>>) {add = true}
      %dma_start3A_453 = arith.constant 3 : i32
      %dma_start3A_454 = arith.constant 375 : i32
      %dma_start3A_455 = arith.constant 0 : i32
      %dma_start3A_456 = tpu.memref_slice %arg13[%dma_start3A_454, %dma_start3A_455] : memref<2000x8xf32, #tpu.memory_space<vmem>> -> memref<125x8xf32, #tpu.memory_space<vmem>>
      %dma_start3A_457 = arith.constant 0 : i32
      %dma_start3A_458 = tpu.memref_slice %arg14[%dma_start3A_453, %dma_start3A_457] : memref<16x125xi32, #tpu.memory_space<vmem>> -> memref<1x125xi32, #tpu.memory_space<vmem>>
      %dma_start3A_459 = tpu.memref_squeeze %dma_start3A_458 : memref<1x125xi32, #tpu.memory_space<vmem>> -> memref<125xi32, #tpu.memory_space<vmem>>
      %dma_start3A_460 = arith.constant 0 : i32
      %dma_start3A_461 = arith.constant 0 : i32
      %dma_start3A_462 = tpu.memref_slice %arg10[%dma_start3A_460, %dma_start3A_461] : memref<100352x8xf32, #tpu.memory_space<vmem_shared>> -> memref<100352x8xf32, #tpu.memory_space<vmem_shared>>
      tpu.enqueue_indirect_dma source(%dma_start3A_456 : memref<125x8xf32, #tpu.memory_space<vmem>>) target(%dma_start3A_462 : memref<100352x8xf32, #tpu.memory_space<vmem_shared>>) offsets(%dma_start3A_459 : memref<125xi32, #tpu.memory_space<vmem>>) semaphore(%arg19 : memref<!tpu.dma_semaphore, #tpu.memory_space<semaphore_mem>>) {add = true}
      %dma_start3A_463 = arith.constant 4 : i32
      %dma_start3A_464 = arith.constant 500 : i32
      %dma_start3A_465 = arith.constant 0 : i32
      %dma_start3A_466 = tpu.memref_slice %arg12[%dma_start3A_464, %dma_start3A_465] : memref<2000x8xf32, #tpu.memory_space<vmem>> -> memref<125x8xf32, #tpu.memory_space<vmem>>
      %dma_start3A_467 = arith.constant 0 : i32
      %dma_start3A_468 = tpu.memref_slice %arg15[%dma_start3A_463, %dma_start3A_467] : memref<16x125xi32, #tpu.memory_space<vmem>> -> memref<1x125xi32, #tpu.memory_space<vmem>>
      %dma_start3A_469 = tpu.memref_squeeze %dma_start3A_468 : memref<1x125xi32, #tpu.memory_space<vmem>> -> memref<125xi32, #tpu.memory_space<vmem>>
      %dma_start3A_470 = arith.constant 0 : i32
      %dma_start3A_471 = arith.constant 0 : i32
      %dma_start3A_472 = tpu.memref_slice %arg10[%dma_start3A_470, %dma_start3A_471] : memref<100352x8xf32, #tpu.memory_space<vmem_shared>> -> memref<100352x8xf32, #tpu.memory_space<vmem_shared>>
      tpu.enqueue_indirect_dma source(%dma_start3A_466 : memref<125x8xf32, #tpu.memory_space<vmem>>) target(%dma_start3A_472 : memref<100352x8xf32, #tpu.memory_space<vmem_shared>>) offsets(%dma_start3A_469 : memref<125xi32, #tpu.memory_space<vmem>>) semaphore(%arg19 : memref<!tpu.dma_semaphore, #tpu.memory_space<semaphore_mem>>) {add = true}
      %dma_start3A_473 = arith.constant 4 : i32
      %dma_start3A_474 = arith.constant 500 : i32
      %dma_start3A_475 = arith.constant 0 : i32
      %dma_start3A_476 = tpu.memref_slice %arg13[%dma_start3A_474, %dma_start3A_475] : memref<2000x8xf32, #tpu.memory_space<vmem>> -> memref<125x8xf32, #tpu.memory_space<vmem>>
      %dma_start3A_477 = arith.constant 0 : i32
      %dma_start3A_478 = tpu.memref_slice %arg14[%dma_start3A_473, %dma_start3A_477] : memref<16x125xi32, #tpu.memory_space<vmem>> -> memref<1x125xi32, #tpu.memory_space<vmem>>
      %dma_start3A_479 = tpu.memref_squeeze %dma_start3A_478 : memref<1x125xi32, #tpu.memory_space<vmem>> -> memref<125xi32, #tpu.memory_space<vmem>>
      %dma_start3A_480 = arith.constant 0 : i32
      %dma_start3A_481 = arith.constant 0 : i32
      %dma_start3A_482 = tpu.memref_slice %arg10[%dma_start3A_480, %dma_start3A_481] : memref<100352x8xf32, #tpu.memory_space<vmem_shared>> -> memref<100352x8xf32, #tpu.memory_space<vmem_shared>>
      tpu.enqueue_indirect_dma source(%dma_start3A_476 : memref<125x8xf32, #tpu.memory_space<vmem>>) target(%dma_start3A_482 : memref<100352x8xf32, #tpu.memory_space<vmem_shared>>) offsets(%dma_start3A_479 : memref<125xi32, #tpu.memory_space<vmem>>) semaphore(%arg19 : memref<!tpu.dma_semaphore, #tpu.memory_space<semaphore_mem>>) {add = true}
      %dma_start3A_483 = arith.constant 5 : i32
      %dma_start3A_484 = arith.constant 625 : i32
      %dma_start3A_485 = arith.constant 0 : i32
      %dma_start3A_486 = tpu.memref_slice %arg12[%dma_start3A_484, %dma_start3A_485] : memref<2000x8xf32, #tpu.memory_space<vmem>> -> memref<125x8xf32, #tpu.memory_space<vmem>>
      %dma_start3A_487 = arith.constant 0 : i32
      %dma_start3A_488 = tpu.memref_slice %arg15[%dma_start3A_483, %dma_start3A_487] : memref<16x125xi32, #tpu.memory_space<vmem>> -> memref<1x125xi32, #tpu.memory_space<vmem>>
      %dma_start3A_489 = tpu.memref_squeeze %dma_start3A_488 : memref<1x125xi32, #tpu.memory_space<vmem>> -> memref<125xi32, #tpu.memory_space<vmem>>
      %dma_start3A_490 = arith.constant 0 : i32
      %dma_start3A_491 = arith.constant 0 : i32
      %dma_start3A_492 = tpu.memref_slice %arg10[%dma_start3A_490, %dma_start3A_491] : memref<100352x8xf32, #tpu.memory_space<vmem_shared>> -> memref<100352x8xf32, #tpu.memory_space<vmem_shared>>
      tpu.enqueue_indirect_dma source(%dma_start3A_486 : memref<125x8xf32, #tpu.memory_space<vmem>>) target(%dma_start3A_492 : memref<100352x8xf32, #tpu.memory_space<vmem_shared>>) offsets(%dma_start3A_489 : memref<125xi32, #tpu.memory_space<vmem>>) semaphore(%arg19 : memref<!tpu.dma_semaphore, #tpu.memory_space<semaphore_mem>>) {add = true}
      %dma_start3A_493 = arith.constant 5 : i32
      %dma_start3A_494 = arith.constant 625 : i32
      %dma_start3A_495 = arith.constant 0 : i32
      %dma_start3A_496 = tpu.memref_slice %arg13[%dma_start3A_494, %dma_start3A_495] : memref<2000x8xf32, #tpu.memory_space<vmem>> -> memref<125x8xf32, #tpu.memory_space<vmem>>
      %dma_start3A_497 = arith.constant 0 : i32
      %dma_start3A_498 = tpu.memref_slice %arg14[%dma_start3A_493, %dma_start3A_497] : memref<16x125xi32, #tpu.memory_space<vmem>> -> memref<1x125xi32, #tpu.memory_space<vmem>>
      %dma_start3A_499 = tpu.memref_squeeze %dma_start3A_498 : memref<1x125xi32, #tpu.memory_space<vmem>> -> memref<125xi32, #tpu.memory_space<vmem>>
      %dma_start3A_500 = arith.constant 0 : i32
      %dma_start3A_501 = arith.constant 0 : i32
      %dma_start3A_502 = tpu.memref_slice %arg10[%dma_start3A_500, %dma_start3A_501] : memref<100352x8xf32, #tpu.memory_space<vmem_shared>> -> memref<100352x8xf32, #tpu.memory_space<vmem_shared>>
      tpu.enqueue_indirect_dma source(%dma_start3A_496 : memref<125x8xf32, #tpu.memory_space<vmem>>) target(%dma_start3A_502 : memref<100352x8xf32, #tpu.memory_space<vmem_shared>>) offsets(%dma_start3A_499 : memref<125xi32, #tpu.memory_space<vmem>>) semaphore(%arg19 : memref<!tpu.dma_semaphore, #tpu.memory_space<semaphore_mem>>) {add = true}
      %dma_start3A_503 = arith.constant 6 : i32
      %dma_start3A_504 = arith.constant 750 : i32
      %dma_start3A_505 = arith.constant 0 : i32
      %dma_start3A_506 = tpu.memref_slice %arg12[%dma_start3A_504, %dma_start3A_505] : memref<2000x8xf32, #tpu.memory_space<vmem>> -> memref<125x8xf32, #tpu.memory_space<vmem>>
      %dma_start3A_507 = arith.constant 0 : i32
      %dma_start3A_508 = tpu.memref_slice %arg15[%dma_start3A_503, %dma_start3A_507] : memref<16x125xi32, #tpu.memory_space<vmem>> -> memref<1x125xi32, #tpu.memory_space<vmem>>
      %dma_start3A_509 = tpu.memref_squeeze %dma_start3A_508 : memref<1x125xi32, #tpu.memory_space<vmem>> -> memref<125xi32, #tpu.memory_space<vmem>>
      %dma_start3A_510 = arith.constant 0 : i32
      %dma_start3A_511 = arith.constant 0 : i32
      %dma_start3A_512 = tpu.memref_slice %arg10[%dma_start3A_510, %dma_start3A_511] : memref<100352x8xf32, #tpu.memory_space<vmem_shared>> -> memref<100352x8xf32, #tpu.memory_space<vmem_shared>>
      tpu.enqueue_indirect_dma source(%dma_start3A_506 : memref<125x8xf32, #tpu.memory_space<vmem>>) target(%dma_start3A_512 : memref<100352x8xf32, #tpu.memory_space<vmem_shared>>) offsets(%dma_start3A_509 : memref<125xi32, #tpu.memory_space<vmem>>) semaphore(%arg19 : memref<!tpu.dma_semaphore, #tpu.memory_space<semaphore_mem>>) {add = true}
      %dma_start3A_513 = arith.constant 6 : i32
      %dma_start3A_514 = arith.constant 750 : i32
      %dma_start3A_515 = arith.constant 0 : i32
      %dma_start3A_516 = tpu.memref_slice %arg13[%dma_start3A_514, %dma_start3A_515] : memref<2000x8xf32, #tpu.memory_space<vmem>> -> memref<125x8xf32, #tpu.memory_space<vmem>>
      %dma_start3A_517 = arith.constant 0 : i32
      %dma_start3A_518 = tpu.memref_slice %arg14[%dma_start3A_513, %dma_start3A_517] : memref<16x125xi32, #tpu.memory_space<vmem>> -> memref<1x125xi32, #tpu.memory_space<vmem>>
      %dma_start3A_519 = tpu.memref_squeeze %dma_start3A_518 : memref<1x125xi32, #tpu.memory_space<vmem>> -> memref<125xi32, #tpu.memory_space<vmem>>
      %dma_start3A_520 = arith.constant 0 : i32
      %dma_start3A_521 = arith.constant 0 : i32
      %dma_start3A_522 = tpu.memref_slice %arg10[%dma_start3A_520, %dma_start3A_521] : memref<100352x8xf32, #tpu.memory_space<vmem_shared>> -> memref<100352x8xf32, #tpu.memory_space<vmem_shared>>
      tpu.enqueue_indirect_dma source(%dma_start3A_516 : memref<125x8xf32, #tpu.memory_space<vmem>>) target(%dma_start3A_522 : memref<100352x8xf32, #tpu.memory_space<vmem_shared>>) offsets(%dma_start3A_519 : memref<125xi32, #tpu.memory_space<vmem>>) semaphore(%arg19 : memref<!tpu.dma_semaphore, #tpu.memory_space<semaphore_mem>>) {add = true}
      %dma_start3A_523 = arith.constant 7 : i32
      %dma_start3A_524 = arith.constant 875 : i32
      %dma_start3A_525 = arith.constant 0 : i32
      %dma_start3A_526 = tpu.memref_slice %arg12[%dma_start3A_524, %dma_start3A_525] : memref<2000x8xf32, #tpu.memory_space<vmem>> -> memref<125x8xf32, #tpu.memory_space<vmem>>
      %dma_start3A_527 = arith.constant 0 : i32
      %dma_start3A_528 = tpu.memref_slice %arg15[%dma_start3A_523, %dma_start3A_527] : memref<16x125xi32, #tpu.memory_space<vmem>> -> memref<1x125xi32, #tpu.memory_space<vmem>>
      %dma_start3A_529 = tpu.memref_squeeze %dma_start3A_528 : memref<1x125xi32, #tpu.memory_space<vmem>> -> memref<125xi32, #tpu.memory_space<vmem>>
      %dma_start3A_530 = arith.constant 0 : i32
      %dma_start3A_531 = arith.constant 0 : i32
      %dma_start3A_532 = tpu.memref_slice %arg10[%dma_start3A_530, %dma_start3A_531] : memref<100352x8xf32, #tpu.memory_space<vmem_shared>> -> memref<100352x8xf32, #tpu.memory_space<vmem_shared>>
      tpu.enqueue_indirect_dma source(%dma_start3A_526 : memref<125x8xf32, #tpu.memory_space<vmem>>) target(%dma_start3A_532 : memref<100352x8xf32, #tpu.memory_space<vmem_shared>>) offsets(%dma_start3A_529 : memref<125xi32, #tpu.memory_space<vmem>>) semaphore(%arg19 : memref<!tpu.dma_semaphore, #tpu.memory_space<semaphore_mem>>) {add = true}
      %dma_start3A_533 = arith.constant 7 : i32
      %dma_start3A_534 = arith.constant 875 : i32
      %dma_start3A_535 = arith.constant 0 : i32
      %dma_start3A_536 = tpu.memref_slice %arg13[%dma_start3A_534, %dma_start3A_535] : memref<2000x8xf32, #tpu.memory_space<vmem>> -> memref<125x8xf32, #tpu.memory_space<vmem>>
      %dma_start3A_537 = arith.constant 0 : i32
      %dma_start3A_538 = tpu.memref_slice %arg14[%dma_start3A_533, %dma_start3A_537] : memref<16x125xi32, #tpu.memory_space<vmem>> -> memref<1x125xi32, #tpu.memory_space<vmem>>
      %dma_start3A_539 = tpu.memref_squeeze %dma_start3A_538 : memref<1x125xi32, #tpu.memory_space<vmem>> -> memref<125xi32, #tpu.memory_space<vmem>>
      %dma_start3A_540 = arith.constant 0 : i32
      %dma_start3A_541 = arith.constant 0 : i32
      %dma_start3A_542 = tpu.memref_slice %arg10[%dma_start3A_540, %dma_start3A_541] : memref<100352x8xf32, #tpu.memory_space<vmem_shared>> -> memref<100352x8xf32, #tpu.memory_space<vmem_shared>>
      tpu.enqueue_indirect_dma source(%dma_start3A_536 : memref<125x8xf32, #tpu.memory_space<vmem>>) target(%dma_start3A_542 : memref<100352x8xf32, #tpu.memory_space<vmem_shared>>) offsets(%dma_start3A_539 : memref<125xi32, #tpu.memory_space<vmem>>) semaphore(%arg19 : memref<!tpu.dma_semaphore, #tpu.memory_space<semaphore_mem>>) {add = true}
      %dma_start3A_543 = arith.constant 8 : i32
      %dma_start3A_544 = arith.constant 1000 : i32
      %dma_start3A_545 = arith.constant 0 : i32
      %dma_start3A_546 = tpu.memref_slice %arg12[%dma_start3A_544, %dma_start3A_545] : memref<2000x8xf32, #tpu.memory_space<vmem>> -> memref<125x8xf32, #tpu.memory_space<vmem>>
      %dma_start3A_547 = arith.constant 0 : i32
      %dma_start3A_548 = tpu.memref_slice %arg15[%dma_start3A_543, %dma_start3A_547] : memref<16x125xi32, #tpu.memory_space<vmem>> -> memref<1x125xi32, #tpu.memory_space<vmem>>
      %dma_start3A_549 = tpu.memref_squeeze %dma_start3A_548 : memref<1x125xi32, #tpu.memory_space<vmem>> -> memref<125xi32, #tpu.memory_space<vmem>>
      %dma_start3A_550 = arith.constant 0 : i32
      %dma_start3A_551 = arith.constant 0 : i32
      %dma_start3A_552 = tpu.memref_slice %arg10[%dma_start3A_550, %dma_start3A_551] : memref<100352x8xf32, #tpu.memory_space<vmem_shared>> -> memref<100352x8xf32, #tpu.memory_space<vmem_shared>>
      tpu.enqueue_indirect_dma source(%dma_start3A_546 : memref<125x8xf32, #tpu.memory_space<vmem>>) target(%dma_start3A_552 : memref<100352x8xf32, #tpu.memory_space<vmem_shared>>) offsets(%dma_start3A_549 : memref<125xi32, #tpu.memory_space<vmem>>) semaphore(%arg19 : memref<!tpu.dma_semaphore, #tpu.memory_space<semaphore_mem>>) {add = true}
      %dma_start3A_553 = arith.constant 8 : i32
      %dma_start3A_554 = arith.constant 1000 : i32
      %dma_start3A_555 = arith.constant 0 : i32
      %dma_start3A_556 = tpu.memref_slice %arg13[%dma_start3A_554, %dma_start3A_555] : memref<2000x8xf32, #tpu.memory_space<vmem>> -> memref<125x8xf32, #tpu.memory_space<vmem>>
      %dma_start3A_557 = arith.constant 0 : i32
      %dma_start3A_558 = tpu.memref_slice %arg14[%dma_start3A_553, %dma_start3A_557] : memref<16x125xi32, #tpu.memory_space<vmem>> -> memref<1x125xi32, #tpu.memory_space<vmem>>
      %dma_start3A_559 = tpu.memref_squeeze %dma_start3A_558 : memref<1x125xi32, #tpu.memory_space<vmem>> -> memref<125xi32, #tpu.memory_space<vmem>>
      %dma_start3A_560 = arith.constant 0 : i32
      %dma_start3A_561 = arith.constant 0 : i32
      %dma_start3A_562 = tpu.memref_slice %arg10[%dma_start3A_560, %dma_start3A_561] : memref<100352x8xf32, #tpu.memory_space<vmem_shared>> -> memref<100352x8xf32, #tpu.memory_space<vmem_shared>>
      tpu.enqueue_indirect_dma source(%dma_start3A_556 : memref<125x8xf32, #tpu.memory_space<vmem>>) target(%dma_start3A_562 : memref<100352x8xf32, #tpu.memory_space<vmem_shared>>) offsets(%dma_start3A_559 : memref<125xi32, #tpu.memory_space<vmem>>) semaphore(%arg19 : memref<!tpu.dma_semaphore, #tpu.memory_space<semaphore_mem>>) {add = true}
      %dma_start3A_563 = arith.constant 9 : i32
      %dma_start3A_564 = arith.constant 1125 : i32
      %dma_start3A_565 = arith.constant 0 : i32
      %dma_start3A_566 = tpu.memref_slice %arg12[%dma_start3A_564, %dma_start3A_565] : memref<2000x8xf32, #tpu.memory_space<vmem>> -> memref<125x8xf32, #tpu.memory_space<vmem>>
      %dma_start3A_567 = arith.constant 0 : i32
      %dma_start3A_568 = tpu.memref_slice %arg15[%dma_start3A_563, %dma_start3A_567] : memref<16x125xi32, #tpu.memory_space<vmem>> -> memref<1x125xi32, #tpu.memory_space<vmem>>
      %dma_start3A_569 = tpu.memref_squeeze %dma_start3A_568 : memref<1x125xi32, #tpu.memory_space<vmem>> -> memref<125xi32, #tpu.memory_space<vmem>>
      %dma_start3A_570 = arith.constant 0 : i32
      %dma_start3A_571 = arith.constant 0 : i32
      %dma_start3A_572 = tpu.memref_slice %arg10[%dma_start3A_570, %dma_start3A_571] : memref<100352x8xf32, #tpu.memory_space<vmem_shared>> -> memref<100352x8xf32, #tpu.memory_space<vmem_shared>>
      tpu.enqueue_indirect_dma source(%dma_start3A_566 : memref<125x8xf32, #tpu.memory_space<vmem>>) target(%dma_start3A_572 : memref<100352x8xf32, #tpu.memory_space<vmem_shared>>) offsets(%dma_start3A_569 : memref<125xi32, #tpu.memory_space<vmem>>) semaphore(%arg19 : memref<!tpu.dma_semaphore, #tpu.memory_space<semaphore_mem>>) {add = true}
      %dma_start3A_573 = arith.constant 9 : i32
      %dma_start3A_574 = arith.constant 1125 : i32
      %dma_start3A_575 = arith.constant 0 : i32
      %dma_start3A_576 = tpu.memref_slice %arg13[%dma_start3A_574, %dma_start3A_575] : memref<2000x8xf32, #tpu.memory_space<vmem>> -> memref<125x8xf32, #tpu.memory_space<vmem>>
      %dma_start3A_577 = arith.constant 0 : i32
      %dma_start3A_578 = tpu.memref_slice %arg14[%dma_start3A_573, %dma_start3A_577] : memref<16x125xi32, #tpu.memory_space<vmem>> -> memref<1x125xi32, #tpu.memory_space<vmem>>
      %dma_start3A_579 = tpu.memref_squeeze %dma_start3A_578 : memref<1x125xi32, #tpu.memory_space<vmem>> -> memref<125xi32, #tpu.memory_space<vmem>>
      %dma_start3A_580 = arith.constant 0 : i32
      %dma_start3A_581 = arith.constant 0 : i32
      %dma_start3A_582 = tpu.memref_slice %arg10[%dma_start3A_580, %dma_start3A_581] : memref<100352x8xf32, #tpu.memory_space<vmem_shared>> -> memref<100352x8xf32, #tpu.memory_space<vmem_shared>>
      tpu.enqueue_indirect_dma source(%dma_start3A_576 : memref<125x8xf32, #tpu.memory_space<vmem>>) target(%dma_start3A_582 : memref<100352x8xf32, #tpu.memory_space<vmem_shared>>) offsets(%dma_start3A_579 : memref<125xi32, #tpu.memory_space<vmem>>) semaphore(%arg19 : memref<!tpu.dma_semaphore, #tpu.memory_space<semaphore_mem>>) {add = true}
      %dma_start3A_583 = arith.constant 10 : i32
      %dma_start3A_584 = arith.constant 1250 : i32
      %dma_start3A_585 = arith.constant 0 : i32
      %dma_start3A_586 = tpu.memref_slice %arg12[%dma_start3A_584, %dma_start3A_585] : memref<2000x8xf32, #tpu.memory_space<vmem>> -> memref<125x8xf32, #tpu.memory_space<vmem>>
      %dma_start3A_587 = arith.constant 0 : i32
      %dma_start3A_588 = tpu.memref_slice %arg15[%dma_start3A_583, %dma_start3A_587] : memref<16x125xi32, #tpu.memory_space<vmem>> -> memref<1x125xi32, #tpu.memory_space<vmem>>
      %dma_start3A_589 = tpu.memref_squeeze %dma_start3A_588 : memref<1x125xi32, #tpu.memory_space<vmem>> -> memref<125xi32, #tpu.memory_space<vmem>>
      %dma_start3A_590 = arith.constant 0 : i32
      %dma_start3A_591 = arith.constant 0 : i32
      %dma_start3A_592 = tpu.memref_slice %arg10[%dma_start3A_590, %dma_start3A_591] : memref<100352x8xf32, #tpu.memory_space<vmem_shared>> -> memref<100352x8xf32, #tpu.memory_space<vmem_shared>>
      tpu.enqueue_indirect_dma source(%dma_start3A_586 : memref<125x8xf32, #tpu.memory_space<vmem>>) target(%dma_start3A_592 : memref<100352x8xf32, #tpu.memory_space<vmem_shared>>) offsets(%dma_start3A_589 : memref<125xi32, #tpu.memory_space<vmem>>) semaphore(%arg19 : memref<!tpu.dma_semaphore, #tpu.memory_space<semaphore_mem>>) {add = true}
      %dma_start3A_593 = arith.constant 10 : i32
      %dma_start3A_594 = arith.constant 1250 : i32
      %dma_start3A_595 = arith.constant 0 : i32
      %dma_start3A_596 = tpu.memref_slice %arg13[%dma_start3A_594, %dma_start3A_595] : memref<2000x8xf32, #tpu.memory_space<vmem>> -> memref<125x8xf32, #tpu.memory_space<vmem>>
      %dma_start3A_597 = arith.constant 0 : i32
      %dma_start3A_598 = tpu.memref_slice %arg14[%dma_start3A_593, %dma_start3A_597] : memref<16x125xi32, #tpu.memory_space<vmem>> -> memref<1x125xi32, #tpu.memory_space<vmem>>
      %dma_start3A_599 = tpu.memref_squeeze %dma_start3A_598 : memref<1x125xi32, #tpu.memory_space<vmem>> -> memref<125xi32, #tpu.memory_space<vmem>>
      %dma_start3A_600 = arith.constant 0 : i32
      %dma_start3A_601 = arith.constant 0 : i32
      %dma_start3A_602 = tpu.memref_slice %arg10[%dma_start3A_600, %dma_start3A_601] : memref<100352x8xf32, #tpu.memory_space<vmem_shared>> -> memref<100352x8xf32, #tpu.memory_space<vmem_shared>>
      tpu.enqueue_indirect_dma source(%dma_start3A_596 : memref<125x8xf32, #tpu.memory_space<vmem>>) target(%dma_start3A_602 : memref<100352x8xf32, #tpu.memory_space<vmem_shared>>) offsets(%dma_start3A_599 : memref<125xi32, #tpu.memory_space<vmem>>) semaphore(%arg19 : memref<!tpu.dma_semaphore, #tpu.memory_space<semaphore_mem>>) {add = true}
      %dma_start3A_603 = arith.constant 11 : i32
      %dma_start3A_604 = arith.constant 1375 : i32
      %dma_start3A_605 = arith.constant 0 : i32
      %dma_start3A_606 = tpu.memref_slice %arg12[%dma_start3A_604, %dma_start3A_605] : memref<2000x8xf32, #tpu.memory_space<vmem>> -> memref<125x8xf32, #tpu.memory_space<vmem>>
      %dma_start3A_607 = arith.constant 0 : i32
      %dma_start3A_608 = tpu.memref_slice %arg15[%dma_start3A_603, %dma_start3A_607] : memref<16x125xi32, #tpu.memory_space<vmem>> -> memref<1x125xi32, #tpu.memory_space<vmem>>
      %dma_start3A_609 = tpu.memref_squeeze %dma_start3A_608 : memref<1x125xi32, #tpu.memory_space<vmem>> -> memref<125xi32, #tpu.memory_space<vmem>>
      %dma_start3A_610 = arith.constant 0 : i32
      %dma_start3A_611 = arith.constant 0 : i32
      %dma_start3A_612 = tpu.memref_slice %arg10[%dma_start3A_610, %dma_start3A_611] : memref<100352x8xf32, #tpu.memory_space<vmem_shared>> -> memref<100352x8xf32, #tpu.memory_space<vmem_shared>>
      tpu.enqueue_indirect_dma source(%dma_start3A_606 : memref<125x8xf32, #tpu.memory_space<vmem>>) target(%dma_start3A_612 : memref<100352x8xf32, #tpu.memory_space<vmem_shared>>) offsets(%dma_start3A_609 : memref<125xi32, #tpu.memory_space<vmem>>) semaphore(%arg19 : memref<!tpu.dma_semaphore, #tpu.memory_space<semaphore_mem>>) {add = true}
      %dma_start3A_613 = arith.constant 11 : i32
      %dma_start3A_614 = arith.constant 1375 : i32
      %dma_start3A_615 = arith.constant 0 : i32
      %dma_start3A_616 = tpu.memref_slice %arg13[%dma_start3A_614, %dma_start3A_615] : memref<2000x8xf32, #tpu.memory_space<vmem>> -> memref<125x8xf32, #tpu.memory_space<vmem>>
      %dma_start3A_617 = arith.constant 0 : i32
      %dma_start3A_618 = tpu.memref_slice %arg14[%dma_start3A_613, %dma_start3A_617] : memref<16x125xi32, #tpu.memory_space<vmem>> -> memref<1x125xi32, #tpu.memory_space<vmem>>
      %dma_start3A_619 = tpu.memref_squeeze %dma_start3A_618 : memref<1x125xi32, #tpu.memory_space<vmem>> -> memref<125xi32, #tpu.memory_space<vmem>>
      %dma_start3A_620 = arith.constant 0 : i32
      %dma_start3A_621 = arith.constant 0 : i32
      %dma_start3A_622 = tpu.memref_slice %arg10[%dma_start3A_620, %dma_start3A_621] : memref<100352x8xf32, #tpu.memory_space<vmem_shared>> -> memref<100352x8xf32, #tpu.memory_space<vmem_shared>>
      tpu.enqueue_indirect_dma source(%dma_start3A_616 : memref<125x8xf32, #tpu.memory_space<vmem>>) target(%dma_start3A_622 : memref<100352x8xf32, #tpu.memory_space<vmem_shared>>) offsets(%dma_start3A_619 : memref<125xi32, #tpu.memory_space<vmem>>) semaphore(%arg19 : memref<!tpu.dma_semaphore, #tpu.memory_space<semaphore_mem>>) {add = true}
      %dma_start3A_623 = arith.constant 12 : i32
      %dma_start3A_624 = arith.constant 1500 : i32
      %dma_start3A_625 = arith.constant 0 : i32
      %dma_start3A_626 = tpu.memref_slice %arg12[%dma_start3A_624, %dma_start3A_625] : memref<2000x8xf32, #tpu.memory_space<vmem>> -> memref<125x8xf32, #tpu.memory_space<vmem>>
      %dma_start3A_627 = arith.constant 0 : i32
      %dma_start3A_628 = tpu.memref_slice %arg15[%dma_start3A_623, %dma_start3A_627] : memref<16x125xi32, #tpu.memory_space<vmem>> -> memref<1x125xi32, #tpu.memory_space<vmem>>
      %dma_start3A_629 = tpu.memref_squeeze %dma_start3A_628 : memref<1x125xi32, #tpu.memory_space<vmem>> -> memref<125xi32, #tpu.memory_space<vmem>>
      %dma_start3A_630 = arith.constant 0 : i32
      %dma_start3A_631 = arith.constant 0 : i32
      %dma_start3A_632 = tpu.memref_slice %arg10[%dma_start3A_630, %dma_start3A_631] : memref<100352x8xf32, #tpu.memory_space<vmem_shared>> -> memref<100352x8xf32, #tpu.memory_space<vmem_shared>>
      tpu.enqueue_indirect_dma source(%dma_start3A_626 : memref<125x8xf32, #tpu.memory_space<vmem>>) target(%dma_start3A_632 : memref<100352x8xf32, #tpu.memory_space<vmem_shared>>) offsets(%dma_start3A_629 : memref<125xi32, #tpu.memory_space<vmem>>) semaphore(%arg19 : memref<!tpu.dma_semaphore, #tpu.memory_space<semaphore_mem>>) {add = true}
      %dma_start3A_633 = arith.constant 12 : i32
      %dma_start3A_634 = arith.constant 1500 : i32
      %dma_start3A_635 = arith.constant 0 : i32
      %dma_start3A_636 = tpu.memref_slice %arg13[%dma_start3A_634, %dma_start3A_635] : memref<2000x8xf32, #tpu.memory_space<vmem>> -> memref<125x8xf32, #tpu.memory_space<vmem>>
      %dma_start3A_637 = arith.constant 0 : i32
      %dma_start3A_638 = tpu.memref_slice %arg14[%dma_start3A_633, %dma_start3A_637] : memref<16x125xi32, #tpu.memory_space<vmem>> -> memref<1x125xi32, #tpu.memory_space<vmem>>
      %dma_start3A_639 = tpu.memref_squeeze %dma_start3A_638 : memref<1x125xi32, #tpu.memory_space<vmem>> -> memref<125xi32, #tpu.memory_space<vmem>>
      %dma_start3A_640 = arith.constant 0 : i32
      %dma_start3A_641 = arith.constant 0 : i32
      %dma_start3A_642 = tpu.memref_slice %arg10[%dma_start3A_640, %dma_start3A_641] : memref<100352x8xf32, #tpu.memory_space<vmem_shared>> -> memref<100352x8xf32, #tpu.memory_space<vmem_shared>>
      tpu.enqueue_indirect_dma source(%dma_start3A_636 : memref<125x8xf32, #tpu.memory_space<vmem>>) target(%dma_start3A_642 : memref<100352x8xf32, #tpu.memory_space<vmem_shared>>) offsets(%dma_start3A_639 : memref<125xi32, #tpu.memory_space<vmem>>) semaphore(%arg19 : memref<!tpu.dma_semaphore, #tpu.memory_space<semaphore_mem>>) {add = true}
      %dma_start3A_643 = arith.constant 13 : i32
      %dma_start3A_644 = arith.constant 1625 : i32
      %dma_start3A_645 = arith.constant 0 : i32
      %dma_start3A_646 = tpu.memref_slice %arg12[%dma_start3A_644, %dma_start3A_645] : memref<2000x8xf32, #tpu.memory_space<vmem>> -> memref<125x8xf32, #tpu.memory_space<vmem>>
      %dma_start3A_647 = arith.constant 0 : i32
      %dma_start3A_648 = tpu.memref_slice %arg15[%dma_start3A_643, %dma_start3A_647] : memref<16x125xi32, #tpu.memory_space<vmem>> -> memref<1x125xi32, #tpu.memory_space<vmem>>
      %dma_start3A_649 = tpu.memref_squeeze %dma_start3A_648 : memref<1x125xi32, #tpu.memory_space<vmem>> -> memref<125xi32, #tpu.memory_space<vmem>>
      %dma_start3A_650 = arith.constant 0 : i32
      %dma_start3A_651 = arith.constant 0 : i32
      %dma_start3A_652 = tpu.memref_slice %arg10[%dma_start3A_650, %dma_start3A_651] : memref<100352x8xf32, #tpu.memory_space<vmem_shared>> -> memref<100352x8xf32, #tpu.memory_space<vmem_shared>>
      tpu.enqueue_indirect_dma source(%dma_start3A_646 : memref<125x8xf32, #tpu.memory_space<vmem>>) target(%dma_start3A_652 : memref<100352x8xf32, #tpu.memory_space<vmem_shared>>) offsets(%dma_start3A_649 : memref<125xi32, #tpu.memory_space<vmem>>) semaphore(%arg19 : memref<!tpu.dma_semaphore, #tpu.memory_space<semaphore_mem>>) {add = true}
      %dma_start3A_653 = arith.constant 13 : i32
      %dma_start3A_654 = arith.constant 1625 : i32
      %dma_start3A_655 = arith.constant 0 : i32
      %dma_start3A_656 = tpu.memref_slice %arg13[%dma_start3A_654, %dma_start3A_655] : memref<2000x8xf32, #tpu.memory_space<vmem>> -> memref<125x8xf32, #tpu.memory_space<vmem>>
      %dma_start3A_657 = arith.constant 0 : i32
      %dma_start3A_658 = tpu.memref_slice %arg14[%dma_start3A_653, %dma_start3A_657] : memref<16x125xi32, #tpu.memory_space<vmem>> -> memref<1x125xi32, #tpu.memory_space<vmem>>
      %dma_start3A_659 = tpu.memref_squeeze %dma_start3A_658 : memref<1x125xi32, #tpu.memory_space<vmem>> -> memref<125xi32, #tpu.memory_space<vmem>>
      %dma_start3A_660 = arith.constant 0 : i32
      %dma_start3A_661 = arith.constant 0 : i32
      %dma_start3A_662 = tpu.memref_slice %arg10[%dma_start3A_660, %dma_start3A_661] : memref<100352x8xf32, #tpu.memory_space<vmem_shared>> -> memref<100352x8xf32, #tpu.memory_space<vmem_shared>>
      tpu.enqueue_indirect_dma source(%dma_start3A_656 : memref<125x8xf32, #tpu.memory_space<vmem>>) target(%dma_start3A_662 : memref<100352x8xf32, #tpu.memory_space<vmem_shared>>) offsets(%dma_start3A_659 : memref<125xi32, #tpu.memory_space<vmem>>) semaphore(%arg19 : memref<!tpu.dma_semaphore, #tpu.memory_space<semaphore_mem>>) {add = true}
      %dma_start3A_663 = arith.constant 14 : i32
      %dma_start3A_664 = arith.constant 1750 : i32
      %dma_start3A_665 = arith.constant 0 : i32
      %dma_start3A_666 = tpu.memref_slice %arg12[%dma_start3A_664, %dma_start3A_665] : memref<2000x8xf32, #tpu.memory_space<vmem>> -> memref<125x8xf32, #tpu.memory_space<vmem>>
      %dma_start3A_667 = arith.constant 0 : i32
      %dma_start3A_668 = tpu.memref_slice %arg15[%dma_start3A_663, %dma_start3A_667] : memref<16x125xi32, #tpu.memory_space<vmem>> -> memref<1x125xi32, #tpu.memory_space<vmem>>
      %dma_start3A_669 = tpu.memref_squeeze %dma_start3A_668 : memref<1x125xi32, #tpu.memory_space<vmem>> -> memref<125xi32, #tpu.memory_space<vmem>>
      %dma_start3A_670 = arith.constant 0 : i32
      %dma_start3A_671 = arith.constant 0 : i32
      %dma_start3A_672 = tpu.memref_slice %arg10[%dma_start3A_670, %dma_start3A_671] : memref<100352x8xf32, #tpu.memory_space<vmem_shared>> -> memref<100352x8xf32, #tpu.memory_space<vmem_shared>>
      tpu.enqueue_indirect_dma source(%dma_start3A_666 : memref<125x8xf32, #tpu.memory_space<vmem>>) target(%dma_start3A_672 : memref<100352x8xf32, #tpu.memory_space<vmem_shared>>) offsets(%dma_start3A_669 : memref<125xi32, #tpu.memory_space<vmem>>) semaphore(%arg19 : memref<!tpu.dma_semaphore, #tpu.memory_space<semaphore_mem>>) {add = true}
      %dma_start3A_673 = arith.constant 14 : i32
      %dma_start3A_674 = arith.constant 1750 : i32
      %dma_start3A_675 = arith.constant 0 : i32
      %dma_start3A_676 = tpu.memref_slice %arg13[%dma_start3A_674, %dma_start3A_675] : memref<2000x8xf32, #tpu.memory_space<vmem>> -> memref<125x8xf32, #tpu.memory_space<vmem>>
      %dma_start3A_677 = arith.constant 0 : i32
      %dma_start3A_678 = tpu.memref_slice %arg14[%dma_start3A_673, %dma_start3A_677] : memref<16x125xi32, #tpu.memory_space<vmem>> -> memref<1x125xi32, #tpu.memory_space<vmem>>
      %dma_start3A_679 = tpu.memref_squeeze %dma_start3A_678 : memref<1x125xi32, #tpu.memory_space<vmem>> -> memref<125xi32, #tpu.memory_space<vmem>>
      %dma_start3A_680 = arith.constant 0 : i32
      %dma_start3A_681 = arith.constant 0 : i32
      %dma_start3A_682 = tpu.memref_slice %arg10[%dma_start3A_680, %dma_start3A_681] : memref<100352x8xf32, #tpu.memory_space<vmem_shared>> -> memref<100352x8xf32, #tpu.memory_space<vmem_shared>>
      tpu.enqueue_indirect_dma source(%dma_start3A_676 : memref<125x8xf32, #tpu.memory_space<vmem>>) target(%dma_start3A_682 : memref<100352x8xf32, #tpu.memory_space<vmem_shared>>) offsets(%dma_start3A_679 : memref<125xi32, #tpu.memory_space<vmem>>) semaphore(%arg19 : memref<!tpu.dma_semaphore, #tpu.memory_space<semaphore_mem>>) {add = true}
      %dma_start3A_683 = arith.constant 15 : i32
      %dma_start3A_684 = arith.constant 1875 : i32
      %dma_start3A_685 = arith.constant 0 : i32
      %dma_start3A_686 = tpu.memref_slice %arg12[%dma_start3A_684, %dma_start3A_685] : memref<2000x8xf32, #tpu.memory_space<vmem>> -> memref<125x8xf32, #tpu.memory_space<vmem>>
      %dma_start3A_687 = arith.constant 0 : i32
      %dma_start3A_688 = tpu.memref_slice %arg15[%dma_start3A_683, %dma_start3A_687] : memref<16x125xi32, #tpu.memory_space<vmem>> -> memref<1x125xi32, #tpu.memory_space<vmem>>
      %dma_start3A_689 = tpu.memref_squeeze %dma_start3A_688 : memref<1x125xi32, #tpu.memory_space<vmem>> -> memref<125xi32, #tpu.memory_space<vmem>>
      %dma_start3A_690 = arith.constant 0 : i32
      %dma_start3A_691 = arith.constant 0 : i32
      %dma_start3A_692 = tpu.memref_slice %arg10[%dma_start3A_690, %dma_start3A_691] : memref<100352x8xf32, #tpu.memory_space<vmem_shared>> -> memref<100352x8xf32, #tpu.memory_space<vmem_shared>>
      tpu.enqueue_indirect_dma source(%dma_start3A_686 : memref<125x8xf32, #tpu.memory_space<vmem>>) target(%dma_start3A_692 : memref<100352x8xf32, #tpu.memory_space<vmem_shared>>) offsets(%dma_start3A_689 : memref<125xi32, #tpu.memory_space<vmem>>) semaphore(%arg19 : memref<!tpu.dma_semaphore, #tpu.memory_space<semaphore_mem>>) {add = true}
      %dma_start3A_693 = arith.constant 15 : i32
      %dma_start3A_694 = arith.constant 1875 : i32
      %dma_start3A_695 = arith.constant 0 : i32
      %dma_start3A_696 = tpu.memref_slice %arg13[%dma_start3A_694, %dma_start3A_695] : memref<2000x8xf32, #tpu.memory_space<vmem>> -> memref<125x8xf32, #tpu.memory_space<vmem>>
      %dma_start3A_697 = arith.constant 0 : i32
      %dma_start3A_698 = tpu.memref_slice %arg14[%dma_start3A_693, %dma_start3A_697] : memref<16x125xi32, #tpu.memory_space<vmem>> -> memref<1x125xi32, #tpu.memory_space<vmem>>
      %dma_start3A_699 = tpu.memref_squeeze %dma_start3A_698 : memref<1x125xi32, #tpu.memory_space<vmem>> -> memref<125xi32, #tpu.memory_space<vmem>>
      %dma_start3A_700 = arith.constant 0 : i32
      %dma_start3A_701 = arith.constant 0 : i32
      %dma_start3A_702 = tpu.memref_slice %arg10[%dma_start3A_700, %dma_start3A_701] : memref<100352x8xf32, #tpu.memory_space<vmem_shared>> -> memref<100352x8xf32, #tpu.memory_space<vmem_shared>>
      tpu.enqueue_indirect_dma source(%dma_start3A_696 : memref<125x8xf32, #tpu.memory_space<vmem>>) target(%dma_start3A_702 : memref<100352x8xf32, #tpu.memory_space<vmem_shared>>) offsets(%dma_start3A_699 : memref<125xi32, #tpu.memory_space<vmem>>) semaphore(%arg19 : memref<!tpu.dma_semaphore, #tpu.memory_space<semaphore_mem>>) {add = true}
      %dma_wait3A_703 = arith.constant 0 : i32
      %dma_wait3A_704 = arith.constant 0 : i32
      %dma_wait3A_705 = arith.constant 0 : i32
      %dma_wait3A_706 = tpu.memref_slice %arg12[%dma_wait3A_704, %dma_wait3A_705] : memref<2000x8xf32, #tpu.memory_space<vmem>> -> memref<125x8xf32, #tpu.memory_space<vmem>>
      %dma_wait3A_707 = arith.constant 0 : i32
      %dma_wait3A_708 = tpu.memref_slice %arg15[%dma_wait3A_703, %dma_wait3A_707] : memref<16x125xi32, #tpu.memory_space<vmem>> -> memref<1x125xi32, #tpu.memory_space<vmem>>
      %dma_wait3A_709 = tpu.memref_squeeze %dma_wait3A_708 : memref<1x125xi32, #tpu.memory_space<vmem>> -> memref<125xi32, #tpu.memory_space<vmem>>
      %dma_wait3A_710 = arith.constant 0 : i32
      %dma_wait3A_711 = arith.constant 0 : i32
      %dma_wait3A_712 = tpu.memref_slice %arg10[%dma_wait3A_710, %dma_wait3A_711] : memref<100352x8xf32, #tpu.memory_space<vmem_shared>> -> memref<100352x8xf32, #tpu.memory_space<vmem_shared>>
      tpu.wait_indirect_dma semaphore(%arg19 : memref<!tpu.dma_semaphore, #tpu.memory_space<semaphore_mem>>) src(%dma_wait3A_706 : memref<125x8xf32, #tpu.memory_space<vmem>>) dst(%dma_wait3A_712 : memref<100352x8xf32, #tpu.memory_space<vmem_shared>>)
      %dma_wait3A_713 = arith.constant 0 : i32
      %dma_wait3A_714 = arith.constant 0 : i32
      %dma_wait3A_715 = arith.constant 0 : i32
      %dma_wait3A_716 = tpu.memref_slice %arg13[%dma_wait3A_714, %dma_wait3A_715] : memref<2000x8xf32, #tpu.memory_space<vmem>> -> memref<125x8xf32, #tpu.memory_space<vmem>>
      %dma_wait3A_717 = arith.constant 0 : i32
      %dma_wait3A_718 = tpu.memref_slice %arg14[%dma_wait3A_713, %dma_wait3A_717] : memref<16x125xi32, #tpu.memory_space<vmem>> -> memref<1x125xi32, #tpu.memory_space<vmem>>
      %dma_wait3A_719 = tpu.memref_squeeze %dma_wait3A_718 : memref<1x125xi32, #tpu.memory_space<vmem>> -> memref<125xi32, #tpu.memory_space<vmem>>
      %dma_wait3A_720 = arith.constant 0 : i32
      %dma_wait3A_721 = arith.constant 0 : i32
      %dma_wait3A_722 = tpu.memref_slice %arg10[%dma_wait3A_720, %dma_wait3A_721] : memref<100352x8xf32, #tpu.memory_space<vmem_shared>> -> memref<100352x8xf32, #tpu.memory_space<vmem_shared>>
      tpu.wait_indirect_dma semaphore(%arg19 : memref<!tpu.dma_semaphore, #tpu.memory_space<semaphore_mem>>) src(%dma_wait3A_716 : memref<125x8xf32, #tpu.memory_space<vmem>>) dst(%dma_wait3A_722 : memref<100352x8xf32, #tpu.memory_space<vmem_shared>>)
      %dma_wait3A_723 = arith.constant 1 : i32
      %dma_wait3A_724 = arith.constant 125 : i32
      %dma_wait3A_725 = arith.constant 0 : i32
      %dma_wait3A_726 = tpu.memref_slice %arg12[%dma_wait3A_724, %dma_wait3A_725] : memref<2000x8xf32, #tpu.memory_space<vmem>> -> memref<125x8xf32, #tpu.memory_space<vmem>>
      %dma_wait3A_727 = arith.constant 0 : i32
      %dma_wait3A_728 = tpu.memref_slice %arg15[%dma_wait3A_723, %dma_wait3A_727] : memref<16x125xi32, #tpu.memory_space<vmem>> -> memref<1x125xi32, #tpu.memory_space<vmem>>
      %dma_wait3A_729 = tpu.memref_squeeze %dma_wait3A_728 : memref<1x125xi32, #tpu.memory_space<vmem>> -> memref<125xi32, #tpu.memory_space<vmem>>
      %dma_wait3A_730 = arith.constant 0 : i32
      %dma_wait3A_731 = arith.constant 0 : i32
      %dma_wait3A_732 = tpu.memref_slice %arg10[%dma_wait3A_730, %dma_wait3A_731] : memref<100352x8xf32, #tpu.memory_space<vmem_shared>> -> memref<100352x8xf32, #tpu.memory_space<vmem_shared>>
      tpu.wait_indirect_dma semaphore(%arg19 : memref<!tpu.dma_semaphore, #tpu.memory_space<semaphore_mem>>) src(%dma_wait3A_726 : memref<125x8xf32, #tpu.memory_space<vmem>>) dst(%dma_wait3A_732 : memref<100352x8xf32, #tpu.memory_space<vmem_shared>>)
      %dma_wait3A_733 = arith.constant 1 : i32
      %dma_wait3A_734 = arith.constant 125 : i32
      %dma_wait3A_735 = arith.constant 0 : i32
      %dma_wait3A_736 = tpu.memref_slice %arg13[%dma_wait3A_734, %dma_wait3A_735] : memref<2000x8xf32, #tpu.memory_space<vmem>> -> memref<125x8xf32, #tpu.memory_space<vmem>>
      %dma_wait3A_737 = arith.constant 0 : i32
      %dma_wait3A_738 = tpu.memref_slice %arg14[%dma_wait3A_733, %dma_wait3A_737] : memref<16x125xi32, #tpu.memory_space<vmem>> -> memref<1x125xi32, #tpu.memory_space<vmem>>
      %dma_wait3A_739 = tpu.memref_squeeze %dma_wait3A_738 : memref<1x125xi32, #tpu.memory_space<vmem>> -> memref<125xi32, #tpu.memory_space<vmem>>
      %dma_wait3A_740 = arith.constant 0 : i32
      %dma_wait3A_741 = arith.constant 0 : i32
      %dma_wait3A_742 = tpu.memref_slice %arg10[%dma_wait3A_740, %dma_wait3A_741] : memref<100352x8xf32, #tpu.memory_space<vmem_shared>> -> memref<100352x8xf32, #tpu.memory_space<vmem_shared>>
      tpu.wait_indirect_dma semaphore(%arg19 : memref<!tpu.dma_semaphore, #tpu.memory_space<semaphore_mem>>) src(%dma_wait3A_736 : memref<125x8xf32, #tpu.memory_space<vmem>>) dst(%dma_wait3A_742 : memref<100352x8xf32, #tpu.memory_space<vmem_shared>>)
      %dma_wait3A_743 = arith.constant 2 : i32
      %dma_wait3A_744 = arith.constant 250 : i32
      %dma_wait3A_745 = arith.constant 0 : i32
      %dma_wait3A_746 = tpu.memref_slice %arg12[%dma_wait3A_744, %dma_wait3A_745] : memref<2000x8xf32, #tpu.memory_space<vmem>> -> memref<125x8xf32, #tpu.memory_space<vmem>>
      %dma_wait3A_747 = arith.constant 0 : i32
      %dma_wait3A_748 = tpu.memref_slice %arg15[%dma_wait3A_743, %dma_wait3A_747] : memref<16x125xi32, #tpu.memory_space<vmem>> -> memref<1x125xi32, #tpu.memory_space<vmem>>
      %dma_wait3A_749 = tpu.memref_squeeze %dma_wait3A_748 : memref<1x125xi32, #tpu.memory_space<vmem>> -> memref<125xi32, #tpu.memory_space<vmem>>
      %dma_wait3A_750 = arith.constant 0 : i32
      %dma_wait3A_751 = arith.constant 0 : i32
      %dma_wait3A_752 = tpu.memref_slice %arg10[%dma_wait3A_750, %dma_wait3A_751] : memref<100352x8xf32, #tpu.memory_space<vmem_shared>> -> memref<100352x8xf32, #tpu.memory_space<vmem_shared>>
      tpu.wait_indirect_dma semaphore(%arg19 : memref<!tpu.dma_semaphore, #tpu.memory_space<semaphore_mem>>) src(%dma_wait3A_746 : memref<125x8xf32, #tpu.memory_space<vmem>>) dst(%dma_wait3A_752 : memref<100352x8xf32, #tpu.memory_space<vmem_shared>>)
      %dma_wait3A_753 = arith.constant 2 : i32
      %dma_wait3A_754 = arith.constant 250 : i32
      %dma_wait3A_755 = arith.constant 0 : i32
      %dma_wait3A_756 = tpu.memref_slice %arg13[%dma_wait3A_754, %dma_wait3A_755] : memref<2000x8xf32, #tpu.memory_space<vmem>> -> memref<125x8xf32, #tpu.memory_space<vmem>>
      %dma_wait3A_757 = arith.constant 0 : i32
      %dma_wait3A_758 = tpu.memref_slice %arg14[%dma_wait3A_753, %dma_wait3A_757] : memref<16x125xi32, #tpu.memory_space<vmem>> -> memref<1x125xi32, #tpu.memory_space<vmem>>
      %dma_wait3A_759 = tpu.memref_squeeze %dma_wait3A_758 : memref<1x125xi32, #tpu.memory_space<vmem>> -> memref<125xi32, #tpu.memory_space<vmem>>
      %dma_wait3A_760 = arith.constant 0 : i32
      %dma_wait3A_761 = arith.constant 0 : i32
      %dma_wait3A_762 = tpu.memref_slice %arg10[%dma_wait3A_760, %dma_wait3A_761] : memref<100352x8xf32, #tpu.memory_space<vmem_shared>> -> memref<100352x8xf32, #tpu.memory_space<vmem_shared>>
      tpu.wait_indirect_dma semaphore(%arg19 : memref<!tpu.dma_semaphore, #tpu.memory_space<semaphore_mem>>) src(%dma_wait3A_756 : memref<125x8xf32, #tpu.memory_space<vmem>>) dst(%dma_wait3A_762 : memref<100352x8xf32, #tpu.memory_space<vmem_shared>>)
      %dma_wait3A_763 = arith.constant 3 : i32
      %dma_wait3A_764 = arith.constant 375 : i32
      %dma_wait3A_765 = arith.constant 0 : i32
      %dma_wait3A_766 = tpu.memref_slice %arg12[%dma_wait3A_764, %dma_wait3A_765] : memref<2000x8xf32, #tpu.memory_space<vmem>> -> memref<125x8xf32, #tpu.memory_space<vmem>>
      %dma_wait3A_767 = arith.constant 0 : i32
      %dma_wait3A_768 = tpu.memref_slice %arg15[%dma_wait3A_763, %dma_wait3A_767] : memref<16x125xi32, #tpu.memory_space<vmem>> -> memref<1x125xi32, #tpu.memory_space<vmem>>
      %dma_wait3A_769 = tpu.memref_squeeze %dma_wait3A_768 : memref<1x125xi32, #tpu.memory_space<vmem>> -> memref<125xi32, #tpu.memory_space<vmem>>
      %dma_wait3A_770 = arith.constant 0 : i32
      %dma_wait3A_771 = arith.constant 0 : i32
      %dma_wait3A_772 = tpu.memref_slice %arg10[%dma_wait3A_770, %dma_wait3A_771] : memref<100352x8xf32, #tpu.memory_space<vmem_shared>> -> memref<100352x8xf32, #tpu.memory_space<vmem_shared>>
      tpu.wait_indirect_dma semaphore(%arg19 : memref<!tpu.dma_semaphore, #tpu.memory_space<semaphore_mem>>) src(%dma_wait3A_766 : memref<125x8xf32, #tpu.memory_space<vmem>>) dst(%dma_wait3A_772 : memref<100352x8xf32, #tpu.memory_space<vmem_shared>>)
      %dma_wait3A_773 = arith.constant 3 : i32
      %dma_wait3A_774 = arith.constant 375 : i32
      %dma_wait3A_775 = arith.constant 0 : i32
      %dma_wait3A_776 = tpu.memref_slice %arg13[%dma_wait3A_774, %dma_wait3A_775] : memref<2000x8xf32, #tpu.memory_space<vmem>> -> memref<125x8xf32, #tpu.memory_space<vmem>>
      %dma_wait3A_777 = arith.constant 0 : i32
      %dma_wait3A_778 = tpu.memref_slice %arg14[%dma_wait3A_773, %dma_wait3A_777] : memref<16x125xi32, #tpu.memory_space<vmem>> -> memref<1x125xi32, #tpu.memory_space<vmem>>
      %dma_wait3A_779 = tpu.memref_squeeze %dma_wait3A_778 : memref<1x125xi32, #tpu.memory_space<vmem>> -> memref<125xi32, #tpu.memory_space<vmem>>
      %dma_wait3A_780 = arith.constant 0 : i32
      %dma_wait3A_781 = arith.constant 0 : i32
      %dma_wait3A_782 = tpu.memref_slice %arg10[%dma_wait3A_780, %dma_wait3A_781] : memref<100352x8xf32, #tpu.memory_space<vmem_shared>> -> memref<100352x8xf32, #tpu.memory_space<vmem_shared>>
      tpu.wait_indirect_dma semaphore(%arg19 : memref<!tpu.dma_semaphore, #tpu.memory_space<semaphore_mem>>) src(%dma_wait3A_776 : memref<125x8xf32, #tpu.memory_space<vmem>>) dst(%dma_wait3A_782 : memref<100352x8xf32, #tpu.memory_space<vmem_shared>>)
      %dma_wait3A_783 = arith.constant 4 : i32
      %dma_wait3A_784 = arith.constant 500 : i32
      %dma_wait3A_785 = arith.constant 0 : i32
      %dma_wait3A_786 = tpu.memref_slice %arg12[%dma_wait3A_784, %dma_wait3A_785] : memref<2000x8xf32, #tpu.memory_space<vmem>> -> memref<125x8xf32, #tpu.memory_space<vmem>>
      %dma_wait3A_787 = arith.constant 0 : i32
      %dma_wait3A_788 = tpu.memref_slice %arg15[%dma_wait3A_783, %dma_wait3A_787] : memref<16x125xi32, #tpu.memory_space<vmem>> -> memref<1x125xi32, #tpu.memory_space<vmem>>
      %dma_wait3A_789 = tpu.memref_squeeze %dma_wait3A_788 : memref<1x125xi32, #tpu.memory_space<vmem>> -> memref<125xi32, #tpu.memory_space<vmem>>
      %dma_wait3A_790 = arith.constant 0 : i32
      %dma_wait3A_791 = arith.constant 0 : i32
      %dma_wait3A_792 = tpu.memref_slice %arg10[%dma_wait3A_790, %dma_wait3A_791] : memref<100352x8xf32, #tpu.memory_space<vmem_shared>> -> memref<100352x8xf32, #tpu.memory_space<vmem_shared>>
      tpu.wait_indirect_dma semaphore(%arg19 : memref<!tpu.dma_semaphore, #tpu.memory_space<semaphore_mem>>) src(%dma_wait3A_786 : memref<125x8xf32, #tpu.memory_space<vmem>>) dst(%dma_wait3A_792 : memref<100352x8xf32, #tpu.memory_space<vmem_shared>>)
      %dma_wait3A_793 = arith.constant 4 : i32
      %dma_wait3A_794 = arith.constant 500 : i32
      %dma_wait3A_795 = arith.constant 0 : i32
      %dma_wait3A_796 = tpu.memref_slice %arg13[%dma_wait3A_794, %dma_wait3A_795] : memref<2000x8xf32, #tpu.memory_space<vmem>> -> memref<125x8xf32, #tpu.memory_space<vmem>>
      %dma_wait3A_797 = arith.constant 0 : i32
      %dma_wait3A_798 = tpu.memref_slice %arg14[%dma_wait3A_793, %dma_wait3A_797] : memref<16x125xi32, #tpu.memory_space<vmem>> -> memref<1x125xi32, #tpu.memory_space<vmem>>
      %dma_wait3A_799 = tpu.memref_squeeze %dma_wait3A_798 : memref<1x125xi32, #tpu.memory_space<vmem>> -> memref<125xi32, #tpu.memory_space<vmem>>
      %dma_wait3A_800 = arith.constant 0 : i32
      %dma_wait3A_801 = arith.constant 0 : i32
      %dma_wait3A_802 = tpu.memref_slice %arg10[%dma_wait3A_800, %dma_wait3A_801] : memref<100352x8xf32, #tpu.memory_space<vmem_shared>> -> memref<100352x8xf32, #tpu.memory_space<vmem_shared>>
      tpu.wait_indirect_dma semaphore(%arg19 : memref<!tpu.dma_semaphore, #tpu.memory_space<semaphore_mem>>) src(%dma_wait3A_796 : memref<125x8xf32, #tpu.memory_space<vmem>>) dst(%dma_wait3A_802 : memref<100352x8xf32, #tpu.memory_space<vmem_shared>>)
      %dma_wait3A_803 = arith.constant 5 : i32
      %dma_wait3A_804 = arith.constant 625 : i32
      %dma_wait3A_805 = arith.constant 0 : i32
      %dma_wait3A_806 = tpu.memref_slice %arg12[%dma_wait3A_804, %dma_wait3A_805] : memref<2000x8xf32, #tpu.memory_space<vmem>> -> memref<125x8xf32, #tpu.memory_space<vmem>>
      %dma_wait3A_807 = arith.constant 0 : i32
      %dma_wait3A_808 = tpu.memref_slice %arg15[%dma_wait3A_803, %dma_wait3A_807] : memref<16x125xi32, #tpu.memory_space<vmem>> -> memref<1x125xi32, #tpu.memory_space<vmem>>
      %dma_wait3A_809 = tpu.memref_squeeze %dma_wait3A_808 : memref<1x125xi32, #tpu.memory_space<vmem>> -> memref<125xi32, #tpu.memory_space<vmem>>
      %dma_wait3A_810 = arith.constant 0 : i32
      %dma_wait3A_811 = arith.constant 0 : i32
      %dma_wait3A_812 = tpu.memref_slice %arg10[%dma_wait3A_810, %dma_wait3A_811] : memref<100352x8xf32, #tpu.memory_space<vmem_shared>> -> memref<100352x8xf32, #tpu.memory_space<vmem_shared>>
      tpu.wait_indirect_dma semaphore(%arg19 : memref<!tpu.dma_semaphore, #tpu.memory_space<semaphore_mem>>) src(%dma_wait3A_806 : memref<125x8xf32, #tpu.memory_space<vmem>>) dst(%dma_wait3A_812 : memref<100352x8xf32, #tpu.memory_space<vmem_shared>>)
      %dma_wait3A_813 = arith.constant 5 : i32
      %dma_wait3A_814 = arith.constant 625 : i32
      %dma_wait3A_815 = arith.constant 0 : i32
      %dma_wait3A_816 = tpu.memref_slice %arg13[%dma_wait3A_814, %dma_wait3A_815] : memref<2000x8xf32, #tpu.memory_space<vmem>> -> memref<125x8xf32, #tpu.memory_space<vmem>>
      %dma_wait3A_817 = arith.constant 0 : i32
      %dma_wait3A_818 = tpu.memref_slice %arg14[%dma_wait3A_813, %dma_wait3A_817] : memref<16x125xi32, #tpu.memory_space<vmem>> -> memref<1x125xi32, #tpu.memory_space<vmem>>
      %dma_wait3A_819 = tpu.memref_squeeze %dma_wait3A_818 : memref<1x125xi32, #tpu.memory_space<vmem>> -> memref<125xi32, #tpu.memory_space<vmem>>
      %dma_wait3A_820 = arith.constant 0 : i32
      %dma_wait3A_821 = arith.constant 0 : i32
      %dma_wait3A_822 = tpu.memref_slice %arg10[%dma_wait3A_820, %dma_wait3A_821] : memref<100352x8xf32, #tpu.memory_space<vmem_shared>> -> memref<100352x8xf32, #tpu.memory_space<vmem_shared>>
      tpu.wait_indirect_dma semaphore(%arg19 : memref<!tpu.dma_semaphore, #tpu.memory_space<semaphore_mem>>) src(%dma_wait3A_816 : memref<125x8xf32, #tpu.memory_space<vmem>>) dst(%dma_wait3A_822 : memref<100352x8xf32, #tpu.memory_space<vmem_shared>>)
      %dma_wait3A_823 = arith.constant 6 : i32
      %dma_wait3A_824 = arith.constant 750 : i32
      %dma_wait3A_825 = arith.constant 0 : i32
      %dma_wait3A_826 = tpu.memref_slice %arg12[%dma_wait3A_824, %dma_wait3A_825] : memref<2000x8xf32, #tpu.memory_space<vmem>> -> memref<125x8xf32, #tpu.memory_space<vmem>>
      %dma_wait3A_827 = arith.constant 0 : i32
      %dma_wait3A_828 = tpu.memref_slice %arg15[%dma_wait3A_823, %dma_wait3A_827] : memref<16x125xi32, #tpu.memory_space<vmem>> -> memref<1x125xi32, #tpu.memory_space<vmem>>
      %dma_wait3A_829 = tpu.memref_squeeze %dma_wait3A_828 : memref<1x125xi32, #tpu.memory_space<vmem>> -> memref<125xi32, #tpu.memory_space<vmem>>
      %dma_wait3A_830 = arith.constant 0 : i32
      %dma_wait3A_831 = arith.constant 0 : i32
      %dma_wait3A_832 = tpu.memref_slice %arg10[%dma_wait3A_830, %dma_wait3A_831] : memref<100352x8xf32, #tpu.memory_space<vmem_shared>> -> memref<100352x8xf32, #tpu.memory_space<vmem_shared>>
      tpu.wait_indirect_dma semaphore(%arg19 : memref<!tpu.dma_semaphore, #tpu.memory_space<semaphore_mem>>) src(%dma_wait3A_826 : memref<125x8xf32, #tpu.memory_space<vmem>>) dst(%dma_wait3A_832 : memref<100352x8xf32, #tpu.memory_space<vmem_shared>>)
      %dma_wait3A_833 = arith.constant 6 : i32
      %dma_wait3A_834 = arith.constant 750 : i32
      %dma_wait3A_835 = arith.constant 0 : i32
      %dma_wait3A_836 = tpu.memref_slice %arg13[%dma_wait3A_834, %dma_wait3A_835] : memref<2000x8xf32, #tpu.memory_space<vmem>> -> memref<125x8xf32, #tpu.memory_space<vmem>>
      %dma_wait3A_837 = arith.constant 0 : i32
      %dma_wait3A_838 = tpu.memref_slice %arg14[%dma_wait3A_833, %dma_wait3A_837] : memref<16x125xi32, #tpu.memory_space<vmem>> -> memref<1x125xi32, #tpu.memory_space<vmem>>
      %dma_wait3A_839 = tpu.memref_squeeze %dma_wait3A_838 : memref<1x125xi32, #tpu.memory_space<vmem>> -> memref<125xi32, #tpu.memory_space<vmem>>
      %dma_wait3A_840 = arith.constant 0 : i32
      %dma_wait3A_841 = arith.constant 0 : i32
      %dma_wait3A_842 = tpu.memref_slice %arg10[%dma_wait3A_840, %dma_wait3A_841] : memref<100352x8xf32, #tpu.memory_space<vmem_shared>> -> memref<100352x8xf32, #tpu.memory_space<vmem_shared>>
      tpu.wait_indirect_dma semaphore(%arg19 : memref<!tpu.dma_semaphore, #tpu.memory_space<semaphore_mem>>) src(%dma_wait3A_836 : memref<125x8xf32, #tpu.memory_space<vmem>>) dst(%dma_wait3A_842 : memref<100352x8xf32, #tpu.memory_space<vmem_shared>>)
      %dma_wait3A_843 = arith.constant 7 : i32
      %dma_wait3A_844 = arith.constant 875 : i32
      %dma_wait3A_845 = arith.constant 0 : i32
      %dma_wait3A_846 = tpu.memref_slice %arg12[%dma_wait3A_844, %dma_wait3A_845] : memref<2000x8xf32, #tpu.memory_space<vmem>> -> memref<125x8xf32, #tpu.memory_space<vmem>>
      %dma_wait3A_847 = arith.constant 0 : i32
      %dma_wait3A_848 = tpu.memref_slice %arg15[%dma_wait3A_843, %dma_wait3A_847] : memref<16x125xi32, #tpu.memory_space<vmem>> -> memref<1x125xi32, #tpu.memory_space<vmem>>
      %dma_wait3A_849 = tpu.memref_squeeze %dma_wait3A_848 : memref<1x125xi32, #tpu.memory_space<vmem>> -> memref<125xi32, #tpu.memory_space<vmem>>
      %dma_wait3A_850 = arith.constant 0 : i32
      %dma_wait3A_851 = arith.constant 0 : i32
      %dma_wait3A_852 = tpu.memref_slice %arg10[%dma_wait3A_850, %dma_wait3A_851] : memref<100352x8xf32, #tpu.memory_space<vmem_shared>> -> memref<100352x8xf32, #tpu.memory_space<vmem_shared>>
      tpu.wait_indirect_dma semaphore(%arg19 : memref<!tpu.dma_semaphore, #tpu.memory_space<semaphore_mem>>) src(%dma_wait3A_846 : memref<125x8xf32, #tpu.memory_space<vmem>>) dst(%dma_wait3A_852 : memref<100352x8xf32, #tpu.memory_space<vmem_shared>>)
      %dma_wait3A_853 = arith.constant 7 : i32
      %dma_wait3A_854 = arith.constant 875 : i32
      %dma_wait3A_855 = arith.constant 0 : i32
      %dma_wait3A_856 = tpu.memref_slice %arg13[%dma_wait3A_854, %dma_wait3A_855] : memref<2000x8xf32, #tpu.memory_space<vmem>> -> memref<125x8xf32, #tpu.memory_space<vmem>>
      %dma_wait3A_857 = arith.constant 0 : i32
      %dma_wait3A_858 = tpu.memref_slice %arg14[%dma_wait3A_853, %dma_wait3A_857] : memref<16x125xi32, #tpu.memory_space<vmem>> -> memref<1x125xi32, #tpu.memory_space<vmem>>
      %dma_wait3A_859 = tpu.memref_squeeze %dma_wait3A_858 : memref<1x125xi32, #tpu.memory_space<vmem>> -> memref<125xi32, #tpu.memory_space<vmem>>
      %dma_wait3A_860 = arith.constant 0 : i32
      %dma_wait3A_861 = arith.constant 0 : i32
      %dma_wait3A_862 = tpu.memref_slice %arg10[%dma_wait3A_860, %dma_wait3A_861] : memref<100352x8xf32, #tpu.memory_space<vmem_shared>> -> memref<100352x8xf32, #tpu.memory_space<vmem_shared>>
      tpu.wait_indirect_dma semaphore(%arg19 : memref<!tpu.dma_semaphore, #tpu.memory_space<semaphore_mem>>) src(%dma_wait3A_856 : memref<125x8xf32, #tpu.memory_space<vmem>>) dst(%dma_wait3A_862 : memref<100352x8xf32, #tpu.memory_space<vmem_shared>>)
      %dma_wait3A_863 = arith.constant 8 : i32
      %dma_wait3A_864 = arith.constant 1000 : i32
      %dma_wait3A_865 = arith.constant 0 : i32
      %dma_wait3A_866 = tpu.memref_slice %arg12[%dma_wait3A_864, %dma_wait3A_865] : memref<2000x8xf32, #tpu.memory_space<vmem>> -> memref<125x8xf32, #tpu.memory_space<vmem>>
      %dma_wait3A_867 = arith.constant 0 : i32
      %dma_wait3A_868 = tpu.memref_slice %arg15[%dma_wait3A_863, %dma_wait3A_867] : memref<16x125xi32, #tpu.memory_space<vmem>> -> memref<1x125xi32, #tpu.memory_space<vmem>>
      %dma_wait3A_869 = tpu.memref_squeeze %dma_wait3A_868 : memref<1x125xi32, #tpu.memory_space<vmem>> -> memref<125xi32, #tpu.memory_space<vmem>>
      %dma_wait3A_870 = arith.constant 0 : i32
      %dma_wait3A_871 = arith.constant 0 : i32
      %dma_wait3A_872 = tpu.memref_slice %arg10[%dma_wait3A_870, %dma_wait3A_871] : memref<100352x8xf32, #tpu.memory_space<vmem_shared>> -> memref<100352x8xf32, #tpu.memory_space<vmem_shared>>
      tpu.wait_indirect_dma semaphore(%arg19 : memref<!tpu.dma_semaphore, #tpu.memory_space<semaphore_mem>>) src(%dma_wait3A_866 : memref<125x8xf32, #tpu.memory_space<vmem>>) dst(%dma_wait3A_872 : memref<100352x8xf32, #tpu.memory_space<vmem_shared>>)
      %dma_wait3A_873 = arith.constant 8 : i32
      %dma_wait3A_874 = arith.constant 1000 : i32
      %dma_wait3A_875 = arith.constant 0 : i32
      %dma_wait3A_876 = tpu.memref_slice %arg13[%dma_wait3A_874, %dma_wait3A_875] : memref<2000x8xf32, #tpu.memory_space<vmem>> -> memref<125x8xf32, #tpu.memory_space<vmem>>
      %dma_wait3A_877 = arith.constant 0 : i32
      %dma_wait3A_878 = tpu.memref_slice %arg14[%dma_wait3A_873, %dma_wait3A_877] : memref<16x125xi32, #tpu.memory_space<vmem>> -> memref<1x125xi32, #tpu.memory_space<vmem>>
      %dma_wait3A_879 = tpu.memref_squeeze %dma_wait3A_878 : memref<1x125xi32, #tpu.memory_space<vmem>> -> memref<125xi32, #tpu.memory_space<vmem>>
      %dma_wait3A_880 = arith.constant 0 : i32
      %dma_wait3A_881 = arith.constant 0 : i32
      %dma_wait3A_882 = tpu.memref_slice %arg10[%dma_wait3A_880, %dma_wait3A_881] : memref<100352x8xf32, #tpu.memory_space<vmem_shared>> -> memref<100352x8xf32, #tpu.memory_space<vmem_shared>>
      tpu.wait_indirect_dma semaphore(%arg19 : memref<!tpu.dma_semaphore, #tpu.memory_space<semaphore_mem>>) src(%dma_wait3A_876 : memref<125x8xf32, #tpu.memory_space<vmem>>) dst(%dma_wait3A_882 : memref<100352x8xf32, #tpu.memory_space<vmem_shared>>)
      %dma_wait3A_883 = arith.constant 9 : i32
      %dma_wait3A_884 = arith.constant 1125 : i32
      %dma_wait3A_885 = arith.constant 0 : i32
      %dma_wait3A_886 = tpu.memref_slice %arg12[%dma_wait3A_884, %dma_wait3A_885] : memref<2000x8xf32, #tpu.memory_space<vmem>> -> memref<125x8xf32, #tpu.memory_space<vmem>>
      %dma_wait3A_887 = arith.constant 0 : i32
      %dma_wait3A_888 = tpu.memref_slice %arg15[%dma_wait3A_883, %dma_wait3A_887] : memref<16x125xi32, #tpu.memory_space<vmem>> -> memref<1x125xi32, #tpu.memory_space<vmem>>
      %dma_wait3A_889 = tpu.memref_squeeze %dma_wait3A_888 : memref<1x125xi32, #tpu.memory_space<vmem>> -> memref<125xi32, #tpu.memory_space<vmem>>
      %dma_wait3A_890 = arith.constant 0 : i32
      %dma_wait3A_891 = arith.constant 0 : i32
      %dma_wait3A_892 = tpu.memref_slice %arg10[%dma_wait3A_890, %dma_wait3A_891] : memref<100352x8xf32, #tpu.memory_space<vmem_shared>> -> memref<100352x8xf32, #tpu.memory_space<vmem_shared>>
      tpu.wait_indirect_dma semaphore(%arg19 : memref<!tpu.dma_semaphore, #tpu.memory_space<semaphore_mem>>) src(%dma_wait3A_886 : memref<125x8xf32, #tpu.memory_space<vmem>>) dst(%dma_wait3A_892 : memref<100352x8xf32, #tpu.memory_space<vmem_shared>>)
      %dma_wait3A_893 = arith.constant 9 : i32
      %dma_wait3A_894 = arith.constant 1125 : i32
      %dma_wait3A_895 = arith.constant 0 : i32
      %dma_wait3A_896 = tpu.memref_slice %arg13[%dma_wait3A_894, %dma_wait3A_895] : memref<2000x8xf32, #tpu.memory_space<vmem>> -> memref<125x8xf32, #tpu.memory_space<vmem>>
      %dma_wait3A_897 = arith.constant 0 : i32
      %dma_wait3A_898 = tpu.memref_slice %arg14[%dma_wait3A_893, %dma_wait3A_897] : memref<16x125xi32, #tpu.memory_space<vmem>> -> memref<1x125xi32, #tpu.memory_space<vmem>>
      %dma_wait3A_899 = tpu.memref_squeeze %dma_wait3A_898 : memref<1x125xi32, #tpu.memory_space<vmem>> -> memref<125xi32, #tpu.memory_space<vmem>>
      %dma_wait3A_900 = arith.constant 0 : i32
      %dma_wait3A_901 = arith.constant 0 : i32
      %dma_wait3A_902 = tpu.memref_slice %arg10[%dma_wait3A_900, %dma_wait3A_901] : memref<100352x8xf32, #tpu.memory_space<vmem_shared>> -> memref<100352x8xf32, #tpu.memory_space<vmem_shared>>
      tpu.wait_indirect_dma semaphore(%arg19 : memref<!tpu.dma_semaphore, #tpu.memory_space<semaphore_mem>>) src(%dma_wait3A_896 : memref<125x8xf32, #tpu.memory_space<vmem>>) dst(%dma_wait3A_902 : memref<100352x8xf32, #tpu.memory_space<vmem_shared>>)
      %dma_wait3A_903 = arith.constant 10 : i32
      %dma_wait3A_904 = arith.constant 1250 : i32
      %dma_wait3A_905 = arith.constant 0 : i32
      %dma_wait3A_906 = tpu.memref_slice %arg12[%dma_wait3A_904, %dma_wait3A_905] : memref<2000x8xf32, #tpu.memory_space<vmem>> -> memref<125x8xf32, #tpu.memory_space<vmem>>
      %dma_wait3A_907 = arith.constant 0 : i32
      %dma_wait3A_908 = tpu.memref_slice %arg15[%dma_wait3A_903, %dma_wait3A_907] : memref<16x125xi32, #tpu.memory_space<vmem>> -> memref<1x125xi32, #tpu.memory_space<vmem>>
      %dma_wait3A_909 = tpu.memref_squeeze %dma_wait3A_908 : memref<1x125xi32, #tpu.memory_space<vmem>> -> memref<125xi32, #tpu.memory_space<vmem>>
      %dma_wait3A_910 = arith.constant 0 : i32
      %dma_wait3A_911 = arith.constant 0 : i32
      %dma_wait3A_912 = tpu.memref_slice %arg10[%dma_wait3A_910, %dma_wait3A_911] : memref<100352x8xf32, #tpu.memory_space<vmem_shared>> -> memref<100352x8xf32, #tpu.memory_space<vmem_shared>>
      tpu.wait_indirect_dma semaphore(%arg19 : memref<!tpu.dma_semaphore, #tpu.memory_space<semaphore_mem>>) src(%dma_wait3A_906 : memref<125x8xf32, #tpu.memory_space<vmem>>) dst(%dma_wait3A_912 : memref<100352x8xf32, #tpu.memory_space<vmem_shared>>)
      %dma_wait3A_913 = arith.constant 10 : i32
      %dma_wait3A_914 = arith.constant 1250 : i32
      %dma_wait3A_915 = arith.constant 0 : i32
      %dma_wait3A_916 = tpu.memref_slice %arg13[%dma_wait3A_914, %dma_wait3A_915] : memref<2000x8xf32, #tpu.memory_space<vmem>> -> memref<125x8xf32, #tpu.memory_space<vmem>>
      %dma_wait3A_917 = arith.constant 0 : i32
      %dma_wait3A_918 = tpu.memref_slice %arg14[%dma_wait3A_913, %dma_wait3A_917] : memref<16x125xi32, #tpu.memory_space<vmem>> -> memref<1x125xi32, #tpu.memory_space<vmem>>
      %dma_wait3A_919 = tpu.memref_squeeze %dma_wait3A_918 : memref<1x125xi32, #tpu.memory_space<vmem>> -> memref<125xi32, #tpu.memory_space<vmem>>
      %dma_wait3A_920 = arith.constant 0 : i32
      %dma_wait3A_921 = arith.constant 0 : i32
      %dma_wait3A_922 = tpu.memref_slice %arg10[%dma_wait3A_920, %dma_wait3A_921] : memref<100352x8xf32, #tpu.memory_space<vmem_shared>> -> memref<100352x8xf32, #tpu.memory_space<vmem_shared>>
      tpu.wait_indirect_dma semaphore(%arg19 : memref<!tpu.dma_semaphore, #tpu.memory_space<semaphore_mem>>) src(%dma_wait3A_916 : memref<125x8xf32, #tpu.memory_space<vmem>>) dst(%dma_wait3A_922 : memref<100352x8xf32, #tpu.memory_space<vmem_shared>>)
      %dma_wait3A_923 = arith.constant 11 : i32
      %dma_wait3A_924 = arith.constant 1375 : i32
      %dma_wait3A_925 = arith.constant 0 : i32
      %dma_wait3A_926 = tpu.memref_slice %arg12[%dma_wait3A_924, %dma_wait3A_925] : memref<2000x8xf32, #tpu.memory_space<vmem>> -> memref<125x8xf32, #tpu.memory_space<vmem>>
      %dma_wait3A_927 = arith.constant 0 : i32
      %dma_wait3A_928 = tpu.memref_slice %arg15[%dma_wait3A_923, %dma_wait3A_927] : memref<16x125xi32, #tpu.memory_space<vmem>> -> memref<1x125xi32, #tpu.memory_space<vmem>>
      %dma_wait3A_929 = tpu.memref_squeeze %dma_wait3A_928 : memref<1x125xi32, #tpu.memory_space<vmem>> -> memref<125xi32, #tpu.memory_space<vmem>>
      %dma_wait3A_930 = arith.constant 0 : i32
      %dma_wait3A_931 = arith.constant 0 : i32
      %dma_wait3A_932 = tpu.memref_slice %arg10[%dma_wait3A_930, %dma_wait3A_931] : memref<100352x8xf32, #tpu.memory_space<vmem_shared>> -> memref<100352x8xf32, #tpu.memory_space<vmem_shared>>
      tpu.wait_indirect_dma semaphore(%arg19 : memref<!tpu.dma_semaphore, #tpu.memory_space<semaphore_mem>>) src(%dma_wait3A_926 : memref<125x8xf32, #tpu.memory_space<vmem>>) dst(%dma_wait3A_932 : memref<100352x8xf32, #tpu.memory_space<vmem_shared>>)
      %dma_wait3A_933 = arith.constant 11 : i32
      %dma_wait3A_934 = arith.constant 1375 : i32
      %dma_wait3A_935 = arith.constant 0 : i32
      %dma_wait3A_936 = tpu.memref_slice %arg13[%dma_wait3A_934, %dma_wait3A_935] : memref<2000x8xf32, #tpu.memory_space<vmem>> -> memref<125x8xf32, #tpu.memory_space<vmem>>
      %dma_wait3A_937 = arith.constant 0 : i32
      %dma_wait3A_938 = tpu.memref_slice %arg14[%dma_wait3A_933, %dma_wait3A_937] : memref<16x125xi32, #tpu.memory_space<vmem>> -> memref<1x125xi32, #tpu.memory_space<vmem>>
      %dma_wait3A_939 = tpu.memref_squeeze %dma_wait3A_938 : memref<1x125xi32, #tpu.memory_space<vmem>> -> memref<125xi32, #tpu.memory_space<vmem>>
      %dma_wait3A_940 = arith.constant 0 : i32
      %dma_wait3A_941 = arith.constant 0 : i32
      %dma_wait3A_942 = tpu.memref_slice %arg10[%dma_wait3A_940, %dma_wait3A_941] : memref<100352x8xf32, #tpu.memory_space<vmem_shared>> -> memref<100352x8xf32, #tpu.memory_space<vmem_shared>>
      tpu.wait_indirect_dma semaphore(%arg19 : memref<!tpu.dma_semaphore, #tpu.memory_space<semaphore_mem>>) src(%dma_wait3A_936 : memref<125x8xf32, #tpu.memory_space<vmem>>) dst(%dma_wait3A_942 : memref<100352x8xf32, #tpu.memory_space<vmem_shared>>)
      %dma_wait3A_943 = arith.constant 12 : i32
      %dma_wait3A_944 = arith.constant 1500 : i32
      %dma_wait3A_945 = arith.constant 0 : i32
      %dma_wait3A_946 = tpu.memref_slice %arg12[%dma_wait3A_944, %dma_wait3A_945] : memref<2000x8xf32, #tpu.memory_space<vmem>> -> memref<125x8xf32, #tpu.memory_space<vmem>>
      %dma_wait3A_947 = arith.constant 0 : i32
      %dma_wait3A_948 = tpu.memref_slice %arg15[%dma_wait3A_943, %dma_wait3A_947] : memref<16x125xi32, #tpu.memory_space<vmem>> -> memref<1x125xi32, #tpu.memory_space<vmem>>
      %dma_wait3A_949 = tpu.memref_squeeze %dma_wait3A_948 : memref<1x125xi32, #tpu.memory_space<vmem>> -> memref<125xi32, #tpu.memory_space<vmem>>
      %dma_wait3A_950 = arith.constant 0 : i32
      %dma_wait3A_951 = arith.constant 0 : i32
      %dma_wait3A_952 = tpu.memref_slice %arg10[%dma_wait3A_950, %dma_wait3A_951] : memref<100352x8xf32, #tpu.memory_space<vmem_shared>> -> memref<100352x8xf32, #tpu.memory_space<vmem_shared>>
      tpu.wait_indirect_dma semaphore(%arg19 : memref<!tpu.dma_semaphore, #tpu.memory_space<semaphore_mem>>) src(%dma_wait3A_946 : memref<125x8xf32, #tpu.memory_space<vmem>>) dst(%dma_wait3A_952 : memref<100352x8xf32, #tpu.memory_space<vmem_shared>>)
      %dma_wait3A_953 = arith.constant 12 : i32
      %dma_wait3A_954 = arith.constant 1500 : i32
      %dma_wait3A_955 = arith.constant 0 : i32
      %dma_wait3A_956 = tpu.memref_slice %arg13[%dma_wait3A_954, %dma_wait3A_955] : memref<2000x8xf32, #tpu.memory_space<vmem>> -> memref<125x8xf32, #tpu.memory_space<vmem>>
      %dma_wait3A_957 = arith.constant 0 : i32
      %dma_wait3A_958 = tpu.memref_slice %arg14[%dma_wait3A_953, %dma_wait3A_957] : memref<16x125xi32, #tpu.memory_space<vmem>> -> memref<1x125xi32, #tpu.memory_space<vmem>>
      %dma_wait3A_959 = tpu.memref_squeeze %dma_wait3A_958 : memref<1x125xi32, #tpu.memory_space<vmem>> -> memref<125xi32, #tpu.memory_space<vmem>>
      %dma_wait3A_960 = arith.constant 0 : i32
      %dma_wait3A_961 = arith.constant 0 : i32
      %dma_wait3A_962 = tpu.memref_slice %arg10[%dma_wait3A_960, %dma_wait3A_961] : memref<100352x8xf32, #tpu.memory_space<vmem_shared>> -> memref<100352x8xf32, #tpu.memory_space<vmem_shared>>
      tpu.wait_indirect_dma semaphore(%arg19 : memref<!tpu.dma_semaphore, #tpu.memory_space<semaphore_mem>>) src(%dma_wait3A_956 : memref<125x8xf32, #tpu.memory_space<vmem>>) dst(%dma_wait3A_962 : memref<100352x8xf32, #tpu.memory_space<vmem_shared>>)
      %dma_wait3A_963 = arith.constant 13 : i32
      %dma_wait3A_964 = arith.constant 1625 : i32
      %dma_wait3A_965 = arith.constant 0 : i32
      %dma_wait3A_966 = tpu.memref_slice %arg12[%dma_wait3A_964, %dma_wait3A_965] : memref<2000x8xf32, #tpu.memory_space<vmem>> -> memref<125x8xf32, #tpu.memory_space<vmem>>
      %dma_wait3A_967 = arith.constant 0 : i32
      %dma_wait3A_968 = tpu.memref_slice %arg15[%dma_wait3A_963, %dma_wait3A_967] : memref<16x125xi32, #tpu.memory_space<vmem>> -> memref<1x125xi32, #tpu.memory_space<vmem>>
      %dma_wait3A_969 = tpu.memref_squeeze %dma_wait3A_968 : memref<1x125xi32, #tpu.memory_space<vmem>> -> memref<125xi32, #tpu.memory_space<vmem>>
      %dma_wait3A_970 = arith.constant 0 : i32
      %dma_wait3A_971 = arith.constant 0 : i32
      %dma_wait3A_972 = tpu.memref_slice %arg10[%dma_wait3A_970, %dma_wait3A_971] : memref<100352x8xf32, #tpu.memory_space<vmem_shared>> -> memref<100352x8xf32, #tpu.memory_space<vmem_shared>>
      tpu.wait_indirect_dma semaphore(%arg19 : memref<!tpu.dma_semaphore, #tpu.memory_space<semaphore_mem>>) src(%dma_wait3A_966 : memref<125x8xf32, #tpu.memory_space<vmem>>) dst(%dma_wait3A_972 : memref<100352x8xf32, #tpu.memory_space<vmem_shared>>)
      %dma_wait3A_973 = arith.constant 13 : i32
      %dma_wait3A_974 = arith.constant 1625 : i32
      %dma_wait3A_975 = arith.constant 0 : i32
      %dma_wait3A_976 = tpu.memref_slice %arg13[%dma_wait3A_974, %dma_wait3A_975] : memref<2000x8xf32, #tpu.memory_space<vmem>> -> memref<125x8xf32, #tpu.memory_space<vmem>>
      %dma_wait3A_977 = arith.constant 0 : i32
      %dma_wait3A_978 = tpu.memref_slice %arg14[%dma_wait3A_973, %dma_wait3A_977] : memref<16x125xi32, #tpu.memory_space<vmem>> -> memref<1x125xi32, #tpu.memory_space<vmem>>
      %dma_wait3A_979 = tpu.memref_squeeze %dma_wait3A_978 : memref<1x125xi32, #tpu.memory_space<vmem>> -> memref<125xi32, #tpu.memory_space<vmem>>
      %dma_wait3A_980 = arith.constant 0 : i32
      %dma_wait3A_981 = arith.constant 0 : i32
      %dma_wait3A_982 = tpu.memref_slice %arg10[%dma_wait3A_980, %dma_wait3A_981] : memref<100352x8xf32, #tpu.memory_space<vmem_shared>> -> memref<100352x8xf32, #tpu.memory_space<vmem_shared>>
      tpu.wait_indirect_dma semaphore(%arg19 : memref<!tpu.dma_semaphore, #tpu.memory_space<semaphore_mem>>) src(%dma_wait3A_976 : memref<125x8xf32, #tpu.memory_space<vmem>>) dst(%dma_wait3A_982 : memref<100352x8xf32, #tpu.memory_space<vmem_shared>>)
      %dma_wait3A_983 = arith.constant 14 : i32
      %dma_wait3A_984 = arith.constant 1750 : i32
      %dma_wait3A_985 = arith.constant 0 : i32
      %dma_wait3A_986 = tpu.memref_slice %arg12[%dma_wait3A_984, %dma_wait3A_985] : memref<2000x8xf32, #tpu.memory_space<vmem>> -> memref<125x8xf32, #tpu.memory_space<vmem>>
      %dma_wait3A_987 = arith.constant 0 : i32
      %dma_wait3A_988 = tpu.memref_slice %arg15[%dma_wait3A_983, %dma_wait3A_987] : memref<16x125xi32, #tpu.memory_space<vmem>> -> memref<1x125xi32, #tpu.memory_space<vmem>>
      %dma_wait3A_989 = tpu.memref_squeeze %dma_wait3A_988 : memref<1x125xi32, #tpu.memory_space<vmem>> -> memref<125xi32, #tpu.memory_space<vmem>>
      %dma_wait3A_990 = arith.constant 0 : i32
      %dma_wait3A_991 = arith.constant 0 : i32
      %dma_wait3A_992 = tpu.memref_slice %arg10[%dma_wait3A_990, %dma_wait3A_991] : memref<100352x8xf32, #tpu.memory_space<vmem_shared>> -> memref<100352x8xf32, #tpu.memory_space<vmem_shared>>
      tpu.wait_indirect_dma semaphore(%arg19 : memref<!tpu.dma_semaphore, #tpu.memory_space<semaphore_mem>>) src(%dma_wait3A_986 : memref<125x8xf32, #tpu.memory_space<vmem>>) dst(%dma_wait3A_992 : memref<100352x8xf32, #tpu.memory_space<vmem_shared>>)
      %dma_wait3A_993 = arith.constant 14 : i32
      %dma_wait3A_994 = arith.constant 1750 : i32
      %dma_wait3A_995 = arith.constant 0 : i32
      %dma_wait3A_996 = tpu.memref_slice %arg13[%dma_wait3A_994, %dma_wait3A_995] : memref<2000x8xf32, #tpu.memory_space<vmem>> -> memref<125x8xf32, #tpu.memory_space<vmem>>
      %dma_wait3A_997 = arith.constant 0 : i32
      %dma_wait3A_998 = tpu.memref_slice %arg14[%dma_wait3A_993, %dma_wait3A_997] : memref<16x125xi32, #tpu.memory_space<vmem>> -> memref<1x125xi32, #tpu.memory_space<vmem>>
      %dma_wait3A_999 = tpu.memref_squeeze %dma_wait3A_998 : memref<1x125xi32, #tpu.memory_space<vmem>> -> memref<125xi32, #tpu.memory_space<vmem>>
      %dma_wait3A_1000 = arith.constant 0 : i32
      %dma_wait3A_1001 = arith.constant 0 : i32
      %dma_wait3A_1002 = tpu.memref_slice %arg10[%dma_wait3A_1000, %dma_wait3A_1001] : memref<100352x8xf32, #tpu.memory_space<vmem_shared>> -> memref<100352x8xf32, #tpu.memory_space<vmem_shared>>
      tpu.wait_indirect_dma semaphore(%arg19 : memref<!tpu.dma_semaphore, #tpu.memory_space<semaphore_mem>>) src(%dma_wait3A_996 : memref<125x8xf32, #tpu.memory_space<vmem>>) dst(%dma_wait3A_1002 : memref<100352x8xf32, #tpu.memory_space<vmem_shared>>)
      %dma_wait3A_1003 = arith.constant 15 : i32
      %dma_wait3A_1004 = arith.constant 1875 : i32
      %dma_wait3A_1005 = arith.constant 0 : i32
      %dma_wait3A_1006 = tpu.memref_slice %arg12[%dma_wait3A_1004, %dma_wait3A_1005] : memref<2000x8xf32, #tpu.memory_space<vmem>> -> memref<125x8xf32, #tpu.memory_space<vmem>>
      %dma_wait3A_1007 = arith.constant 0 : i32
      %dma_wait3A_1008 = tpu.memref_slice %arg15[%dma_wait3A_1003, %dma_wait3A_1007] : memref<16x125xi32, #tpu.memory_space<vmem>> -> memref<1x125xi32, #tpu.memory_space<vmem>>
      %dma_wait3A_1009 = tpu.memref_squeeze %dma_wait3A_1008 : memref<1x125xi32, #tpu.memory_space<vmem>> -> memref<125xi32, #tpu.memory_space<vmem>>
      %dma_wait3A_1010 = arith.constant 0 : i32
      %dma_wait3A_1011 = arith.constant 0 : i32
      %dma_wait3A_1012 = tpu.memref_slice %arg10[%dma_wait3A_1010, %dma_wait3A_1011] : memref<100352x8xf32, #tpu.memory_space<vmem_shared>> -> memref<100352x8xf32, #tpu.memory_space<vmem_shared>>
      tpu.wait_indirect_dma semaphore(%arg19 : memref<!tpu.dma_semaphore, #tpu.memory_space<semaphore_mem>>) src(%dma_wait3A_1006 : memref<125x8xf32, #tpu.memory_space<vmem>>) dst(%dma_wait3A_1012 : memref<100352x8xf32, #tpu.memory_space<vmem_shared>>)
      %dma_wait3A_1013 = arith.constant 15 : i32
      %dma_wait3A_1014 = arith.constant 1875 : i32
      %dma_wait3A_1015 = arith.constant 0 : i32
      %dma_wait3A_1016 = tpu.memref_slice %arg13[%dma_wait3A_1014, %dma_wait3A_1015] : memref<2000x8xf32, #tpu.memory_space<vmem>> -> memref<125x8xf32, #tpu.memory_space<vmem>>
      %dma_wait3A_1017 = arith.constant 0 : i32
      %dma_wait3A_1018 = tpu.memref_slice %arg14[%dma_wait3A_1013, %dma_wait3A_1017] : memref<16x125xi32, #tpu.memory_space<vmem>> -> memref<1x125xi32, #tpu.memory_space<vmem>>
      %dma_wait3A_1019 = tpu.memref_squeeze %dma_wait3A_1018 : memref<1x125xi32, #tpu.memory_space<vmem>> -> memref<125xi32, #tpu.memory_space<vmem>>
      %dma_wait3A_1020 = arith.constant 0 : i32
      %dma_wait3A_1021 = arith.constant 0 : i32
      %dma_wait3A_1022 = tpu.memref_slice %arg10[%dma_wait3A_1020, %dma_wait3A_1021] : memref<100352x8xf32, #tpu.memory_space<vmem_shared>> -> memref<100352x8xf32, #tpu.memory_space<vmem_shared>>
      tpu.wait_indirect_dma semaphore(%arg19 : memref<!tpu.dma_semaphore, #tpu.memory_space<semaphore_mem>>) src(%dma_wait3A_1016 : memref<125x8xf32, #tpu.memory_space<vmem>>) dst(%dma_wait3A_1022 : memref<100352x8xf32, #tpu.memory_space<vmem_shared>>)
    }
    %scan3A_18 = arith.constant 25 : i32
    %barrier3A_19 = arith.constant 0 : index
    tpu.barrier barrier_id(%barrier3A_19)
    %mul3A_20 = arith.constant 6272 : i32
    %mul3A_21 = arith.muli %arg1, %mul3A_20 : i32
    %mul3A_22 = arith.constant 6272 : i32
    %mul3A_23 = arith.muli %arg1, %mul3A_22 : i32
    "tpu.region"() ({
      %run_scoped3A = tpu.sem_alloc : memref<!tpu.dma_semaphore, #tpu.memory_space<semaphore_mem>>
      %dma_start3A = arith.constant 0 : i32
      %dma_start3A_24 = arith.constant 0 : i32
      %dma_start3A_25 = tpu.memref_slice %arg9[%arg0, %dma_start3A, %dma_start3A_24] : memref<2x100352x8xf32, #tpu.memory_space<hbm>> -> memref<1x100352x8xf32, #tpu.memory_space<hbm>>
      %dma_start3A_26 = tpu.memref_squeeze %dma_start3A_25 : memref<1x100352x8xf32, #tpu.memory_space<hbm>> -> memref<100352x8xf32, #tpu.memory_space<hbm>>
      %dma_start3A_27 = arith.constant 0 : i32
      %dma_start3A_28 = tpu.memref_slice %dma_start3A_26[%mul3A_23, %dma_start3A_27] : memref<100352x8xf32, #tpu.memory_space<hbm>> -> memref<6272x8xf32, #tpu.memory_space<hbm>>
      %dma_start3A_29 = arith.constant 0 : i32
      %dma_start3A_30 = tpu.memref_slice %arg10[%mul3A_21, %dma_start3A_29] : memref<100352x8xf32, #tpu.memory_space<vmem_shared>> -> memref<6272x8xf32, #tpu.memory_space<vmem_shared>>
      tpu.enqueue_dma source(%dma_start3A_30 : memref<6272x8xf32, #tpu.memory_space<vmem_shared>>) target(%dma_start3A_28 : memref<6272x8xf32, #tpu.memory_space<hbm>>) target_semaphore(%run_scoped3A : memref<!tpu.dma_semaphore, #tpu.memory_space<semaphore_mem>>)
      %dma_wait3A = arith.constant 0 : i32
      %dma_wait3A_31 = arith.constant 0 : i32
      %dma_wait3A_32 = tpu.memref_slice %arg9[%arg0, %dma_wait3A, %dma_wait3A_31] : memref<2x100352x8xf32, #tpu.memory_space<hbm>> -> memref<1x100352x8xf32, #tpu.memory_space<hbm>>
      %dma_wait3A_33 = tpu.memref_squeeze %dma_wait3A_32 : memref<1x100352x8xf32, #tpu.memory_space<hbm>> -> memref<100352x8xf32, #tpu.memory_space<hbm>>
      %dma_wait3A_34 = arith.constant 0 : i32
      %dma_wait3A_35 = tpu.memref_slice %dma_wait3A_33[%mul3A_23, %dma_wait3A_34] : memref<100352x8xf32, #tpu.memory_space<hbm>> -> memref<6272x8xf32, #tpu.memory_space<hbm>>
      %dma_wait3A_36 = arith.constant 0 : i32
      %dma_wait3A_37 = tpu.memref_slice %arg10[%mul3A_21, %dma_wait3A_36] : memref<100352x8xf32, #tpu.memory_space<vmem_shared>> -> memref<6272x8xf32, #tpu.memory_space<vmem_shared>>
      tpu.wait_dma2 semaphore(%run_scoped3A : memref<!tpu.dma_semaphore, #tpu.memory_space<semaphore_mem>>) src(%dma_wait3A_37 : memref<6272x8xf32, #tpu.memory_space<vmem_shared>>) dst(%dma_wait3A_35 : memref<6272x8xf32, #tpu.memory_space<hbm>>)
      tpu.yield
    }) : () -> ()
    return
  }
}

module attributes {stable_mosaic.version = 14 : i64} {
  func.func @_y_body(%arg0: i32, %arg1: memref<4000x5xf32, #tpu.memory_space<vmem>>, %arg2: memref<5x16xf32, #tpu.memory_space<vmem>>, %arg3: memref<4000x16xf32, #tpu.memory_space<vmem>>) attributes {dimension_semantics = [#tpu.dimension_semantics<arbitrary>], iteration_bounds = array<i64: 25>, scalar_prefetch = 0 : i64, scratch_operands = 0 : i64, tpu.core_type = #tpu.core_type<tc>, window_params = [{transform_indices = @transform_0, window_bounds = array<i64: 4000, 5>}, {pipeline_mode = #tpu.pipeline_mode<synchronous>, transform_indices = @transform_1, window_bounds = array<i64: 5, 16>}, {transform_indices = @transform_2, window_bounds = array<i64: 4000, 16>}]} {
    %get3A = arith.constant 0 : index
    %get3A_0 = arith.constant 0 : index
    %get3A_1 = vector.load %arg1[%get3A, %get3A_0] : memref<4000x5xf32, #tpu.memory_space<vmem>>, vector<4000x5xf32>
    %get3A_2 = arith.constant 0 : index
    %get3A_3 = arith.constant 0 : index
    %get3A_4 = vector.load %arg2[%get3A_2, %get3A_3] : memref<5x16xf32, #tpu.memory_space<vmem>>, vector<5x16xf32>
    %dot_general3A = arith.constant dense<0.000000e+00> : vector<4000x16xf32>
    %dot_general3A_5 = tpu.matmul %get3A_1, %get3A_4, %dot_general3A {dimension_numbers = #tpu.dot_dimension_numbers<[1], [0], [0], [1], [0, 0, 1, 1], [], []>, transpose_lhs_hint = false} : vector<4000x5xf32>, vector<5x16xf32>, vector<4000x16xf32> -> vector<4000x16xf32>
    %swap3A = arith.constant 0 : index
    %swap3A_6 = arith.constant 0 : index
    %swap3A_7 = vector.load %arg3[%swap3A, %swap3A_6] : memref<4000x16xf32, #tpu.memory_space<vmem>>, vector<4000x16xf32>
    tpu.vector_store %arg3[%swap3A, %swap3A_6], %dot_general3A_5 {strides = array<i32>} : memref<4000x16xf32, #tpu.memory_space<vmem>>, vector<4000x16xf32>,
    return
  }
  func.func @transform_0(%arg0: i32) -> (i32, i32) {
    %c0_i32 = arith.constant 0 : i32
    %c0_i32_0 = arith.constant 0 : i32
    return %arg0, %c0_i32 : i32, i32
  }
  func.func @transform_1(%arg0: i32) -> (i32, i32) {
    %c0_i32 = arith.constant 0 : i32
    %c0_i32_0 = arith.constant 0 : i32
    %c0_i32_1 = arith.constant 0 : i32
    return %c0_i32, %c0_i32_0 : i32, i32
  }
  func.func @transform_2(%arg0: i32) -> (i32, i32) {
    %c0_i32 = arith.constant 0 : i32
    %c0_i32_0 = arith.constant 0 : i32
    return %arg0, %c0_i32 : i32, i32
  }
}

module attributes {stable_mosaic.version = 14 : i64} {
  func.func @_node_body(%arg0: i32, %arg1: memref<1568x128xf32, #tpu.memory_space<vmem>>, %arg2: memref<1568x128xf32, #tpu.memory_space<vmem>>, %arg3: memref<1568x128xf32, #tpu.memory_space<vmem>>, %arg4: memref<128x128xf32, #tpu.memory_space<vmem>>, %arg5: memref<1x128xf32, #tpu.memory_space<vmem>>, %arg6: memref<128x128xf32, #tpu.memory_space<vmem>>, %arg7: memref<1x128xf32, #tpu.memory_space<vmem>>, %arg8: memref<128x128xf32, #tpu.memory_space<vmem>>, %arg9: memref<1x128xf32, #tpu.memory_space<vmem>>, %arg10: memref<128x128xf32, #tpu.memory_space<vmem>>, %arg11: memref<128x128xf32, #tpu.memory_space<vmem>>, %arg12: memref<1568x128xf32, #tpu.memory_space<vmem>>, %arg13: memref<1x1xf32, #tpu.memory_space<vmem>>, %arg14: memref<1x1xf32, #tpu.memory_space<vmem>>, %arg15: memref<1x1xf32, #tpu.memory_space<vmem>>) attributes {dimension_semantics = [#tpu.dimension_semantics<arbitrary>], iteration_bounds = array<i64: 4>, scalar_prefetch = 0 : i64, scratch_operands = 0 : i64, tpu.core_type = #tpu.core_type<tc>, window_params = [{transform_indices = @transform_0, window_bounds = array<i64: 1568, 128>}, {transform_indices = @transform_1, window_bounds = array<i64: 1568, 128>}, {transform_indices = @transform_2, window_bounds = array<i64: 1568, 128>}, {pipeline_mode = #tpu.pipeline_mode<synchronous>, transform_indices = @transform_3, window_bounds = array<i64: 128, 128>}, {pipeline_mode = #tpu.pipeline_mode<synchronous>, transform_indices = @transform_4, window_bounds = array<i64: 1, 128>}, {pipeline_mode = #tpu.pipeline_mode<synchronous>, transform_indices = @transform_5, window_bounds = array<i64: 128, 128>}, {pipeline_mode = #tpu.pipeline_mode<synchronous>, transform_indices = @transform_6, window_bounds = array<i64: 1, 128>}, {pipeline_mode = #tpu.pipeline_mode<synchronous>, transform_indices = @transform_7, window_bounds = array<i64: 128, 128>}, {pipeline_mode = #tpu.pipeline_mode<synchronous>, transform_indices = @transform_8, window_bounds = array<i64: 1, 128>}, {pipeline_mode = #tpu.pipeline_mode<synchronous>, transform_indices = @transform_9, window_bounds = array<i64: 128, 128>}, {pipeline_mode = #tpu.pipeline_mode<synchronous>, transform_indices = @transform_10, window_bounds = array<i64: 128, 128>}, {transform_indices = @transform_11, window_bounds = array<i64: 1568, 128>}, {pipeline_mode = #tpu.pipeline_mode<synchronous>, transform_indices = @transform_12, window_bounds = array<i64: 1, 1>}, {pipeline_mode = #tpu.pipeline_mode<synchronous>, transform_indices = @transform_13, window_bounds = array<i64: 1, 1>}, {pipeline_mode = #tpu.pipeline_mode<synchronous>, transform_indices = @transform_14, window_bounds = array<i64: 1, 1>}]} {
    %get3A = arith.constant 0 : index
    %get3A_0 = arith.constant 0 : index
    %get3A_1 = vector.load %arg1[%get3A, %get3A_0] : memref<1568x128xf32, #tpu.memory_space<vmem>>, vector<1568x128xf32>
    %get3A_2 = arith.constant 0 : index
    %get3A_3 = arith.constant 0 : index
    %get3A_4 = vector.load %arg2[%get3A_2, %get3A_3] : memref<1568x128xf32, #tpu.memory_space<vmem>>, vector<1568x128xf32>
    %get3A_5 = arith.constant 0 : index
    %get3A_6 = arith.constant 0 : index
    %get3A_7 = vector.load %arg3[%get3A_5, %get3A_6] : memref<1568x128xf32, #tpu.memory_space<vmem>>, vector<1568x128xf32>
    %add3A = arith.addf %get3A_4, %get3A_7 : vector<1568x128xf32>
    %iota3A = tpu.iota {dimensions = array<i32: 1>} : vector<1568x128xi32>
    %jit3A = arith.constant 8 : i32
    %eq3A = arith.constant 0 : i32
    %eq3A_8 = arith.cmpi eq, %jit3A, %eq3A : i32
    %jit3A_9 = arith.constant 1 : i32
    %select_n3A = arith.select %eq3A_8, %jit3A_9, %jit3A : i32
    %rem3A = vector.broadcast %select_n3A : i32 to vector<1568x128xi32>
    %rem3A_10 = arith.remsi %iota3A, %rem3A : vector<1568x128xi32>
    %ne3A = arith.constant 0 : i32
    %ne3A_11 = vector.broadcast %ne3A : i32 to vector<1568x128xi32>
    %ne3A_12 = arith.cmpi ne, %rem3A_10, %ne3A_11 : vector<1568x128xi32>
    %lt3A = arith.constant 0 : i32
    %lt3A_13 = vector.broadcast %lt3A : i32 to vector<1568x128xi32>
    %lt3A_14 = arith.cmpi slt, %rem3A_10, %lt3A_13 : vector<1568x128xi32>
    %lt3A_15 = arith.constant 0 : i32
    %lt3A_16 = arith.cmpi slt, %select_n3A, %lt3A_15 : i32
    %ne3A_17 = vector.broadcast %lt3A_16 : i1 to vector<1568x128xi1>
    %ne3A_18 = vector.broadcast %ne3A_17 : vector<1568x128xi1> to vector<1568x128xi1>
    %ne3A_19 = arith.xori %lt3A_14, %ne3A_18 : vector<1568x128xi1>
    %and3A = arith.andi %ne3A_19, %ne3A_12 : vector<1568x128xi1>
    %add3A_20 = vector.broadcast %select_n3A : i32 to vector<1568x128xi32>
    %add3A_21 = arith.addi %rem3A_10, %add3A_20 : vector<1568x128xi32>
    %select_n3A_22 = arith.select %and3A, %add3A_21, %rem3A_10 : vector<1568x128xi1>, vector<1568x128xi32>
    %get3A_23 = arith.constant 0 : index
    %get3A_24 = arith.constant 0 : index
    %get3A_25 = vector.load %arg4[%get3A_23, %get3A_24] : memref<128x128xf32, #tpu.memory_space<vmem>>, vector<128x128xf32>
    %dot_general3A = arith.constant dense<0.000000e+00> : vector<1568x128xf32>
    %dot_general3A_26 = tpu.matmul %get3A_1, %get3A_25, %dot_general3A {dimension_numbers = #tpu.dot_dimension_numbers<[1], [0], [0], [1], [0, 0, 1, 1], [], []>, transpose_lhs_hint = false} : vector<1568x128xf32>, vector<128x128xf32>, vector<1568x128xf32> -> vector<1568x128xf32>
    %lt3A_27 = arith.constant 5 : i32
    %lt3A_28 = vector.broadcast %lt3A_27 : i32 to vector<1568x128xi32>
    %lt3A_29 = arith.cmpi slt, %select_n3A_22, %lt3A_28 : vector<1568x128xi32>
    %jit3A_30 = arith.constant 0.000000e+00 : f32
    %broadcast_in_dim3A = vector.broadcast %jit3A_30 : f32 to vector<1568x128xf32>
    %select_n3A_31 = arith.select %lt3A_29, %add3A, %broadcast_in_dim3A : vector<1568x128xi1>, vector<1568x128xf32>
    %add3A_32 = arith.addf %dot_general3A_26, %select_n3A_31 : vector<1568x128xf32>
    %get3A_33 = arith.constant 0 : index
    %get3A_34 = arith.constant 0 : index
    %get3A_35 = vector.load %arg5[%get3A_33, %get3A_34] : memref<1x128xf32, #tpu.memory_space<vmem>>, vector<1x128xf32>
    %add3A_36 = vector.broadcast %get3A_35 : vector<1x128xf32> to vector<1568x128xf32>
    %add3A_37 = arith.addf %add3A_32, %add3A_36 : vector<1568x128xf32>
    %get3A_38 = arith.constant 0 : index
    %get3A_39 = arith.constant 0 : index
    %get3A_40 = vector.load %arg6[%get3A_38, %get3A_39] : memref<128x128xf32, #tpu.memory_space<vmem>>, vector<128x128xf32>
    %dot_general3A_41 = arith.constant dense<0.000000e+00> : vector<1568x128xf32>
    %dot_general3A_42 = tpu.matmul %add3A_37, %get3A_40, %dot_general3A_41 {dimension_numbers = #tpu.dot_dimension_numbers<[1], [0], [0], [1], [0, 0, 1, 1], [], []>, transpose_lhs_hint = false} : vector<1568x128xf32>, vector<128x128xf32>, vector<1568x128xf32> -> vector<1568x128xf32>
    %get3A_43 = arith.constant 0 : index
    %get3A_44 = arith.constant 0 : index
    %get3A_45 = vector.load %arg7[%get3A_43, %get3A_44] : memref<1x128xf32, #tpu.memory_space<vmem>>, vector<1x128xf32>
    %add3A_46 = vector.broadcast %get3A_45 : vector<1x128xf32> to vector<1568x128xf32>
    %add3A_47 = arith.addf %dot_general3A_42, %add3A_46 : vector<1568x128xf32>
    %max3A = arith.constant 0.000000e+00 : f32
    %max3A_48 = vector.broadcast %max3A : f32 to vector<1568x128xf32>
    %max3A_49 = arith.maximumf %add3A_47, %max3A_48 : vector<1568x128xf32>
    %get3A_50 = arith.constant 0 : index
    %get3A_51 = arith.constant 0 : index
    %get3A_52 = vector.load %arg8[%get3A_50, %get3A_51] : memref<128x128xf32, #tpu.memory_space<vmem>>, vector<128x128xf32>
    %dot_general3A_53 = arith.constant dense<0.000000e+00> : vector<1568x128xf32>
    %dot_general3A_54 = tpu.matmul %max3A_49, %get3A_52, %dot_general3A_53 {dimension_numbers = #tpu.dot_dimension_numbers<[1], [0], [0], [1], [0, 0, 1, 1], [], []>, transpose_lhs_hint = false} : vector<1568x128xf32>, vector<128x128xf32>, vector<1568x128xf32> -> vector<1568x128xf32>
    %get3A_55 = arith.constant 0 : index
    %get3A_56 = arith.constant 0 : index
    %get3A_57 = vector.load %arg9[%get3A_55, %get3A_56] : memref<1x128xf32, #tpu.memory_space<vmem>>, vector<1x128xf32>
    %add3A_58 = vector.broadcast %get3A_57 : vector<1x128xf32> to vector<1568x128xf32>
    %add3A_59 = arith.addf %dot_general3A_54, %add3A_58 : vector<1568x128xf32>
    %get3A_60 = arith.constant 0 : index
    %get3A_61 = arith.constant 0 : index
    %get3A_62 = vector.load %arg10[%get3A_60, %get3A_61] : memref<128x128xf32, #tpu.memory_space<vmem>>, vector<128x128xf32>
    %dot_general3A_63 = arith.constant dense<0.000000e+00> : vector<1568x128xf32>
    %dot_general3A_64 = tpu.matmul %get3A_1, %get3A_62, %dot_general3A_63 {dimension_numbers = #tpu.dot_dimension_numbers<[1], [0], [0], [1], [0, 0, 1, 1], [], []>, transpose_lhs_hint = false} : vector<1568x128xf32>, vector<128x128xf32>, vector<1568x128xf32> -> vector<1568x128xf32>
    %eq3A_65 = arith.constant 1.000000e+00 : f32
    %eq3A_66 = vector.broadcast %eq3A_65 : f32 to vector<1568x128xf32>
    %eq3A_67 = arith.cmpf oeq, %dot_general3A_64, %eq3A_66 : vector<1568x128xf32>
    %mul3A = arith.constant 4.000000e-01 : f32
    %mul3A_68 = vector.broadcast %mul3A : f32 to vector<1568x128xf32>
    %mul3A_69 = arith.mulf %add3A_59, %mul3A_68 : vector<1568x128xf32>
    %jit3A_70 = arith.constant 1.000000e+00 : f32
    %jit3A_71 = arith.constant 0.000000e+00 : f32
    %broadcast_in_dim3A_72 = vector.broadcast %jit3A_70 : f32 to vector<1568x128xf32>
    %broadcast_in_dim3A_73 = vector.broadcast %jit3A_71 : f32 to vector<1568x128xf32>
    %select_n3A_74 = arith.select %eq3A_67, %broadcast_in_dim3A_72, %broadcast_in_dim3A_73 : vector<1568x128xi1>, vector<1568x128xf32>
    %mul3A_75 = arith.mulf %mul3A_69, %select_n3A_74 : vector<1568x128xf32>
    %eq3A_76 = arith.constant 2 : i32
    %eq3A_77 = vector.broadcast %eq3A_76 : i32 to vector<1568x128xi32>
    %eq3A_78 = arith.cmpi eq, %select_n3A_22, %eq3A_77 : vector<1568x128xi32>
    %eq3A_79 = arith.constant 3 : i32
    %eq3A_80 = vector.broadcast %eq3A_79 : i32 to vector<1568x128xi32>
    %eq3A_81 = arith.cmpi eq, %select_n3A_22, %eq3A_80 : vector<1568x128xi32>
    %or3A = arith.ori %eq3A_78, %eq3A_81 : vector<1568x128xi1>
    %add3A_82 = arith.addf %get3A_1, %mul3A_75 : vector<1568x128xf32>
    %jit3A_83 = arith.constant -1.000000e-01 : f32
    %jit3A_84 = arith.constant 1.000000e-01 : f32
    %max3A_85 = vector.broadcast %jit3A_83 : f32 to vector<1568x128xf32>
    %max3A_86 = arith.maximumf %max3A_85, %add3A_82 : vector<1568x128xf32>
    %min3A = vector.broadcast %jit3A_84 : f32 to vector<1568x128xf32>
    %min3A_87 = arith.minimumf %min3A, %max3A_86 : vector<1568x128xf32>
    %jit3A_88 = arith.constant 0.000000e+00 : f32
    %broadcast_in_dim3A_89 = vector.broadcast %jit3A_88 : f32 to vector<1568x128xf32>
    %select_n3A_90 = arith.select %or3A, %min3A_87, %broadcast_in_dim3A_89 : vector<1568x128xi1>, vector<1568x128xf32>
    %lt3A_91 = arith.constant 2 : i32
    %lt3A_92 = vector.broadcast %lt3A_91 : i32 to vector<1568x128xi32>
    %lt3A_93 = arith.cmpi slt, %select_n3A_22, %lt3A_92 : vector<1568x128xi32>
    %get3A_94 = arith.constant 0 : index
    %get3A_95 = arith.constant 0 : index
    %get3A_96 = vector.load %arg11[%get3A_94, %get3A_95] : memref<128x128xf32, #tpu.memory_space<vmem>>, vector<128x128xf32>
    %dot_general3A_97 = arith.constant dense<0.000000e+00> : vector<1568x128xf32>
    %dot_general3A_98 = tpu.matmul %select_n3A_90, %get3A_96, %dot_general3A_97 {dimension_numbers = #tpu.dot_dimension_numbers<[1], [0], [0], [1], [0, 0, 1, 1], [], []>, transpose_lhs_hint = false} : vector<1568x128xf32>, vector<128x128xf32>, vector<1568x128xf32> -> vector<1568x128xf32>
    %add3A_99 = arith.addf %get3A_1, %dot_general3A_98 : vector<1568x128xf32>
    %jit3A_100 = arith.constant 0.000000e+00 : f32
    %broadcast_in_dim3A_101 = vector.broadcast %jit3A_100 : f32 to vector<1568x128xf32>
    %select_n3A_102 = arith.select %lt3A_93, %add3A_99, %broadcast_in_dim3A_101 : vector<1568x128xi1>, vector<1568x128xf32>
    %add3A_103 = arith.addf %select_n3A_102, %select_n3A_90 : vector<1568x128xf32>
    %eq3A_104 = arith.constant 4 : i32
    %eq3A_105 = vector.broadcast %eq3A_104 : i32 to vector<1568x128xi32>
    %eq3A_106 = arith.cmpi eq, %select_n3A_22, %eq3A_105 : vector<1568x128xi32>
    %jit3A_107 = arith.constant 0.000000e+00 : f32
    %broadcast_in_dim3A_108 = vector.broadcast %jit3A_107 : f32 to vector<1568x128xf32>
    %select_n3A_109 = arith.select %eq3A_106, %get3A_1, %broadcast_in_dim3A_108 : vector<1568x128xi1>, vector<1568x128xf32>
    %add3A_110 = arith.addf %add3A_103, %select_n3A_109 : vector<1568x128xf32>
    %swap3A = arith.constant 0 : index
    %swap3A_111 = arith.constant 0 : index
    %swap3A_112 = vector.load %arg12[%swap3A, %swap3A_111] : memref<1568x128xf32, #tpu.memory_space<vmem>>, vector<1568x128xf32>
    tpu.vector_store %arg12[%swap3A, %swap3A_111], %add3A_110 {strides = array<i32>} : memref<1568x128xf32, #tpu.memory_space<vmem>>, vector<1568x128xf32>,
    %abs3A = math.absf %select_n3A_102 : vector<1568x128xf32>
    %gt3A = arith.constant 1.000000e+00 : f32
    %gt3A_113 = vector.broadcast %gt3A : f32 to vector<1568x128xf32>
    %gt3A_114 = arith.cmpf ogt, %abs3A, %gt3A_113 : vector<1568x128xf32>
    %lt3A_115 = arith.constant 2 : i32
    %lt3A_116 = vector.broadcast %lt3A_115 : i32 to vector<1568x128xi32>
    %lt3A_117 = arith.cmpi slt, %select_n3A_22, %lt3A_116 : vector<1568x128xi32>
    %and3A_118 = arith.andi %gt3A_114, %lt3A_117 : vector<1568x128xi1>
    %add3A_119 = arith.constant 9.99999997E-7 : f32
    %add3A_120 = vector.broadcast %add3A_119 : f32 to vector<1568x128xf32>
    %add3A_121 = arith.addf %abs3A, %add3A_120 : vector<1568x128xf32>
    %log3A = math.log %add3A_121 : vector<1568x128xf32>
    %jit3A_122 = arith.constant 0.000000e+00 : f32
    %broadcast_in_dim3A_123 = vector.broadcast %jit3A_122 : f32 to vector<1568x128xf32>
    %select_n3A_124 = arith.select %and3A_118, %log3A, %broadcast_in_dim3A_123 : vector<1568x128xi1>, vector<1568x128xf32>
    %reduce_sum3A = vector.shape_cast %select_n3A_124 : vector<1568x128xf32> to vector<1x1568x128xf32>
    %reduce_sum3A_125 = arith.constant dense<0.000000e+00> : vector<1xf32>
    %reduce_sum3A_126 = vector.multi_reduction <add>, %reduce_sum3A, %reduce_sum3A_125 [1, 2] : vector<1x1568x128xf32> to vector<1xf32>
    %reduce_sum3A_127 = vector.shape_cast %reduce_sum3A_126 : vector<1xf32> to vector<1x1x1xf32>
    %reduce_sum3A_128 = vector.extract %reduce_sum3A_127[0, 0, 0] : f32 from vector<1x1x1xf32>
    %lt3A_129 = arith.constant 1.000000e+00 : f32
    %lt3A_130 = vector.broadcast %lt3A_129 : f32 to vector<1568x128xf32>
    %lt3A_131 = arith.cmpf olt, %add3A, %lt3A_130 : vector<1568x128xf32>
    %and3A_132 = arith.andi %eq3A_67, %lt3A_131 : vector<1568x128xi1>
    %eq3A_133 = arith.constant 5 : i32
    %eq3A_134 = vector.broadcast %eq3A_133 : i32 to vector<1568x128xi32>
    %eq3A_135 = arith.cmpi eq, %select_n3A_22, %eq3A_134 : vector<1568x128xi32>
    %and3A_136 = arith.andi %and3A_132, %eq3A_135 : vector<1568x128xi1>
    %jit3A_137 = arith.constant 1.000000e+00 : f32
    %jit3A_138 = arith.constant 0.000000e+00 : f32
    %broadcast_in_dim3A_139 = vector.broadcast %jit3A_137 : f32 to vector<1568x128xf32>
    %broadcast_in_dim3A_140 = vector.broadcast %jit3A_138 : f32 to vector<1568x128xf32>
    %select_n3A_141 = arith.select %and3A_136, %broadcast_in_dim3A_139, %broadcast_in_dim3A_140 : vector<1568x128xi1>, vector<1568x128xf32>
    %reduce_sum3A_142 = vector.shape_cast %select_n3A_141 : vector<1568x128xf32> to vector<1x1568x128xf32>
    %reduce_sum3A_143 = arith.constant dense<0.000000e+00> : vector<1xf32>
    %reduce_sum3A_144 = vector.multi_reduction <add>, %reduce_sum3A_142, %reduce_sum3A_143 [1, 2] : vector<1x1568x128xf32> to vector<1xf32>
    %reduce_sum3A_145 = vector.shape_cast %reduce_sum3A_144 : vector<1xf32> to vector<1x1x1xf32>
    %reduce_sum3A_146 = vector.extract %reduce_sum3A_145[0, 0, 0] : f32 from vector<1x1x1xf32>
    %eq3A_147 = arith.constant 0.000000e+00 : f32
    %eq3A_148 = vector.broadcast %eq3A_147 : f32 to vector<1568x128xf32>
    %eq3A_149 = arith.cmpf oeq, %dot_general3A_64, %eq3A_148 : vector<1568x128xf32>
    %ge3A = arith.constant 3.000000e+00 : f32
    %ge3A_150 = vector.broadcast %ge3A : f32 to vector<1568x128xf32>
    %ge3A_151 = arith.cmpf oge, %add3A, %ge3A_150 : vector<1568x128xf32>
    %and3A_152 = arith.andi %eq3A_149, %ge3A_151 : vector<1568x128xi1>
    %eq3A_153 = arith.constant 6 : i32
    %eq3A_154 = vector.broadcast %eq3A_153 : i32 to vector<1568x128xi32>
    %eq3A_155 = arith.cmpi eq, %select_n3A_22, %eq3A_154 : vector<1568x128xi32>
    %and3A_156 = arith.andi %and3A_152, %eq3A_155 : vector<1568x128xi1>
    %jit3A_157 = arith.constant 1.000000e+00 : f32
    %jit3A_158 = arith.constant 0.000000e+00 : f32
    %broadcast_in_dim3A_159 = vector.broadcast %jit3A_157 : f32 to vector<1568x128xf32>
    %broadcast_in_dim3A_160 = vector.broadcast %jit3A_158 : f32 to vector<1568x128xf32>
    %select_n3A_161 = arith.select %and3A_156, %broadcast_in_dim3A_159, %broadcast_in_dim3A_160 : vector<1568x128xi1>, vector<1568x128xf32>
    %reduce_sum3A_162 = vector.shape_cast %select_n3A_161 : vector<1568x128xf32> to vector<1x1568x128xf32>
    %reduce_sum3A_163 = arith.constant dense<0.000000e+00> : vector<1xf32>
    %reduce_sum3A_164 = vector.multi_reduction <add>, %reduce_sum3A_162, %reduce_sum3A_163 [1, 2] : vector<1x1568x128xf32> to vector<1xf32>
    %reduce_sum3A_165 = vector.shape_cast %reduce_sum3A_164 : vector<1xf32> to vector<1x1x1xf32>
    %reduce_sum3A_166 = vector.extract %reduce_sum3A_165[0, 0, 0] : f32 from vector<1x1x1xf32>
    %broadcast_in_dim3A_167 = arith.constant 0.000000e+00 : f32
    %broadcast_in_dim3A_168 = vector.broadcast %broadcast_in_dim3A_167 : f32 to vector<1x1xf32>
    %eq3A_169 = arith.constant 0 : i32
    %eq3A_170 = arith.cmpi eq, %arg0, %eq3A_169 : i32
    %convert_element_type3A = arith.extui %eq3A_170 : i1 to i32
    %cond3A = arith.constant 0 : i32
    %cond3A_171 = arith.cmpi ne, %convert_element_type3A, %cond3A : i32
    scf.if %cond3A_171 {
      %swap3A_195 = arith.constant 0 : index
      %swap3A_196 = arith.constant 0 : index
      %swap3A_197 = vector.load %arg13[%swap3A_195, %swap3A_196] : memref<1x1xf32, #tpu.memory_space<vmem>>, vector<1x1xf32>
      tpu.vector_store %arg13[%swap3A_195, %swap3A_196], %broadcast_in_dim3A_168 {strides = array<i32>} : memref<1x1xf32, #tpu.memory_space<vmem>>, vector<1x1xf32>,
      %swap3A_198 = arith.constant 0 : index
      %swap3A_199 = arith.constant 0 : index
      %swap3A_200 = vector.load %arg14[%swap3A_198, %swap3A_199] : memref<1x1xf32, #tpu.memory_space<vmem>>, vector<1x1xf32>
      tpu.vector_store %arg14[%swap3A_198, %swap3A_199], %broadcast_in_dim3A_168 {strides = array<i32>} : memref<1x1xf32, #tpu.memory_space<vmem>>, vector<1x1xf32>,
      %swap3A_201 = arith.constant 0 : index
      %swap3A_202 = arith.constant 0 : index
      %swap3A_203 = vector.load %arg15[%swap3A_201, %swap3A_202] : memref<1x1xf32, #tpu.memory_space<vmem>>, vector<1x1xf32>
      tpu.vector_store %arg15[%swap3A_201, %swap3A_202], %broadcast_in_dim3A_168 {strides = array<i32>} : memref<1x1xf32, #tpu.memory_space<vmem>>, vector<1x1xf32>,
    } else {
    }
    %get3A_172 = arith.constant 0 : index
    %get3A_173 = arith.constant 0 : index
    %get3A_174 = vector.load %arg13[%get3A_172, %get3A_173] : memref<1x1xf32, #tpu.memory_space<vmem>>, vector<1x1xf32>
    %reshape3A = vector.broadcast %reduce_sum3A_128 : f32 to vector<1x1xf32>
    %add3A_175 = arith.addf %get3A_174, %reshape3A : vector<1x1xf32>
    %swap3A_176 = arith.constant 0 : index
    %swap3A_177 = arith.constant 0 : index
    %swap3A_178 = vector.load %arg13[%swap3A_176, %swap3A_177] : memref<1x1xf32, #tpu.memory_space<vmem>>, vector<1x1xf32>
    tpu.vector_store %arg13[%swap3A_176, %swap3A_177], %add3A_175 {strides = array<i32>} : memref<1x1xf32, #tpu.memory_space<vmem>>, vector<1x1xf32>,
    %get3A_179 = arith.constant 0 : index
    %get3A_180 = arith.constant 0 : index
    %get3A_181 = vector.load %arg14[%get3A_179, %get3A_180] : memref<1x1xf32, #tpu.memory_space<vmem>>, vector<1x1xf32>
    %reshape3A_182 = vector.broadcast %reduce_sum3A_166 : f32 to vector<1x1xf32>
    %add3A_183 = arith.addf %get3A_181, %reshape3A_182 : vector<1x1xf32>
    %swap3A_184 = arith.constant 0 : index
    %swap3A_185 = arith.constant 0 : index
    %swap3A_186 = vector.load %arg14[%swap3A_184, %swap3A_185] : memref<1x1xf32, #tpu.memory_space<vmem>>, vector<1x1xf32>
    tpu.vector_store %arg14[%swap3A_184, %swap3A_185], %add3A_183 {strides = array<i32>} : memref<1x1xf32, #tpu.memory_space<vmem>>, vector<1x1xf32>,
    %get3A_187 = arith.constant 0 : index
    %get3A_188 = arith.constant 0 : index
    %get3A_189 = vector.load %arg15[%get3A_187, %get3A_188] : memref<1x1xf32, #tpu.memory_space<vmem>>, vector<1x1xf32>
    %reshape3A_190 = vector.broadcast %reduce_sum3A_146 : f32 to vector<1x1xf32>
    %add3A_191 = arith.addf %get3A_189, %reshape3A_190 : vector<1x1xf32>
    %swap3A_192 = arith.constant 0 : index
    %swap3A_193 = arith.constant 0 : index
    %swap3A_194 = vector.load %arg15[%swap3A_192, %swap3A_193] : memref<1x1xf32, #tpu.memory_space<vmem>>, vector<1x1xf32>
    tpu.vector_store %arg15[%swap3A_192, %swap3A_193], %add3A_191 {strides = array<i32>} : memref<1x1xf32, #tpu.memory_space<vmem>>, vector<1x1xf32>,
    return
  }
  func.func @transform_0(%arg0: i32) -> (i32, i32) {
    %c0_i32 = arith.constant 0 : i32
    %c0_i32_0 = arith.constant 0 : i32
    return %arg0, %c0_i32 : i32, i32
  }
  func.func @transform_1(%arg0: i32) -> (i32, i32) {
    %c0_i32 = arith.constant 0 : i32
    %c0_i32_0 = arith.constant 0 : i32
    return %arg0, %c0_i32 : i32, i32
  }
  func.func @transform_2(%arg0: i32) -> (i32, i32) {
    %c0_i32 = arith.constant 0 : i32
    %c0_i32_0 = arith.constant 0 : i32
    return %arg0, %c0_i32 : i32, i32
  }
  func.func @transform_3(%arg0: i32) -> (i32, i32) {
    %c0_i32 = arith.constant 0 : i32
    %c0_i32_0 = arith.constant 0 : i32
    %c0_i32_1 = arith.constant 0 : i32
    return %c0_i32, %c0_i32_0 : i32, i32
  }
  func.func @transform_4(%arg0: i32) -> (i32, i32) {
    %c0_i32 = arith.constant 0 : i32
    %c0_i32_0 = arith.constant 0 : i32
    %c0_i32_1 = arith.constant 0 : i32
    return %c0_i32, %c0_i32_0 : i32, i32
  }
  func.func @transform_5(%arg0: i32) -> (i32, i32) {
    %c0_i32 = arith.constant 0 : i32
    %c0_i32_0 = arith.constant 0 : i32
    %c0_i32_1 = arith.constant 0 : i32
    return %c0_i32, %c0_i32_0 : i32, i32
  }
  func.func @transform_6(%arg0: i32) -> (i32, i32) {
    %c0_i32 = arith.constant 0 : i32
    %c0_i32_0 = arith.constant 0 : i32
    %c0_i32_1 = arith.constant 0 : i32
    return %c0_i32, %c0_i32_0 : i32, i32
  }
  func.func @transform_7(%arg0: i32) -> (i32, i32) {
    %c0_i32 = arith.constant 0 : i32
    %c0_i32_0 = arith.constant 0 : i32
    %c0_i32_1 = arith.constant 0 : i32
    return %c0_i32, %c0_i32_0 : i32, i32
  }
  func.func @transform_8(%arg0: i32) -> (i32, i32) {
    %c0_i32 = arith.constant 0 : i32
    %c0_i32_0 = arith.constant 0 : i32
    %c0_i32_1 = arith.constant 0 : i32
    return %c0_i32, %c0_i32_0 : i32, i32
  }
  func.func @transform_9(%arg0: i32) -> (i32, i32) {
    %c0_i32 = arith.constant 0 : i32
    %c0_i32_0 = arith.constant 0 : i32
    %c0_i32_1 = arith.constant 0 : i32
    return %c0_i32, %c0_i32_0 : i32, i32
  }
  func.func @transform_10(%arg0: i32) -> (i32, i32) {
    %c0_i32 = arith.constant 0 : i32
    %c0_i32_0 = arith.constant 0 : i32
    %c0_i32_1 = arith.constant 0 : i32
    return %c0_i32, %c0_i32_0 : i32, i32
  }
  func.func @transform_11(%arg0: i32) -> (i32, i32) {
    %c0_i32 = arith.constant 0 : i32
    %c0_i32_0 = arith.constant 0 : i32
    return %arg0, %c0_i32 : i32, i32
  }
  func.func @transform_12(%arg0: i32) -> (i32, i32) {
    %c0_i32 = arith.constant 0 : i32
    %c0_i32_0 = arith.constant 0 : i32
    %c0_i32_1 = arith.constant 0 : i32
    return %c0_i32, %c0_i32_0 : i32, i32
  }
  func.func @transform_13(%arg0: i32) -> (i32, i32) {
    %c0_i32 = arith.constant 0 : i32
    %c0_i32_0 = arith.constant 0 : i32
    %c0_i32_1 = arith.constant 0 : i32
    return %c0_i32, %c0_i32_0 : i32, i32
  }
  func.func @transform_14(%arg0: i32) -> (i32, i32) {
    %c0_i32 = arith.constant 0 : i32
    %c0_i32_0 = arith.constant 0 : i32
    %c0_i32_1 = arith.constant 0 : i32
    return %c0_i32, %c0_i32_0 : i32, i32
  }
}

</mosaic_0001>

<sc_bundles>
// kernel: kernel.5.cloned.1.call-start
scs
__scs_entry_jumppad:
0x0: {  	(pc) =	sbr.rel $0x88, $3  }
0x1: {  	(tag) =	ssettag $0x0;
	lr =	simm.s32 $0x1  }
0x2: {  	[smem:$0x3F94] =	sst lr;
	_ =	strace $0xD0000000  }
0x3: {  	_ = 	snop  }
0x4: {  	_ = 	snop  }
0x5: {  	_ = 	snop  }
0x6: {  	_ = 	snop  }
0x7: {  	_ = 	snop  }
__scs_overlays_trampoline_lowered:
0x8: {  	[smem:$0x3FA3] =	sst s0  }
0x9: {  	[smem:$0x3FA4] =	sst s1  }
0xa: {  	[smem:$0x3FA5] =	sst s2  }
0xb: {  	[smem:$0x3FA6] =	sst s3  }
0xc: {  	[smem:$0x3FA7] =	sst s4  }
0xd: {  	[smem:$0x3FA8] =	sst s5  }
0xe: {  	[smem:$0x3FA9] =	sst s6  }
0xf: {  	[smem:$0x3FAA] =	sst s7  }
0x10: {  	[smem:$0x3FAB] =	sst s8  }
0x11: {  	[smem:$0x3FAC] =	sst s9;
	s0 =	simm.s32 @!p0 $0x0  }
0x12: {  	s1 =	sld [smem:$0x3F92];
	s0 =	simm.s32 @p0 $0x1  }
0x13: {  	[smem:$0x3FAD] =	sst s0;
	s0 =	simm.s32 @!p1 $0x0  }
0x14: {  	s2 =	sld [smem:$0x3F91];
	s0 =	simm.s32 @p1 $0x1  }
0x15: {  	[smem:$0x3FAE] =	sst s0;
	s0 =	simm.s32 @!p2 $0x0  }
0x16: {  	s3 =	sld [smem:$0x3FDB];
	s0 =	simm.s32 @p2 $0x1  }
0x17: {  	s4 =	simm.s32 $0x1BF5;
	[smem:$0x3FB0] =	sst s0  }
0x18: {  	s0 =	sld [smem:$0x3F93];
	_ =	swait.ge [sflag:s4], $0x0  }
0x19: {  	s7 =	sld [smem:$0x3F94]  }
0x1a: {  	s8 =	sadd.s32 $0xFFFFE003, lr  }
0x1b: {  	s9 =	sadd.s32 $0xFFFFFEF7, lr;
	s5 =	simm.s32 $0xFFFFFFFF;
	p2 =	slt.u32 s8, $0xFFFFF086  }
0x1c: {  	p1 =	slt.u32 s9, $0xF7A;
	s5 =	simm.s32 @!p2 $0x0  }
0x1d: {  	s5 =	simm.s32 @p1 $0x1;
	p0 =	seq.s32 s7, s2  }
0x1e: {  	s7 =	smul.u32 @!p0 $0xF7A, s2;
	p2 =	seq.s32 @!p0 s5, $0x0  }
0x1f: {  	s9 =	smul.u32 $0xF7A, s1;
	s8 =	simm.s32 @!p0 $0x1BF5;
	p2 =	por !p2, p0  }
0x20: {  	[sflag:s8] =	ssyncset.s32 @!p0 $0xFFFFF086;
	s6 =	sadd.s32 @!p0 s3, s7;
	s7 =	simm.s32 @!p0 $0x108  }
0x21: {  	s3 =	sadd.s32 s3, s9;
	s6 =	sadd.s32 @!p0 $0x88, s6;
	s7 =	simm.s32 @p2 $0x1082  }
0x22: {  	[simem:s7], [sflag:s8] =	dma.local @!p0 [hbm:s6], $0xF7A  }
0x23: {  	s9 =	sor.u32 $0xD0000000, s2;
	s6 =	simm.s32 $0x108;
	_ =	swait.ge @!p0 [sflag:s8], $0x0  }
0x24: {  	s3 =	sadd.s32 $0x88, s3;
	s6 =	simm.s32 @!p1 $0x1082;
	[sflag:s4] =	ssyncset.s32 $0xFFFFF086  }
0x25: {  	[simem:s6], [sflag:s4] =	dma.local [hbm:s3], $0xF7A  }
0x26: {  	[smem:$0x3F94] =	sst s1;
	(tag) =	ssettag s2;
	_ =	strace s9  }
0x27: {  	s1 =	sld [smem:$0x3FA4]  }
0x28: {  	s2 =	sld [smem:$0x3FA5]  }
0x29: {  	s4 =	sld [smem:$0x3FA7]  }
0x2a: {  	p0 =	seq.s32 s5, $0x0;
	s5 =	sld [smem:$0x3FA8]  }
0x2b: {  	s6 =	sld [smem:$0x3FA9]  }
0x2c: {  	s7 =	sld [smem:$0x3FAA]  }
0x2d: {  	s3 =	simm.s32 $0x108;
	s8 =	sld [smem:$0x3FAB]  }
0x2e: {  	s3 =	simm.s32 @!p0 $0x1082;
	s9 =	sld [smem:$0x3FAC]  }
0x2f: {  	lr =	sadd.s32 s0, s3;
	s0 =	sld [smem:$0x3FA3]  }
0x30: {  	s3 =	sld [smem:$0x3FA6]  }
0x31: {  	[smem:$0x3FAF] =	sst s10  }
0x32: {  	s10 =	sld [smem:$0x3FAD];
	_ =	sdelay $0x3  }
0x33: {  	p0 =	seq.s32 s10, $0x1;
	s10 =	sld [smem:$0x3FAF];
	_ =	sdelay $0x3  }
0x34: {  	[smem:$0x3FAF] =	sst s10  }
0x35: {  	s10 =	sld [smem:$0x3FAE];
	_ =	sdelay $0x3  }
0x36: {  	p1 =	seq.s32 s10, $0x1;
	s10 =	sld [smem:$0x3FAF];
	_ =	sdelay $0x3  }
0x37: {  	[smem:$0x3FAF] =	sst s10  }
0x38: {  	s10 =	sld [smem:$0x3FB0]  }
0x39: {  	_ = 	snop;
	(pc) =	sbr.ind lr, $3  }
0x3a: {  	_ = 	snop  }
0x3b: {  	_ = 	snop  }
0x3c: {  	p2 =	seq.s32 s10, $0x1;
	s10 =	sld [smem:$0x3FAF]  }
0x3d: {  	_ =	shalt  }
0x3e: {  	_ =	shalt  }
0x3f: {  	_ =	shalt  }
0x40: {  	_ =	shalt  }
0x41: {  	_ =	shalt  }
0x42: {  	_ =	shalt  }
0x43: {  	_ =	shalt  }
0x44: {  	_ =	shalt  }
0x45: {  	_ =	shalt  }
0x46: {  	_ =	shalt  }
0x47: {  	_ =	shalt  }
0x48: {  	_ =	shalt  }
0x49: {  	_ =	shalt  }
0x4a: {  	_ =	shalt  }
0x4b: {  	_ =	shalt  }
0x4c: {  	_ =	shalt  }
0x4d: {  	_ =	shalt  }
0x4e: {  	_ =	shalt  }
0x4f: {  	_ =	shalt  }
0x50: {  	_ =	shalt  }
0x51: {  	_ =	shalt  }
0x52: {  	_ =	shalt  }
0x53: {  	_ =	shalt  }
0x54: {  	_ =	shalt  }
0x55: {  	_ =	shalt  }
0x56: {  	_ =	shalt  }
0x57: {  	_ =	shalt  }
0x58: {  	_ =	shalt  }
0x59: {  	_ =	shalt  }
0x5a: {  	_ =	shalt  }
0x5b: {  	_ =	shalt  }
0x5c: {  	_ =	shalt  }
0x5d: {  	_ =	shalt  }
0x5e: {  	_ =	shalt  }
0x5f: {  	_ =	shalt  }
0x60: {  	_ =	shalt  }
0x61: {  	_ =	shalt  }
0x62: {  	_ =	shalt  }
0x63: {  	_ =	shalt  }
0x64: {  	_ =	shalt  }
0x65: {  	_ =	shalt  }
0x66: {  	_ =	shalt  }
0x67: {  	_ =	shalt  }
0x68: {  	_ =	shalt  }
0x69: {  	_ =	shalt  }
0x6a: {  	_ =	shalt  }
0x6b: {  	_ =	shalt  }
0x6c: {  	_ =	shalt  }
0x6d: {  	_ =	shalt  }
0x6e: {  	_ =	shalt  }
0x6f: {  	_ =	shalt  }
0x70: {  	_ =	shalt  }
0x71: {  	_ =	shalt  }
0x72: {  	_ =	shalt  }
0x73: {  	_ =	shalt  }
0x74: {  	_ =	shalt  }
0x75: {  	_ =	shalt  }
0x76: {  	_ =	shalt  }
0x77: {  	_ =	shalt  }
0x78: {  	_ =	shalt  }
0x79: {  	_ =	shalt  }
0x7a: {  	_ =	shalt  }
0x7b: {  	_ =	shalt  }
0x7c: {  	_ =	shalt  }
0x7d: {  	_ =	shalt  }
0x7e: {  	_ =	shalt  }
0x7f: {  	_ =	shalt  }
0x80: {  	_ =	shalt  }
0x81: {  	_ =	shalt  }
0x82: {  	_ =	shalt  }
0x83: {  	_ =	shalt  }
0x84: {  	_ =	shalt  }
0x85: {  	_ =	shalt  }
0x86: {  	_ =	shalt  }
0x87: {  	_ =	shalt  }
.Lfunc_end0:
.L_simem_size_0:
called_computation_lowered:
.L_overlay_start_0:
0x88: {  	s2 =	sld [smem:$0x3FD9]  }
0x89: {  	s3 =	sld [smem:$0x3FFE];
	_ =	sdelay $0x1  }
0x8a: {  	s1 =	srdreg.scid  }
0x8b: {  	s0 =	sand.u32 $0x1, s1  }
0x8c: {  	s14 =	sshll.u32 s0, $0xA;
	s2 =	sadd.s32 s3, s2  }
0x8d: {  	s2 =	sadd.s32 s2, s14  }
0x8e: {  	[smem:$0x3FBB] =	sst s2  }
0x8f: {  	_ = 	snop  }
0x90: {  	s2 =	sld [smem:$0x3FD0];
	_ =	sdelay $0x2  }
0x91: {  	s15 =	simm.s32 $0xA;
	s4 =	simm.s32 $0x10  }
0x92: {  	[smem:s4], [sflag:s15] =	dma.local [hbm:s2], $0x1  }
0x93: {  	_ =	swait.eq [sflag:s15], $0x1  }
0x94: {  	[sflag:s15] =	ssyncset.done $0x0  }
0x95: {  	s16 =	sld [smem:$0x10];
	[sflag:s15] =	ssyncadd.s32 $0xFFFFFFFF  }
0x96: {  	s17 =	sld [smem:$0x13];
	(tm) =	ssettm $0x1  }
0x97: {  	s18 =	sld [smem:$0x3FFB];
	_ =	sdelay $0x3  }
0x98: {  	_ =	strace s18  }
0x99: {  	s4 =	sld [smem:$0x3FFC];
	_ =	sdelay $0x3  }
0x9a: {  	_ =	strace s4  }
0x9b: {  	s4 =	sld [smem:$0x3FFD];
	_ =	sdelay $0x3  }
0x9c: {  	_ =	strace s4  }
0x9d: {  	_ =	strace $0x8FFFFFFF  }
0x9e: {  	s19 =	sld [smem:$0x3FDB];
	_ =	sdelay $0x1  }
0x9f: {  	s5 =	simm.s32 $_scs_section_size  }
0xa0: {  	s6 =	simm.s32 $_size__tile_overlayer_lowered;
	s7 =	simm.s32 $_tile_overlayer_lowered  }
0xa1: {  	s22 =	simm.s32 $0x1BFF;
	s21 =	sshll.u32 s7, $0x1;
	s4 =	sadd.s32 s5, s19  }
0xa2: {  	s8 =	simm.s32 $0x0;
	s20 =	sshll.u32 s6, $0x1;
	s6 =	sadd.s32 s21, s4  }
0xa3: {  	[timem:s8], [sflag:s22] =	dma.local [hbm:s6], s20  }
0xa4: {  	_ =	swait.ge [sflag:s22], s20  }
0xa5: {  	s5 =	ssub.s32 $0x0, s20;
	[sflag:s22] =	ssyncset.done $0x0  }
0xa6: {  	[sflag:s22] =	ssyncadd.s32 s5;
	_ =	sdelay $0x1  }
0xa7: {  	s23 =	simm.s32 $0x1B8B  }
0xa8: {  	_ =	swait.ge [sflag:s23], $0x1  }
0xa9: {  	[sflag:s23] =	ssyncset.done $0x0  }
0xaa: {  	s25 =	simm.s32 $0x1B8E;
	s24 =	sld [smem:$0x3FFE];
	[sflag:s23] =	ssyncadd.s32 $0xFFFFFFFF  }
0xab: {  	s26 =	simm.s32 $execute0_lowered;
	[smem:$0x3FD2] =	sst s25  }
0xac: {  	s6 =	sshll.u32 s26, $0x1;
	_ =	strace $0x80000046;
	[dreg:$0x1] =	wrdreg $0xFFFFFFFF  }
0xad: {  	s28 =	simm.s32 $_size_execute0_lowered;
	s4 =	sadd.s32 s4, s6;
	[dreg:$0x0] =	wrdreg $0x0  }
0xae: {  	s6 =	sshll.u32 s28, $0x1;
	[dreg:$0x2] =	wrdreg s4  }
0xaf: {  	[dreg:$0x3] =	wrdreg s6  }
0xb0: {  	[dreg:$0x4] =	wrdreg $0xC0  }
0xb1: {  	_ =	task [dreg:s8], $0x5FFFF  }
0xb2: {  	[dreg:$0x1] =	wrdreg $0xFFFFFFFF  }
0xb3: {  	[dreg:$0x0] =	wrdreg $0x60  }
0xb4: {  	[dreg:$0x2] =	wrdreg s24  }
0xb5: {  	[dreg:$0x3] =	wrdreg s17  }
0xb6: {  	[dreg:$0x4] =	wrdreg s16  }
0xb7: {  	[dreg:$0x5] =	wrdreg $0x0  }
0xb8: {  	[dreg:$0x6] =	wrdreg $0x9  }
0xb9: {  	_ =	task.clear_ibuf [dreg:s8], $0x7FFFF;
	_ =	strace $0x90000046  }
0xba: {  	s29 =	simm.s32 $0x9;
	_ =	strace $0x80000048  }
0xbb: {  	_ =	swait.ge [sflag:s29], $0x1  }
0xbc: {  	[sflag:s29] =	ssyncadd.s32 $0xFFFFFFFF  }
0xbd: {  	_ =	strace $0x90000048  }
0xbe: {  	_ =	sfence  }
0xbf: {  	s30 =	sld [smem:$0x0];
	_ =	sdelay $0x2  }
0xc0: {  	s31 =	sshll.u32 s1, $0xD;
	s1 =	sshrl.u32 s1, $0x2  }
0xc1: {  	s3 =	sand.u32 $0x4000, s31;
	s1 =	sadd.s32 s1, s30  }
0xc2: {  	s0 =	sor.u32 s3, s0;
	s1 =	sshll.u32 s1, $0x11  }
0xc3: {  	s0 =	sor.u32 s1, s0  }
0xc4: {  	s0 =	sadd.s32 $0x8F2B, s0  }
0xc5: {  	[sflag:s0] =	ssyncadd.remote.s32 $0x1  }
0xc6: {  	_ =	sfence.sel $0xFFFF  }
0xc7: {  	[dreg:$0x0] =	wrdreg $0xFFFFFFFF;
	(pc) =	sbr.abs _section_cstart, $3  }
0xc8: {  	[dreg:$0x1] =	wrdreg $0xFFFFFFFF  }
0xc9: {  	_ =	task.clear_ibuf [dreg:s8], $0x2FFFF;
	_ =	strace $0x9FFFFFFF  }
0xca: {  	(tm) =	ssettm $0x7FFFFFFF  }
0xcb: {  	_ =	shalt  }
tec
execute0_lowered:
.L_overlay_start_1:
0x0: {  	(tag) =	ssettag $0x1  }
0x1: {  	s0 =	rddreg [dreg:$0x0]  }
0x2: {  	s3 =	rddreg [dreg:$0x3];
	s2 =	simm.s32 $0x0  }
0x3: {  	s1 =	srdreg.scid;
	s7 =	stileid.u32;
	s10 =	simm.s32 $0x2  }
0x4: {  	s17 =	simm.s32 $0x14100;
	s29 =	simm.s32 $0x1BF00;
	s31 =	simm.s32 $0x1BF80  }
0x5: {  	s15 =	simm.s32 $0x1C200;
	s28 =	simm.s32 $0x1C280;
	s14 =	simm.s32 $0x1C380  }
0x6: {  	s12 =	simm.s32 $0x1C400;
	s30 =	simm.s32 $0x1C480;
	s16 =	simm.s32 $0x0  }
0x7: {  	[smem:$0x7FF] =	sst s2;
	s1 =	sand.u32 $0x1, s1;
	s4 =	sadd.s32 $0x65A00, s0  }
0x8: {  	s19 =	sadd.s32 $0x33A00, s0;
	_ =	strace $0x80000047;
	[dreg:$0x5] =	wrdreg s4  }
0x9: {  	s5 =	sadd.s32 $0x2C00, s0;
	s20 =	sadd.s32 $0xC8800, s0;
	[dreg:$0x6] =	wrdreg s19  }
0xa: {  	s21 =	sadd.s32 $0x97A00, s0;
	s6 =	smul.u32 $0xC400, s7;
	[dreg:$0x7] =	wrdreg s20  }
0xb: {  	s24 =	sshll.u32 s7, $0x6;
	s18 =	smul.u32 $0x18800, s1;
	[dreg:$0x8] =	wrdreg s21  }
0xc: {  	s22 =	ssub.s32 $0x2, s1;
	s1 =	sshll.u32 s1, $0x4;
	s8 =	sor.u32 $0x1C02, s24  }
0xd: {  	s20 =	simm.s32 $0x1BE00;
	s21 =	simm.s32 $0x1C600;
	s19 =	simm.s32 $0x1C080  }
0xe: {  	s24 =	simm.s32 $0x1C100;
	s4 =	simm.s32 $0x1C180;
	s23 =	sshrl.u32 s22, $0x1  }
0xf: {  	s1 =	sor.u32 s7, s1;
	s25 =	sadd.s32 s6, s3;
	s26 =	sshrl.u32 s6, $0x3  }
0x10: {  	s7 =	simm.s32 $0x1C000;
	[dreg:$0x9] =	wrdreg s8;
	s11 =	smul.u32 $0xC350, s1  }
0x11: {  	s0 =	sadd.s32 s18, s0;
	s2 =	ssub.s32 s22, s23;
	s13 =	smul.u32 $0xC800, s1  }
0x12: {  	s9 =	sshrl.u32 s25, $0x3;
	s18 =	simm.s32 $0x17F80;
	s22 =	simm.s32 $0x1  }
0x13: {  	s23 =	simm.s32 $0x7D;
	s25 =	simm.s32 $0xC400;
	s1 =	simm.s32 $0x1C580  }
0x14: {  	s0 =	sadd.s32 $0xF9600, s0;
	s2 =	smax.u32 s2, $0x1;
	[dreg:$0xb] =	wrdreg s9  }
0x15: {  	[dreg:$0xa] =	wrdreg s2;
	s0 =	sadd.s32 s26, s0;
	s26 =	simm.s32 $0x1BE80  }
0x16: {  	v0 =	vlaneseq.u32;
	v1 =	vimm.f32 $0.0e+00;
	s2 =	simm.s32 $0x1C500;
	[dreg:$0xc] =	wrdreg s0;
	s0 =	simm.s32 $0x1C300  }
.LBB2_1:
0x17: {  	[dreg:$0xd] =	wrdreg s16  }
0x18: {  	s6 =	rddreg [dreg:$0x2]  }
0x19: {  	[spmem:s9], [sflag:s8] =	dma.local [hbm:s6], $0x1880  }
0x1a: {  	_ =	swait.ge [sflag:s10], $0x1880  }
0x1b: {  	[sflag:s10] =	ssyncset.done $0x0  }
0x1c: {  	s8 =	simm.s32 $0x0;
	[sflag:s10] =	ssyncadd.s32 $0xFFFFE780  }
0x1d: {  	[tilespmem:s17], [sflag:$0x2] =	stream.linear.gather [hbm4b:s6+s8], $0x3E80, $0x38;
	[tilespmem:$0x1DDB0] =	vst v63  }
0x1e: {  	_ =	swait.ge [sflag:s10], $0x3E80  }
0x1f: {  	[sflag:s10] =	ssyncset.done $0x0  }
0x20: {  	[sflag:s10] =	ssyncadd.s32 $0xFFFFC180  }
0x21: {  	[tilespmem:s18], [sflag:$0x2] =	stream.linear.gather [hbm4b:s6+s8], $0x3E80, $0x38;
	[tilespmem:$0x1DDB0] =	vst v63  }
0x22: {  	_ =	swait.ge [sflag:s10], $0x3E80  }
0x23: {  	[sflag:s10] =	ssyncset.done $0x0  }
0x24: {  	[sflag:s10] =	ssyncadd.s32 $0xFFFFC180  }
0x25: {  	s16 =	simm.s32 $0x1DDA0;
	s9 =	rddreg [dreg:$0x1]  }
0x26: {  	[tilespmem:s16], [sflag:$0x2] =	stream.linear.gather [hbm4b:s9+s8], $0x10, $0x38;
	[tilespmem:$0x1DDB0] =	vst v63  }
0x27: {  	_ =	swait.ge [sflag:s10], $0x10  }
0x28: {  	[sflag:s10] =	ssyncset.done $0x0  }
0x29: {  	[sflag:s10] =	ssyncadd.s32 $0xFFFFFFF0  }
0x2a: {  	v7 =	vld [tilespmem:$0x1DDA0];
	_ =	sdelay $0x4  }
0x2b: {  	v2 =	vbroadcast v7, $0x0;
	v3 =	vbroadcast v7, $0x1  }
0x2c: {  	v4 =	vbroadcast v7, $0x2;
	v5 =	vbroadcast v7, $0x3  }
0x2d: {  	s16 =	simm.s32 $0x0;
	[bflag:$0x0] =	sbarrier.arrive $0xFFFF;
	v6 =	vbroadcast v7, $0x4;
	v7 =	vbroadcast v7, $0x5  }
.LBB2_2:
0x2e: {  	s6 =	sshll.u32 s16, $0xB  }
0x2f: {  	s6 =	sadd.s32 s13, s6  }
0x30: {  	s9 =	rddreg [dreg:$0x5];
	s6 =	sshrl.u32 s6, $0x3  }
0x31: {  	s8 =	smul.u32 $0x7D0, s16;
	s10 =	sadd.s32 s9, s6;
	s9 =	simm.s32 $0x0  }
0x32: {  	[tilespmem:s20], [sflag:$0x1] =	stream.linear.gather [hbm4b:s10+s9], $0x800, $0x38;
	[tilespmem:$0x1DDB0] =	vst v63  }
0x33: {  	s8 =	sadd.s32 s11, s8;
	s10 =	rddreg [dreg:$0x6]  }
0x34: {  	s8 =	sshrl.u32 s8, $0x3;
	s6 =	sadd.s32 s10, s6;
	s10 =	rddreg [dreg:$0x7]  }
0x35: {  	[tilespmem:s21], [sflag:$0x1] =	stream.linear.gather [hbm4b:s6+s9], $0x800, $0x38;
	[tilespmem:$0x1DDB0] =	vst v63  }
0x36: {  	s10 =	sadd.s32 s10, s8;
	s6 =	simm.s32 $0x1CE00  }
0x37: {  	[tilespmem:s6], [sflag:$0x1] =	stream.linear.gather [hbm4b:s10+s9], $0x7D0, $0x38;
	[tilespmem:$0x1DDB0] =	vst v63  }
0x38: {  	s10 =	rddreg [dreg:$0x8]  }
0x39: {  	s10 =	sadd.s32 s10, s8;
	s8 =	simm.s32 $0x1D5D0  }
0x3a: {  	[tilespmem:s8], [sflag:$0x1] =	stream.linear.gather [hbm4b:s10+s9], $0x7D0, $0x38;
	[tilespmem:$0x1DDB0] =	vst v63  }
0x3b: {  	_ =	swait.ge [sflag:s22], $0x800  }
0x3c: {  	[sflag:s22] =	ssyncset.done $0x0  }
0x3d: {  	[sflag:s22] =	ssyncadd.s32 $0xFFFFF800  }
0x3e: {  	_ =	swait.ge [sflag:s22], $0x800  }
0x3f: {  	[sflag:s22] =	ssyncset.done $0x0  }
0x40: {  	[sflag:s22] =	ssyncadd.s32 $0xFFFFF800  }
0x41: {  	_ =	swait.ge [sflag:s22], $0x7D0  }
0x42: {  	[sflag:s22] =	ssyncset.done $0x0  }
0x43: {  	[sflag:s22] =	ssyncadd.s32 $0xFFFFF830  }
0x44: {  	_ =	swait.ge [sflag:s22], $0x7D0  }
0x45: {  	[sflag:s22] =	ssyncset.done $0x0  }
0x46: {  	[sflag:s22] =	ssyncadd.s32 $0xFFFFF830  }
0x47: {  	[tilespmem:s25], [sflag:$0x1] =	stream.indirect.gather [hbm4b:s5+s23], $0x10, s20, s23, $0xb8;
	[tilespmem:$0x1DDB0] =	vst v63  }
0x48: {  	s10 =	simm.s32 $0xCBD0  }
0x49: {  	[tilespmem:s10], [sflag:$0x1] =	stream.indirect.gather [hbm4b:s5+s23], $0x10, s26, s23, $0xb8;
	[tilespmem:$0x1DDB0] =	vst v63  }
0x4a: {  	s10 =	simm.s32 $0xD3A0  }
0x4b: {  	[tilespmem:s10], [sflag:$0x1] =	stream.indirect.gather [hbm4b:s5+s23], $0x10, s29, s23, $0xb8;
	[tilespmem:$0x1DDB0] =	vst v63  }
0x4c: {  	s10 =	simm.s32 $0xDB70  }
0x4d: {  	[tilespmem:s10], [sflag:$0x1] =	stream.indirect.gather [hbm4b:s5+s23], $0x10, s31, s23, $0xb8;
	[tilespmem:$0x1DDB0] =	vst v63  }
0x4e: {  	s10 =	simm.s32 $0xE340  }
0x4f: {  	[tilespmem:s10], [sflag:$0x1] =	stream.indirect.gather [hbm4b:s5+s23], $0x10, s7, s23, $0xb8;
	[tilespmem:$0x1DDB0] =	vst v63  }
0x50: {  	s10 =	simm.s32 $0xEB10  }
0x51: {  	[tilespmem:s10], [sflag:$0x1] =	stream.indirect.gather [hbm4b:s5+s23], $0x10, s19, s23, $0xb8;
	[tilespmem:$0x1DDB0] =	vst v63  }
0x52: {  	s10 =	simm.s32 $0xF2E0  }
0x53: {  	[tilespmem:s10], [sflag:$0x1] =	stream.indirect.gather [hbm4b:s5+s23], $0x10, s24, s23, $0xb8;
	[tilespmem:$0x1DDB0] =	vst v63  }
0x54: {  	s10 =	simm.s32 $0xFAB0  }
0x55: {  	[tilespmem:s10], [sflag:$0x1] =	stream.indirect.gather [hbm4b:s5+s23], $0x10, s4, s23, $0xb8;
	[tilespmem:$0x1DDB0] =	vst v63  }
0x56: {  	s10 =	simm.s32 $0x10280  }
0x57: {  	[tilespmem:s10], [sflag:$0x1] =	stream.indirect.gather [hbm4b:s5+s23], $0x10, s15, s23, $0xb8;
	[tilespmem:$0x1DDB0] =	vst v63  }
0x58: {  	s10 =	simm.s32 $0x10A50  }
0x59: {  	[tilespmem:s10], [sflag:$0x1] =	stream.indirect.gather [hbm4b:s5+s23], $0x10, s28, s23, $0xb8;
	[tilespmem:$0x1DDB0] =	vst v63  }
0x5a: {  	s10 =	simm.s32 $0x11220  }
0x5b: {  	[tilespmem:s10], [sflag:$0x1] =	stream.indirect.gather [hbm4b:s5+s23], $0x10, s0, s23, $0xb8;
	[tilespmem:$0x1DDB0] =	vst v63  }
0x5c: {  	s10 =	simm.s32 $0x119F0  }
0x5d: {  	[tilespmem:s10], [sflag:$0x1] =	stream.indirect.gather [hbm4b:s5+s23], $0x10, s14, s23, $0xb8;
	[tilespmem:$0x1DDB0] =	vst v63  }
0x5e: {  	s10 =	simm.s32 $0x121C0  }
0x5f: {  	[tilespmem:s10], [sflag:$0x1] =	stream.indirect.gather [hbm4b:s5+s23], $0x10, s12, s23, $0xb8;
	[tilespmem:$0x1DDB0] =	vst v63  }
0x60: {  	s10 =	simm.s32 $0x12990  }
0x61: {  	[tilespmem:s10], [sflag:$0x1] =	stream.indirect.gather [hbm4b:s5+s23], $0x10, s30, s23, $0xb8;
	[tilespmem:$0x1DDB0] =	vst v63  }
0x62: {  	s10 =	simm.s32 $0x13160  }
0x63: {  	[tilespmem:s10], [sflag:$0x1] =	stream.indirect.gather [hbm4b:s5+s23], $0x10, s2, s23, $0xb8;
	[tilespmem:$0x1DDB0] =	vst v63  }
0x64: {  	s10 =	simm.s32 $0x13930  }
0x65: {  	[tilespmem:s10], [sflag:$0x1] =	stream.indirect.gather [hbm4b:s5+s23], $0x10, s1, s23, $0xb8;
	[tilespmem:$0x1DDB0] =	vst v63  }
0x66: {  	_ =	swait.ge [sflag:s22], $0x7D0  }
0x67: {  	[sflag:s22] =	ssyncset.done $0x0  }
0x68: {  	[sflag:s22] =	ssyncadd.s32 $0xFFFFF830  }
0x69: {  	_ =	swait.ge [sflag:s22], $0x7D0  }
0x6a: {  	[sflag:s22] =	ssyncset.done $0x0  }
0x6b: {  	[sflag:s22] =	ssyncadd.s32 $0xFFFFF830  }
0x6c: {  	_ =	swait.ge [sflag:s22], $0x7D0  }
0x6d: {  	[sflag:s22] =	ssyncset.done $0x0  }
0x6e: {  	[sflag:s22] =	ssyncadd.s32 $0xFFFFF830  }
0x6f: {  	_ =	swait.ge [sflag:s22], $0x7D0  }
0x70: {  	[sflag:s22] =	ssyncset.done $0x0  }
0x71: {  	[sflag:s22] =	ssyncadd.s32 $0xFFFFF830  }
0x72: {  	_ =	swait.ge [sflag:s22], $0x7D0  }
0x73: {  	[sflag:s22] =	ssyncset.done $0x0  }
0x74: {  	[sflag:s22] =	ssyncadd.s32 $0xFFFFF830  }
0x75: {  	_ =	swait.ge [sflag:s22], $0x7D0  }
0x76: {  	[sflag:s22] =	ssyncset.done $0x0  }
0x77: {  	[sflag:s22] =	ssyncadd.s32 $0xFFFFF830  }
0x78: {  	_ =	swait.ge [sflag:s22], $0x7D0  }
0x79: {  	[sflag:s22] =	ssyncset.done $0x0  }
0x7a: {  	[sflag:s22] =	ssyncadd.s32 $0xFFFFF830  }
0x7b: {  	_ =	swait.ge [sflag:s22], $0x7D0  }
0x7c: {  	[sflag:s22] =	ssyncset.done $0x0  }
0x7d: {  	[sflag:s22] =	ssyncadd.s32 $0xFFFFF830  }
0x7e: {  	_ =	swait.ge [sflag:s22], $0x7D0  }
0x7f: {  	[sflag:s22] =	ssyncset.done $0x0  }
0x80: {  	[sflag:s22] =	ssyncadd.s32 $0xFFFFF830  }
0x81: {  	_ =	swait.ge [sflag:s22], $0x7D0  }
0x82: {  	[sflag:s22] =	ssyncset.done $0x0  }
0x83: {  	[sflag:s22] =	ssyncadd.s32 $0xFFFFF830  }
0x84: {  	_ =	swait.ge [sflag:s22], $0x7D0  }
0x85: {  	[sflag:s22] =	ssyncset.done $0x0  }
0x86: {  	[sflag:s22] =	ssyncadd.s32 $0xFFFFF830  }
0x87: {  	_ =	swait.ge [sflag:s22], $0x7D0  }
0x88: {  	[sflag:s22] =	ssyncset.done $0x0  }
0x89: {  	[sflag:s22] =	ssyncadd.s32 $0xFFFFF830  }
0x8a: {  	_ =	swait.ge [sflag:s22], $0x7D0  }
0x8b: {  	[sflag:s22] =	ssyncset.done $0x0  }
0x8c: {  	[sflag:s22] =	ssyncadd.s32 $0xFFFFF830  }
0x8d: {  	_ =	swait.ge [sflag:s22], $0x7D0  }
0x8e: {  	[sflag:s22] =	ssyncset.done $0x0  }
0x8f: {  	[sflag:s22] =	ssyncadd.s32 $0xFFFFF830  }
0x90: {  	_ =	swait.ge [sflag:s22], $0x7D0  }
0x91: {  	[sflag:s22] =	ssyncset.done $0x0  }
0x92: {  	[sflag:s22] =	ssyncadd.s32 $0xFFFFF830  }
0x93: {  	_ =	swait.ge [sflag:s22], $0x7D0  }
0x94: {  	[sflag:s22] =	ssyncset.done $0x0  }
0x95: {  	[sflag:s22] =	ssyncadd.s32 $0xFFFFF830  }
0x96: {  	v8 =	vld [tilespmem:s6+$0x0]  }
0x97: {  	v9 =	vor.u32 s9, v0;
	v10 =	vld [tilespmem:s8+$0x0]  }
0x98: {  	v11 =	vshll.u32 v9, $0x4  }
0x99: {  	v12 =	vor.u32 $0x5, v11;
	_ =	sdelay $0x1  }
0x9a: {  	v13 =	vor.u32 $0xA, v11  }
0x9b: {  	v14 =	vmul.f32 v8, v2;
	v15 =	vmul.f32 v10, v3;
	_ =	sdelay $0x1  }
0x9c: {  	v12 =	vld.idx.msk [tilespmem:v12+s25+$0x0], $0xffff;
	v16 =	vmul.f32 v8, v5;
	v17 =	vmul.f32 v10, v6;
	v14 =	vadd.f32 v15, v14  }
0x9d: {  	v45 =	vld.idx.msk [tilespmem:v11+s25+$0x0], $0xffff  }
0x9e: {  	v13 =	vld.idx.msk [tilespmem:v13+s25+$0x0], $0xffff;
	v16 =	vadd.f32 v17, v16;
	v14 =	vadd.f32 v14, v4;
	_ =	sdelay $0x1  }
0x9f: {  	v16 =	vadd.f32 v16, v7;
	v14 =	vmax.f32 v14, $0.0e+00  }
0xa0: {  	v12 =	vmul.f32 v14, v12  }
0xa1: {  	v9 =	vshll.u32 v9, $0x3;
	v16 =	vmax.f32 v16, $0.0e+00  }
0xa2: {  	v46 =	vor.u32 $0x6, v11;
	v13 =	vmul.f32 v16, v13;
	v12 =	vadd.f32 v12, v45  }
0xa3: {  	v47 =	vor.u32 $0xB, v11  }
0xa4: {  	v48 =	vor.u32 $0x1, v11;
	v12 =	vadd.f32 v12, v13;
	_ =	sdelay $0x1  }
0xa5: {  	[tilespmem:v9+s17+$0x0] =	vst.idx.msk $0xffff, v12  }
0xa6: {  	v12 =	vld.idx.msk [tilespmem:v46+s25+$0x0], $0xffff  }
0xa7: {  	v49 =	vld.idx.msk [tilespmem:v47+s25+$0x0], $0xffff  }
0xa8: {  	v13 =	vld.idx.msk [tilespmem:v48+s25+$0x0], $0xffff;
	_ =	sdelay $0x2  }
0xa9: {  	v12 =	vmul.f32 v12, v14  }
0xaa: {  	v50 =	vor.u32 $0x1, v9  }
0xab: {  	v51 =	vor.u32 $0x7, v11;
	v15 =	vmul.f32 v49, v16;
	v12 =	vadd.f32 v12, v13  }
0xac: {  	v18 =	vor.u32 $0xC, v11  }
0xad: {  	v52 =	vor.u32 $0x2, v11;
	v12 =	vadd.f32 v15, v12;
	_ =	sdelay $0x1  }
0xae: {  	[tilespmem:v50+s17+$0x0] =	vst.idx.msk $0xffff, v12  }
0xaf: {  	v12 =	vld.idx.msk [tilespmem:v51+s25+$0x0], $0xffff  }
0xb0: {  	v53 =	vld.idx.msk [tilespmem:v18+s25+$0x0], $0xffff  }
0xb1: {  	v15 =	vld.idx.msk [tilespmem:v52+s25+$0x0], $0xffff;
	_ =	sdelay $0x2  }
0xb2: {  	v12 =	vmul.f32 v12, v14  }
0xb3: {  	v54 =	vor.u32 $0x2, v9  }
0xb4: {  	v55 =	vor.u32 $0x8, v11;
	v13 =	vmul.f32 v53, v16;
	v12 =	vadd.f32 v12, v15  }
0xb5: {  	v56 =	vor.u32 $0xD, v11  }
0xb6: {  	v57 =	vor.u32 $0x3, v11;
	v12 =	vadd.f32 v13, v12;
	_ =	sdelay $0x1  }
0xb7: {  	[tilespmem:v54+s17+$0x0] =	vst.idx.msk $0xffff, v12  }
0xb8: {  	v12 =	vld.idx.msk [tilespmem:v55+s25+$0x0], $0xffff  }
0xb9: {  	v15 =	vld.idx.msk [tilespmem:v56+s25+$0x0], $0xffff  }
0xba: {  	v13 =	vld.idx.msk [tilespmem:v57+s25+$0x0], $0xffff;
	_ =	sdelay $0x2  }
0xbb: {  	v12 =	vmul.f32 v12, v14  }
0xbc: {  	v58 =	vor.u32 $0x3, v9  }
0xbd: {  	v59 =	vor.u32 $0x9, v11;
	v15 =	vmul.f32 v15, v16;
	v12 =	vadd.f32 v12, v13  }
0xbe: {  	v60 =	vor.u32 $0xE, v11  }
0xbf: {  	v11 =	vor.u32 $0x4, v11;
	v12 =	vadd.f32 v15, v12;
	_ =	sdelay $0x1  }
0xc0: {  	[tilespmem:v58+s17+$0x0] =	vst.idx.msk $0xffff, v12  }
0xc1: {  	v12 =	vld.idx.msk [tilespmem:v59+s25+$0x0], $0xffff  }
0xc2: {  	v61 =	vld.idx.msk [tilespmem:v60+s25+$0x0], $0xffff  }
0xc3: {  	v11 =	vld.idx.msk [tilespmem:v11+s25+$0x0], $0xffff;
	_ =	sdelay $0x2  }
0xc4: {  	v12 =	vmul.f32 v12, v14  }
0xc5: {  	v62 =	vor.u32 $0x4, v9  }
0xc6: {  	v63 =	vor.u32 $0x5, v9;
	v13 =	vmul.f32 v61, v16;
	v11 =	vadd.f32 v12, v11  }
0xc7: {  	vm1 =	vlt.f32 v8, $5.000000070e-02;
	v8 =	vor.u32 $0x6, v9  }
0xc8: {  	v11 =	vadd.f32 v13, v11  }
0xc9: {  	vm0 =	veq.f32 v10, $1.000000000e+00  }
0xca: {  	v10 =	vsel vm0, $0x3F800000, v1;
	[tilespmem:v62+s17+$0x0] =	vst.idx.msk $0xffff, v11  }
0xcb: {  	s9 =	simm.s32 $0x10;
	v9 =	vsel vm1, $0x3F800000, v1;
	[tilespmem:v63+s18+$0x0] =	vst.idx.msk $0xffff, v10  }
.LBB2_3:
0xcc: {  	p0 =	sne.s32 s9, $0x7C0;
	[tilespmem:v8+s18+$0x0] =	vst.idx.msk $0xffff, v9;
	s6 =	sadd.s32 $0x10, s6;
	s8 =	sadd.s32 $0x10, s8  }
0xcd: {  	v9 =	vor.u32 s9, v0;
	s9 =	sadd.s32 $0x10, s9;
	v8 =	vld [tilespmem:s6+$0x0]  }
0xce: {  	v11 =	vshll.u32 v9, $0x4;
	v10 =	vld [tilespmem:s8+$0x0]  }
0xcf: {  	v12 =	vor.u32 $0x5, v11;
	v13 =	vor.u32 $0xA, v11;
	_ =	sdelay $0x2  }
0xd0: {  	v14 =	vmul.f32 v8, v2;
	v15 =	vmul.f32 v8, v5;
	vm0 =	vlt.f32 v8, $5.000000070e-02  }
0xd1: {  	v8 =	vmul.f32 v10, v3;
	v16 =	vmul.f32 v10, v6;
	vm1 =	veq.f32 v10, $1.000000000e+00  }
0xd2: {  	v10 =	vld.idx.msk [tilespmem:v12+s25+$0x0], $0xffff  }
0xd3: {  	v8 =	vadd.f32 v8, v14;
	v12 =	vadd.f32 v16, v15;
	v14 =	vld.idx.msk [tilespmem:v11+s25+$0x0], $0xffff  }
0xd4: {  	v13 =	vld.idx.msk [tilespmem:v13+s25+$0x0], $0xffff  }
0xd5: {  	v8 =	vadd.f32 v8, v4;
	v12 =	vadd.f32 v12, v7;
	_ =	sdelay $0x1  }
0xd6: {  	v8 =	vmax.f32 v8, $0.0e+00;
	v12 =	vmax.f32 v12, $0.0e+00  }
0xd7: {  	v10 =	vmul.f32 v8, v10  }
0xd8: {  	v9 =	vshll.u32 v9, $0x3  }
0xd9: {  	v13 =	vmul.f32 v12, v13;
	v10 =	vadd.f32 v10, v14;
	v14 =	vor.u32 $0x6, v11  }
0xda: {  	v15 =	vor.u32 $0xB, v11  }
0xdb: {  	v10 =	vadd.f32 v10, v13;
	v13 =	vor.u32 $0x1, v11;
	_ =	sdelay $0x1  }
0xdc: {  	[tilespmem:v9+s17+$0x0] =	vst.idx.msk $0xffff, v10  }
0xdd: {  	v10 =	vld.idx.msk [tilespmem:v14+s25+$0x0], $0xffff  }
0xde: {  	v14 =	vld.idx.msk [tilespmem:v15+s25+$0x0], $0xffff  }
0xdf: {  	v13 =	vld.idx.msk [tilespmem:v13+s25+$0x0], $0xffff;
	_ =	sdelay $0x3  }
0xe0: {  	v10 =	vmul.f32 v10, v8  }
0xe1: {  	v15 =	vor.u32 $0x1, v9;
	v14 =	vmul.f32 v14, v12  }
0xe2: {  	v10 =	vadd.f32 v10, v13;
	v13 =	vor.u32 $0x7, v11  }
0xe3: {  	v16 =	vor.u32 $0xC, v11  }
0xe4: {  	v10 =	vadd.f32 v14, v10;
	v14 =	vor.u32 $0x2, v11;
	_ =	sdelay $0x1  }
0xe5: {  	[tilespmem:v15+s17+$0x0] =	vst.idx.msk $0xffff, v10  }
0xe6: {  	v10 =	vld.idx.msk [tilespmem:v13+s25+$0x0], $0xffff  }
0xe7: {  	v13 =	vld.idx.msk [tilespmem:v16+s25+$0x0], $0xffff  }
0xe8: {  	v14 =	vld.idx.msk [tilespmem:v14+s25+$0x0], $0xffff;
	_ =	sdelay $0x3  }
0xe9: {  	v10 =	vmul.f32 v10, v8  }
0xea: {  	v15 =	vor.u32 $0x2, v9;
	v13 =	vmul.f32 v13, v12  }
0xeb: {  	v16 =	vor.u32 $0x8, v11;
	v10 =	vadd.f32 v10, v14  }
0xec: {  	v14 =	vor.u32 $0xD, v11  }
0xed: {  	v10 =	vadd.f32 v13, v10;
	v13 =	vor.u32 $0x3, v11;
	_ =	sdelay $0x1  }
0xee: {  	[tilespmem:v15+s17+$0x0] =	vst.idx.msk $0xffff, v10  }
0xef: {  	v10 =	vld.idx.msk [tilespmem:v16+s25+$0x0], $0xffff  }
0xf0: {  	v14 =	vld.idx.msk [tilespmem:v14+s25+$0x0], $0xffff  }
0xf1: {  	v13 =	vld.idx.msk [tilespmem:v13+s25+$0x0], $0xffff;
	_ =	sdelay $0x3  }
0xf2: {  	v10 =	vmul.f32 v10, v8  }
0xf3: {  	v15 =	vor.u32 $0x3, v9;
	v14 =	vmul.f32 v14, v12  }
0xf4: {  	v10 =	vadd.f32 v10, v13;
	v13 =	vor.u32 $0x9, v11  }
0xf5: {  	v16 =	vor.u32 $0xE, v11  }
0xf6: {  	v11 =	vor.u32 $0x4, v11;
	v10 =	vadd.f32 v14, v10;
	_ =	sdelay $0x1  }
0xf7: {  	[tilespmem:v15+s17+$0x0] =	vst.idx.msk $0xffff, v10  }
0xf8: {  	v10 =	vld.idx.msk [tilespmem:v13+s25+$0x0], $0xffff  }
0xf9: {  	v13 =	vld.idx.msk [tilespmem:v16+s25+$0x0], $0xffff  }
0xfa: {  	v11 =	vld.idx.msk [tilespmem:v11+s25+$0x0], $0xffff;
	_ =	sdelay $0x3  }
0xfb: {  	v8 =	vmul.f32 v10, v8  }
0xfc: {  	v10 =	vmul.f32 v13, v12;
	v12 =	vor.u32 $0x4, v9  }
0xfd: {  	v13 =	vor.u32 $0x5, v9;
	v11 =	vadd.f32 v8, v11  }
.Ltmp0:
0xfe: {  	v8 =	vor.u32 $0x6, v9;
	(pc) =	sbr.rel @p0 .LBB2_3-.Ltmp0, $3  }
0xff: {  	v9 =	vadd.f32 v10, v11;
	_ =	sdelay $0x1  }
0x100: {  	v10 =	vsel vm1, $0x3F800000, v1;
	[tilespmem:v12+s17+$0x0] =	vst.idx.msk $0xffff, v9  }
0x101: {  	v9 =	vsel vm0, $0x3F800000, v1;
	[tilespmem:v13+s18+$0x0] =	vst.idx.msk $0xffff, v10  }
0x102: {  	_ =	sdelay $0x3  }
0x103: {  	[tilespmem:v8+s18+$0x0] =	vst.idx.msk $0xffff, v9  }
0x104: {  	[spmem:s3] =	stream.indirect.scatter.add.f32 [tilespmem:s17], [sflag:$0x1], $0x8, s21, s23, $0xb8;
	[tilespmem:$0x1DDB0] =	vst v63  }
0x105: {  	_ = 	snop  }
0x106: {  	[spmem:s3] =	stream.indirect.scatter.add.f32 [tilespmem:s18], [sflag:$0x1], $0x8, s20, s23, $0xb8;
	[tilespmem:$0x1DDB0] =	vst v63  }
0x107: {  	s6 =	simm.s32 $0x1C680;
	s8 =	simm.s32 $0x144E8  }
0x108: {  	[spmem:s3] =	stream.indirect.scatter.add.f32 [tilespmem:s8], [sflag:$0x1], $0x8, s6, s23, $0xb8;
	[tilespmem:$0x1DDB0] =	vst v63  }
0x109: {  	s10 =	simm.s32 $0x18368  }
0x10a: {  	[spmem:s3] =	stream.indirect.scatter.add.f32 [tilespmem:s10], [sflag:$0x1], $0x8, s26, s23, $0xb8;
	[tilespmem:$0x1DDB0] =	vst v63  }
0x10b: {  	s9 =	simm.s32 $0x148D0;
	s8 =	simm.s32 $0x1C700  }
0x10c: {  	[spmem:s3] =	stream.indirect.scatter.add.f32 [tilespmem:s9], [sflag:$0x1], $0x8, s8, s23, $0xb8;
	[tilespmem:$0x1DDB0] =	vst v63  }
0x10d: {  	s10 =	simm.s32 $0x18750  }
0x10e: {  	[spmem:s3] =	stream.indirect.scatter.add.f32 [tilespmem:s10], [sflag:$0x1], $0x8, s29, s23, $0xb8;
	[tilespmem:$0x1DDB0] =	vst v63  }
0x10f: {  	s8 =	simm.s32 $0x1C780;
	s9 =	simm.s32 $0x14CB8  }
0x110: {  	[spmem:s3] =	stream.indirect.scatter.add.f32 [tilespmem:s9], [sflag:$0x1], $0x8, s8, s23, $0xb8;
	[tilespmem:$0x1DDB0] =	vst v63  }
0x111: {  	s10 =	simm.s32 $0x18B38  }
0x112: {  	[spmem:s3] =	stream.indirect.scatter.add.f32 [tilespmem:s10], [sflag:$0x1], $0x8, s31, s23, $0xb8;
	[tilespmem:$0x1DDB0] =	vst v63  }
0x113: {  	s8 =	simm.s32 $0x1C800;
	s9 =	simm.s32 $0x150A0  }
0x114: {  	[spmem:s3] =	stream.indirect.scatter.add.f32 [tilespmem:s9], [sflag:$0x1], $0x8, s8, s23, $0xb8;
	[tilespmem:$0x1DDB0] =	vst v63  }
0x115: {  	s10 =	simm.s32 $0x18F20  }
0x116: {  	[spmem:s3] =	stream.indirect.scatter.add.f32 [tilespmem:s10], [sflag:$0x1], $0x8, s7, s23, $0xb8;
	[tilespmem:$0x1DDB0] =	vst v63  }
0x117: {  	s8 =	simm.s32 $0x1C880;
	s9 =	simm.s32 $0x15488  }
0x118: {  	[spmem:s3] =	stream.indirect.scatter.add.f32 [tilespmem:s9], [sflag:$0x1], $0x8, s8, s23, $0xb8;
	[tilespmem:$0x1DDB0] =	vst v63  }
0x119: {  	s10 =	simm.s32 $0x19308  }
0x11a: {  	[spmem:s3] =	stream.indirect.scatter.add.f32 [tilespmem:s10], [sflag:$0x1], $0x8, s19, s23, $0xb8;
	[tilespmem:$0x1DDB0] =	vst v63  }
0x11b: {  	s8 =	simm.s32 $0x1C900;
	s9 =	simm.s32 $0x15870  }
0x11c: {  	[spmem:s3] =	stream.indirect.scatter.add.f32 [tilespmem:s9], [sflag:$0x1], $0x8, s8, s23, $0xb8;
	[tilespmem:$0x1DDB0] =	vst v63  }
0x11d: {  	s10 =	simm.s32 $0x196F0  }
0x11e: {  	[spmem:s3] =	stream.indirect.scatter.add.f32 [tilespmem:s10], [sflag:$0x1], $0x8, s24, s23, $0xb8;
	[tilespmem:$0x1DDB0] =	vst v63  }
0x11f: {  	s8 =	simm.s32 $0x1C980;
	s9 =	simm.s32 $0x15C58  }
0x120: {  	[spmem:s3] =	stream.indirect.scatter.add.f32 [tilespmem:s9], [sflag:$0x1], $0x8, s8, s23, $0xb8;
	[tilespmem:$0x1DDB0] =	vst v63  }
0x121: {  	s10 =	simm.s32 $0x19AD8  }
0x122: {  	[spmem:s3] =	stream.indirect.scatter.add.f32 [tilespmem:s10], [sflag:$0x1], $0x8, s4, s23, $0xb8;
	[tilespmem:$0x1DDB0] =	vst v63  }
0x123: {  	s8 =	simm.s32 $0x1CA00;
	s9 =	simm.s32 $0x16040  }
0x124: {  	[spmem:s3] =	stream.indirect.scatter.add.f32 [tilespmem:s9], [sflag:$0x1], $0x8, s8, s23, $0xb8;
	[tilespmem:$0x1DDB0] =	vst v63  }
0x125: {  	s10 =	simm.s32 $0x19EC0  }
0x126: {  	[spmem:s3] =	stream.indirect.scatter.add.f32 [tilespmem:s10], [sflag:$0x1], $0x8, s15, s23, $0xb8;
	[tilespmem:$0x1DDB0] =	vst v63  }
0x127: {  	s8 =	simm.s32 $0x1CA80;
	s9 =	simm.s32 $0x16428  }
0x128: {  	[spmem:s3] =	stream.indirect.scatter.add.f32 [tilespmem:s9], [sflag:$0x1], $0x8, s8, s23, $0xb8;
	[tilespmem:$0x1DDB0] =	vst v63  }
0x129: {  	s10 =	simm.s32 $0x1A2A8  }
0x12a: {  	[spmem:s3] =	stream.indirect.scatter.add.f32 [tilespmem:s10], [sflag:$0x1], $0x8, s28, s23, $0xb8;
	[tilespmem:$0x1DDB0] =	vst v63  }
0x12b: {  	s8 =	simm.s32 $0x1CB00;
	s9 =	simm.s32 $0x16810  }
0x12c: {  	[spmem:s3] =	stream.indirect.scatter.add.f32 [tilespmem:s9], [sflag:$0x1], $0x8, s8, s23, $0xb8;
	[tilespmem:$0x1DDB0] =	vst v63  }
0x12d: {  	s10 =	simm.s32 $0x1A690  }
0x12e: {  	[spmem:s3] =	stream.indirect.scatter.add.f32 [tilespmem:s10], [sflag:$0x1], $0x8, s0, s23, $0xb8;
	[tilespmem:$0x1DDB0] =	vst v63  }
0x12f: {  	s8 =	simm.s32 $0x1CB80;
	s9 =	simm.s32 $0x16BF8  }
0x130: {  	[spmem:s3] =	stream.indirect.scatter.add.f32 [tilespmem:s9], [sflag:$0x1], $0x8, s8, s23, $0xb8;
	[tilespmem:$0x1DDB0] =	vst v63  }
0x131: {  	s10 =	simm.s32 $0x1AA78  }
0x132: {  	[spmem:s3] =	stream.indirect.scatter.add.f32 [tilespmem:s10], [sflag:$0x1], $0x8, s14, s23, $0xb8;
	[tilespmem:$0x1DDB0] =	vst v63  }
0x133: {  	s8 =	simm.s32 $0x1CC00;
	s9 =	simm.s32 $0x16FE0  }
0x134: {  	[spmem:s3] =	stream.indirect.scatter.add.f32 [tilespmem:s9], [sflag:$0x1], $0x8, s8, s23, $0xb8;
	[tilespmem:$0x1DDB0] =	vst v63  }
0x135: {  	s10 =	simm.s32 $0x1AE60  }
0x136: {  	[spmem:s3] =	stream.indirect.scatter.add.f32 [tilespmem:s10], [sflag:$0x1], $0x8, s12, s23, $0xb8;
	[tilespmem:$0x1DDB0] =	vst v63  }
0x137: {  	s8 =	simm.s32 $0x1CC80;
	s9 =	simm.s32 $0x173C8  }
0x138: {  	[spmem:s3] =	stream.indirect.scatter.add.f32 [tilespmem:s9], [sflag:$0x1], $0x8, s8, s23, $0xb8;
	[tilespmem:$0x1DDB0] =	vst v63  }
0x139: {  	s10 =	simm.s32 $0x1B248  }
0x13a: {  	[spmem:s3] =	stream.indirect.scatter.add.f32 [tilespmem:s10], [sflag:$0x1], $0x8, s30, s23, $0xb8;
	[tilespmem:$0x1DDB0] =	vst v63  }
0x13b: {  	s8 =	simm.s32 $0x1CD00;
	s9 =	simm.s32 $0x177B0  }
0x13c: {  	[spmem:s3] =	stream.indirect.scatter.add.f32 [tilespmem:s9], [sflag:$0x1], $0x8, s8, s23, $0xb8;
	[tilespmem:$0x1DDB0] =	vst v63  }
0x13d: {  	s10 =	simm.s32 $0x1B630  }
0x13e: {  	[spmem:s3] =	stream.indirect.scatter.add.f32 [tilespmem:s10], [sflag:$0x1], $0x8, s2, s23, $0xb8;
	[tilespmem:$0x1DDB0] =	vst v63  }
0x13f: {  	s8 =	simm.s32 $0x1CD80;
	s9 =	simm.s32 $0x17B98  }
0x140: {  	[spmem:s3] =	stream.indirect.scatter.add.f32 [tilespmem:s9], [sflag:$0x1], $0x8, s8, s23, $0xb8;
	[tilespmem:$0x1DDB0] =	vst v63  }
0x141: {  	s10 =	simm.s32 $0x1BA18  }
0x142: {  	[spmem:s3] =	stream.indirect.scatter.add.f32 [tilespmem:s10], [sflag:$0x1], $0x8, s1, s23, $0xb8;
	[tilespmem:$0x1DDB0] =	vst v63  }
0x143: {  	_ =	swait.ge [sflag:s22], $0x3E8  }
0x144: {  	[sflag:s22] =	ssyncset.done $0x0  }
0x145: {  	[sflag:s22] =	ssyncadd.s32 $0xFFFFFC18  }
0x146: {  	_ =	swait.ge [sflag:s22], $0x3E8  }
0x147: {  	[sflag:s22] =	ssyncset.done $0x0  }
0x148: {  	[sflag:s22] =	ssyncadd.s32 $0xFFFFFC18  }
0x149: {  	_ =	swait.ge [sflag:s22], $0x3E8  }
0x14a: {  	[sflag:s22] =	ssyncset.done $0x0  }
0x14b: {  	[sflag:s22] =	ssyncadd.s32 $0xFFFFFC18  }
0x14c: {  	_ =	swait.ge [sflag:s22], $0x3E8  }
0x14d: {  	[sflag:s22] =	ssyncset.done $0x0  }
0x14e: {  	[sflag:s22] =	ssyncadd.s32 $0xFFFFFC18  }
0x14f: {  	_ =	swait.ge [sflag:s22], $0x3E8  }
0x150: {  	[sflag:s22] =	ssyncset.done $0x0  }
0x151: {  	[sflag:s22] =	ssyncadd.s32 $0xFFFFFC18  }
0x152: {  	_ =	swait.ge [sflag:s22], $0x3E8  }
0x153: {  	[sflag:s22] =	ssyncset.done $0x0  }
0x154: {  	[sflag:s22] =	ssyncadd.s32 $0xFFFFFC18  }
0x155: {  	_ =	swait.ge [sflag:s22], $0x3E8  }
0x156: {  	[sflag:s22] =	ssyncset.done $0x0  }
0x157: {  	[sflag:s22] =	ssyncadd.s32 $0xFFFFFC18  }
0x158: {  	_ =	swait.ge [sflag:s22], $0x3E8  }
0x159: {  	[sflag:s22] =	ssyncset.done $0x0  }
0x15a: {  	[sflag:s22] =	ssyncadd.s32 $0xFFFFFC18  }
0x15b: {  	_ =	swait.ge [sflag:s22], $0x3E8  }
0x15c: {  	[sflag:s22] =	ssyncset.done $0x0  }
0x15d: {  	[sflag:s22] =	ssyncadd.s32 $0xFFFFFC18  }
0x15e: {  	_ =	swait.ge [sflag:s22], $0x3E8  }
0x15f: {  	[sflag:s22] =	ssyncset.done $0x0  }
0x160: {  	[sflag:s22] =	ssyncadd.s32 $0xFFFFFC18  }
0x161: {  	_ =	swait.ge [sflag:s22], $0x3E8  }
0x162: {  	[sflag:s22] =	ssyncset.done $0x0  }
0x163: {  	[sflag:s22] =	ssyncadd.s32 $0xFFFFFC18  }
0x164: {  	_ =	swait.ge [sflag:s22], $0x3E8  }
0x165: {  	[sflag:s22] =	ssyncset.done $0x0  }
0x166: {  	[sflag:s22] =	ssyncadd.s32 $0xFFFFFC18  }
0x167: {  	_ =	swait.ge [sflag:s22], $0x3E8  }
0x168: {  	[sflag:s22] =	ssyncset.done $0x0  }
0x169: {  	[sflag:s22] =	ssyncadd.s32 $0xFFFFFC18  }
0x16a: {  	_ =	swait.ge [sflag:s22], $0x3E8  }
0x16b: {  	[sflag:s22] =	ssyncset.done $0x0  }
0x16c: {  	[sflag:s22] =	ssyncadd.s32 $0xFFFFFC18  }
0x16d: {  	_ =	swait.ge [sflag:s22], $0x3E8  }
0x16e: {  	[sflag:s22] =	ssyncset.done $0x0  }
0x16f: {  	[sflag:s22] =	ssyncadd.s32 $0xFFFFFC18  }
0x170: {  	_ =	swait.ge [sflag:s22], $0x3E8  }
0x171: {  	[sflag:s22] =	ssyncset.done $0x0  }
0x172: {  	[sflag:s22] =	ssyncadd.s32 $0xFFFFFC18  }
0x173: {  	_ =	swait.ge [sflag:s22], $0x3E8  }
0x174: {  	[sflag:s22] =	ssyncset.done $0x0  }
0x175: {  	[sflag:s22] =	ssyncadd.s32 $0xFFFFFC18  }
0x176: {  	_ =	swait.ge [sflag:s22], $0x3E8  }
0x177: {  	[sflag:s22] =	ssyncset.done $0x0  }
0x178: {  	[sflag:s22] =	ssyncadd.s32 $0xFFFFFC18  }
0x179: {  	_ =	swait.ge [sflag:s22], $0x3E8  }
0x17a: {  	[sflag:s22] =	ssyncset.done $0x0  }
0x17b: {  	[sflag:s22] =	ssyncadd.s32 $0xFFFFFC18  }
0x17c: {  	_ =	swait.ge [sflag:s22], $0x3E8  }
0x17d: {  	[sflag:s22] =	ssyncset.done $0x0  }
0x17e: {  	[sflag:s22] =	ssyncadd.s32 $0xFFFFFC18  }
0x17f: {  	_ =	swait.ge [sflag:s22], $0x3E8  }
0x180: {  	[sflag:s22] =	ssyncset.done $0x0  }
0x181: {  	[sflag:s22] =	ssyncadd.s32 $0xFFFFFC18  }
0x182: {  	_ =	swait.ge [sflag:s22], $0x3E8  }
0x183: {  	[sflag:s22] =	ssyncset.done $0x0  }
0x184: {  	[sflag:s22] =	ssyncadd.s32 $0xFFFFFC18  }
0x185: {  	_ =	swait.ge [sflag:s22], $0x3E8  }
0x186: {  	[sflag:s22] =	ssyncset.done $0x0  }
0x187: {  	[sflag:s22] =	ssyncadd.s32 $0xFFFFFC18  }
0x188: {  	_ =	swait.ge [sflag:s22], $0x3E8  }
0x189: {  	[sflag:s22] =	ssyncset.done $0x0  }
0x18a: {  	[sflag:s22] =	ssyncadd.s32 $0xFFFFFC18  }
0x18b: {  	_ =	swait.ge [sflag:s22], $0x3E8  }
0x18c: {  	[sflag:s22] =	ssyncset.done $0x0  }
0x18d: {  	[sflag:s22] =	ssyncadd.s32 $0xFFFFFC18  }
0x18e: {  	_ =	swait.ge [sflag:s22], $0x3E8  }
0x18f: {  	[sflag:s22] =	ssyncset.done $0x0  }
0x190: {  	[sflag:s22] =	ssyncadd.s32 $0xFFFFFC18  }
0x191: {  	_ =	swait.ge [sflag:s22], $0x3E8  }
0x192: {  	[sflag:s22] =	ssyncset.done $0x0  }
0x193: {  	[sflag:s22] =	ssyncadd.s32 $0xFFFFFC18  }
0x194: {  	_ =	swait.ge [sflag:s22], $0x3E8  }
0x195: {  	[sflag:s22] =	ssyncset.done $0x0  }
0x196: {  	[sflag:s22] =	ssyncadd.s32 $0xFFFFFC18  }
0x197: {  	_ =	swait.ge [sflag:s22], $0x3E8  }
0x198: {  	[sflag:s22] =	ssyncset.done $0x0  }
0x199: {  	[sflag:s22] =	ssyncadd.s32 $0xFFFFFC18  }
0x19a: {  	_ =	swait.ge [sflag:s22], $0x3E8  }
0x19b: {  	[sflag:s22] =	ssyncset.done $0x0  }
0x19c: {  	s16 =	sadd.s32 $0x1, s16;
	[sflag:s22] =	ssyncadd.s32 $0xFFFFFC18  }
0x19d: {  	p0 =	sne.s32 s16, $0x19;
	_ =	swait.ge [sflag:s22], $0x3E8  }
.Ltmp1:
0x19e: {  	[sflag:s22] =	ssyncset.done $0x0;
	(pc) =	sbr.rel @p0 .LBB2_2-.Ltmp1, $4  }
0x19f: {  	[sflag:s22] =	ssyncadd.s32 $0xFFFFFC18  }
0x1a0: {  	_ =	swait.ge [sflag:s22], $0x3E8  }
0x1a1: {  	[sflag:s22] =	ssyncset.done $0x0  }
0x1a2: {  	[sflag:s22] =	ssyncadd.s32 $0xFFFFFC18  }
0x1a3: {  	[bflag:$0x0] =	sbarrier.arrive $0xFFFF  }
0x1a4: {  	s8 =	rddreg [dreg:$0x9]  }
0x1a5: {  	s9 =	rddreg [dreg:$0xb]  }
0x1a6: {  	s10 =	simm.s32 $0x2;
	s6 =	rddreg [dreg:$0xc]  }
0x1a7: {  	[hbm:s6], [sflag:s8] =	dma.local [spmem:s9], $0x1880  }
0x1a8: {  	_ =	swait.ge [sflag:s10], $0x1880  }
0x1a9: {  	s16 =	rddreg [dreg:$0xd]  }
0x1aa: {  	s6 =	rddreg [dreg:$0xa];
	s16 =	sadd.s32 $0x1, s16  }
0x1ab: {  	p0 =	sne.s32 s16, s6  }
.Ltmp2:
0x1ac: {  	_ = 	snop;
	(pc) =	sbr.rel @p0 .LBB2_1-.Ltmp2, $3  }
0x1ad: {  	_ =	sdelay $0x1  }
0x1ae: {  	[sflag:s10] =	ssyncset.done $0x0  }
0x1af: {  	[sflag:s10] =	ssyncadd.s32 $0xFFFFE780  }
0x1b0: {  	_ =	sfence.sel $0x180000  }
0x1b1: {  	[bflag:$0x0] =	sbarrier.arrive $0xFFFF  }
0x1b2: {  	_ =	strace $0x90000047  }
0x1b3: {  	s0 =	stileid.u32;
	[bflag:$0x2] =	sbarrier.arrive $0xFFFF  }
0x1b4: {  	p0 =	sne.s32 s0, $0x0;
	s0 =	rddreg [dreg:$0x4]  }
0x1b5: {  	s0 =	sadd.s32 @!p0 $0x100000, s0  }
0x1b6: {  	[sflag:s0] =	ssyncadd.tile.s32 @!p0 $0x1;
	_ =	shalt  }
.Lfunc_end2:
_tile_overlayer_lowered:
.L_overlay_start_2:
0x1b7: {  	(tag) =	ssettag $0x2  }
0x1b8: {  	s0 =	rddreg [dreg:$0x0];
	s2 =	stileid.u32  }
0x1b9: {  	s1 =	rddreg [dreg:$0x1];
	p0 =	sne.s32 s2, $0x0  }
0x1ba: {  	s3 =	rddreg [dreg:$0x2];
	[bflag:$0x3] =	sbarrier.arrive $0xFFFF;
	s2 =	simm.s32 @!p0 $0x1C02  }
0x1bb: {  	[timem:s3], [sflag:s2] =	dma.local @!p0 [hbm:s0], s1  }
0x1bc: {  	s0 =	simm.s32 @!p0 $0x2  }
0x1bd: {  	_ =	swait.ge @!p0 [sflag:s0], s1  }
0x1be: {  	s1 =	ssub.s32 @!p0 $0x0, s1;
	[sflag:s0] =	ssyncset.done @!p0 $0x0  }
0x1bf: {  	[sflag:s0] =	ssyncadd.s32 @!p0 s1  }
0x1c0: {  	[bflag:$0x3] =	sbarrier.arrive $0xFFFF  }
0x1c1: {  	_ =	shalt  }

</sc_bundles>
